<compile_context>
chip_gen: v7x
topology: tpu7x:2x2x1
jax: 0.10.2.dev20260603
libtpu: 0.0.44.dev20260713+nightly
codegen_flags: <defaults>
</compile_context>

<pallas_src>
import functools

import jax
import jax.numpy as jnp
from jax import lax
from jax.experimental import pallas as pl
from jax.experimental.pallas import tpu as pltpu
from jax.experimental.pallas import tpu_sc as plsc

N = 10000
E = 160000
D = 256
U = 256
NC = 2
NS = 16
L = 16
NP = 10240
EPAD = 163840
CH = 160
HALF = D // 2

_sc_mesh = plsc.VectorSubcoreMesh(core_axis_name="c", subcore_axis_name="s")


@functools.partial(
    pl.kernel,
    out_type=jax.ShapeDtypeStruct((NC, NP), jnp.float32),
    mesh=_sc_mesh,
    scratch_types=[
        pltpu.VMEM_SHARED((NP,), jnp.float32),
        pltpu.VMEM((EPAD // (NC * NS) // 128, 128), jnp.int32),
        pltpu.VMEM((128,), jnp.float32),
        pltpu.VMEM((NP // NS,), jnp.float32),
    ],
)
def _degree_kernel(dst_hbm, deg_hbm, deg_sh, dstbuf, ones, zbuf):
    c = lax.axis_index("c")
    s = lax.axis_index("s")
    tid = c * NS + s
    ept = EPAD // (NC * NS)
    nch = ept // 128
    zslice = NP // NS

    def fill(i, _):
        zbuf[pl.ds(i * L, L)] = jnp.zeros((L,), jnp.float32)
        return 0

    lax.fori_loop(0, zslice // L, fill, 0)
    for i in range(128 // L):
        ones[pl.ds(i * L, L)] = jnp.ones((L,), jnp.float32)

    pltpu.sync_copy(zbuf, deg_sh.at[pl.ds(s * zslice, zslice)])
    pltpu.sync_copy(dst_hbm.at[pl.ds(tid * nch, nch), :], dstbuf)
    plsc.subcore_barrier()

    def body(g, _):
        pltpu.sync_copy(ones, deg_sh.at[dstbuf.at[g]], add=True)
        return 0

    lax.fori_loop(0, nch, body, 0)
    plsc.subcore_barrier()

    pltpu.sync_copy(deg_sh.at[pl.ds(s * zslice, zslice)],
                    deg_hbm.at[c, pl.ds(s * zslice, zslice)])


def _norm_body(x_ref, deg0_ref, deg1_ref, xs_ref, isd_ref):
    isd = lax.rsqrt(deg0_ref[...] + deg1_ref[...])
    xn = isd * x_ref[...]
    xs_ref[0] = xn[:, :HALF]
    xs_ref[1] = xn[:, HALF:]
    isd_ref[...] = isd


def _norm_call(x, degc0, degc1):
    R = 2000
    grid = (N // R,)
    return pl.pallas_call(
        _norm_body,
        grid=grid,
        in_specs=[
            pl.BlockSpec((R, D), lambda i: (i, 0)),
            pl.BlockSpec((R, 1), lambda i: (i, 0)),
            pl.BlockSpec((R, 1), lambda i: (i, 0)),
        ],
        out_specs=[
            pl.BlockSpec((2, R, HALF), lambda i: (0, i, 0)),
            pl.BlockSpec((R, 1), lambda i: (i, 0)),
        ],
        out_shape=[
            jax.ShapeDtypeStruct((2, N, HALF), jnp.float32),
            jax.ShapeDtypeStruct((N, 1), jnp.float32),
        ],
    )(x, degc0, degc1)


NCHT = EPAD // NS // CH
NB = 2
NI = 4


@functools.partial(
    pl.kernel,
    out_type=jax.ShapeDtypeStruct((NC * NP, HALF), jnp.float32),
    mesh=_sc_mesh,
    scratch_types=[
        pltpu.VMEM_SHARED((NP, HALF), jnp.float32),
        [pltpu.VMEM((1, CH), jnp.int32) for _ in range(NI)],
        [pltpu.VMEM((1, CH), jnp.int32) for _ in range(NI)],
        [pltpu.VMEM((CH, HALF), jnp.float32) for _ in range(NB)],
        [pltpu.SemaphoreType.DMA for _ in range(NB)],
        [pltpu.SemaphoreType.DMA for _ in range(NI)],
        [pltpu.SemaphoreType.DMA for _ in range(NI)],
        [pltpu.SemaphoreType.DMA for _ in range(NB)],
    ],
)
def _pool_kernel(src_hbm, dst_hbm, xs_hbm, out_hbm,
                 pooled_sh, srcb, dstb, rows, gsem, psem, dsem, ssem):
    c = lax.axis_index("c")
    s = lax.axis_index("s")
    zslice = NP // NS
    off = c * N

    def zfill(r, _):
        for j in range(HALF // L):
            rows[0][r, pl.ds(j * L, L)] = jnp.zeros((L,), jnp.float32)
        return 0

    lax.fori_loop(0, CH, zfill, 0)

    def zero(k, _):
        pltpu.sync_copy(rows[0],
                        pooled_sh.at[pl.ds(s * zslice + k * CH, CH), :])
        return 0

    lax.fori_loop(0, zslice // CH, zero, 0)
    plsc.subcore_barrier()

    def start_src(g, i):
        pltpu.async_copy(src_hbm.at[pl.ds(s * NCHT + g, 1), :], srcb[i],
                         psem[i])

    def wait_src(g, i):
        pltpu.make_async_copy(src_hbm.at[pl.ds(s * NCHT + g, 1), :],
                              srcb[i], psem[i]).wait()

    def start_dst(g, i):
        pltpu.async_copy(dst_hbm.at[pl.ds(s * NCHT + g, 1), :], dstb[i],
                         dsem[i])

    def wait_dst(g, i):
        pltpu.make_async_copy(dst_hbm.at[pl.ds(s * NCHT + g, 1), :],
                              dstb[i], dsem[i]).wait()

    def addoff(i):
        for j in range(CH // L):
            v = srcb[i][0, pl.ds(j * L, L)]
            srcb[i][0, pl.ds(j * L, L)] = v + off

    def start_gather(g, b, i):
        pltpu.async_copy(xs_hbm.at[srcb[i].at[0]], rows[b], gsem[b])

    def wait_gather(g, b, i):
        pltpu.make_async_copy(xs_hbm.at[srcb[i].at[0]], rows[b],
                              gsem[b]).wait()

    def start_scatter(g, b, i):
        pltpu.async_copy(rows[b], pooled_sh.at[dstb[i].at[0]], ssem[b],
                         add=True)

    def wait_scatter(g, b, i):
        pltpu.make_async_copy(rows[b], pooled_sh.at[dstb[i].at[0]],
                              ssem[b]).wait()

    for k in range(NI):
        start_src(k, k)
        start_dst(k, k)
    for b in range(NB):
        wait_src(b, b)
        addoff(b)
        start_gather(b, b, b)

    def body(k, _):
        for ii in range(NI):
            g = k * NI + ii
            bb = ii % NB
            wait_gather(g, bb, ii)
            wait_dst(g, ii)
            start_scatter(g, bb, ii)
            gi = g + NI
            gn = g + NB

            @pl.when(gn < NCHT)
            def _():
                wait_scatter(g, bb, ii)
                inew = (ii + NB) % NI

                @pl.when(gi < NCHT)
                def _():
                    start_src(gi, ii)
                    start_dst(gi, ii)

                wait_src(gn, inew)
                addoff(inew)
                start_gather(gn, bb, inew)
        return 0

    lax.fori_loop(0, NCHT // NI, body, 0)
    for bb in range(NB):
        g = NCHT - NB + bb
        wait_scatter(g, bb, g % NI)
    plsc.subcore_barrier()

    pltpu.sync_copy(
        pooled_sh.at[pl.ds(s * zslice, zslice), :],
        out_hbm.at[pl.ds(c * NP + s * zslice, zslice), :],
    )


def _dense_body(p_ref, isd_ref, w_ref, b_ref, o_ref):
    acc = jnp.dot(p_ref[0], w_ref[0], precision=lax.Precision.HIGHEST,
                  preferred_element_type=jnp.float32)
    acc += jnp.dot(p_ref[1], w_ref[1], precision=lax.Precision.HIGHEST,
                   preferred_element_type=jnp.float32)
    o_ref[...] = jnp.maximum(isd_ref[...] * acc + b_ref[...], 0.0)


def _dense_call(pooled3, isd, w3, b2):
    R = 2000
    grid = (N // R,)
    return pl.pallas_call(
        _dense_body,
        grid=grid,
        in_specs=[
            pl.BlockSpec((2, R, HALF), lambda i: (0, i, 0)),
            pl.BlockSpec((R, 1), lambda i: (i, 0)),
            pl.BlockSpec((2, HALF, U), lambda i: (0, 0, 0)),
            pl.BlockSpec((1, U), lambda i: (0, 0)),
        ],
        out_specs=pl.BlockSpec((R, U), lambda i: (i, 0)),
        out_shape=jax.ShapeDtypeStruct((N, U), jnp.float32),
    )(pooled3, isd, w3, b2)


@jax.jit
def kernel(x, edge_index, W, b):
    src = edge_index[0]
    dst = edge_index[1]
    pad = EPAD - E
    src_pad = jnp.concatenate([src, jnp.zeros((pad,), jnp.int32)])
    dst_pad = jnp.concatenate([dst, jnp.full((pad,), NP - 1, jnp.int32)])

    deg = _degree_kernel(dst_pad.reshape(EPAD // 128, 128))
    degc0 = deg[0, :N].reshape(N, 1)
    degc1 = deg[1, :N].reshape(N, 1)
    xs3, isd = _norm_call(x, degc0, degc1)
    pooled = _pool_kernel(src_pad.reshape(EPAD // CH, CH),
                          dst_pad.reshape(EPAD // CH, CH),
                          xs3.reshape(2 * N, HALF))
    pooled3 = pooled.reshape(NC, NP, HALF)
    out = _dense_call(pooled3, isd, W.reshape(2, HALF, U), b.reshape(1, U))
    return out

# --- scband reference (transcript-rebuilt; emitter-appended) ---
"""Pipeline reference for scband-gcnconv-15874199126244 (READ-ONLY COPY).

The authoritative reference and input builder live on the scoring server;
editing this copy changes nothing except your own understanding.
"""

import jax, jax.numpy as jnp
import numpy as np

N_NODES = 10000
N_EDGES = 160000
D_FEAT = 256
UNITS = 256


def setup_inputs(seed: int = 0) -> dict:
    key = jax.random.key(seed)
    k1, k2, k3 = jax.random.split(key, 3)
    x = jax.random.normal(k1, (N_NODES, D_FEAT), dtype=jnp.float32)
    edge_index = jax.random.randint(k2, (2, N_EDGES), 0, N_NODES, dtype=jnp.int32)
    # Dense filter params (kernel + bias) sized per init_kwargs units=256
    W = jax.random.normal(k3, (D_FEAT, UNITS), dtype=jnp.float32) * 0.05
    b = jnp.zeros((UNITS,), dtype=jnp.float32)
    return {"x": x, "edge_index": edge_index, "W": W, "b": b}


def reference(x, edge_index, W, b):
    # GCNConv (Kipf & Welling): normalize=True, add_self_loops=False, activation=relu
    src = edge_index[0]
    dst = edge_index[1]
    n = x.shape[0]
    # in-degree at receiver (TARGET) via scatter-add of ones over edges
    ones = jnp.ones((src.shape[0],), dtype=x.dtype)
    in_degree = jax.ops.segment_sum(ones, dst, num_segments=n)
    invsqrt_deg = jax.lax.rsqrt(in_degree)
    # normalize sender features by D^{-1/2}
    normalized = invsqrt_deg[:, None] * x
    # broadcast node->edges (gather from SOURCE)
    source_bcast = jnp.take(normalized, src, axis=0)
    # pool edges->node (scatter-add at TARGET)
    pooled = jax.ops.segment_sum(source_bcast, dst, num_segments=n)
    pooled = invsqrt_deg[:, None] * pooled
    # dense filter with relu
    out = jax.nn.relu(pooled @ W + b)
    return out

if __name__ == "__main__":
    import jax
    _d = setup_inputs()
    print(jax.jit(kernel)(*tuple(_d.values())))

</pallas_src>

<mosaic_0001>
#map = affine_map<(d0, d1) -> (0, 0)>
module attributes {stable_mosaic.version = 14 : i64} {
  func.func @_degree_kernel(%arg0: i32, %arg1: i32, %arg2: memref<1280x128xi32, #tpu.memory_space<hbm>>, %arg3: memref<2x10240xf32, #tpu.memory_space<hbm>>, %arg4: memref<10240xf32, #tpu.memory_space<vmem_shared>>, %arg5: memref<40x128xi32, #tpu.memory_space<vmem>>, %arg6: memref<128xf32, #tpu.memory_space<vmem>>, %arg7: memref<640xf32, #tpu.memory_space<vmem>>) attributes {dimension_semantics = [#tpu.dimension_semantics<core_parallel>, #tpu.dimension_semantics<subcore_parallel>], iteration_bounds = array<i64: 2, 16>, scalar_prefetch = 0 : i64, scratch_operands = 4 : i64, tpu.core_type = #tpu.core_type<sc_vector_subcore>, window_params = [{transform_indices = #map}, {transform_indices = #map}]} {
    %mul3A = arith.constant 16 : i32
    %mul3A_0 = arith.muli %arg0, %mul3A : i32
    %add3A = arith.addi %mul3A_0, %arg1 : i32
    %scan3A = arith.constant 0 : i32
    %scan3A_1 = arith.constant 0 : i32
    %scan3A_2 = arith.constant 40 : i32
    %scan3A_3 = arith.addi %scan3A_1, %scan3A_2 : i32
    %scan3A_4 = arith.constant 1 : i32
    %scan3A_5 = scf.for %scan3A_69 = %scan3A_1 to %scan3A_3 step %scan3A_4 iter_args(%scan3A_70 = %scan3A) -> (i32)  : i32 {
      %broadcast_in_dim3A_71 = arith.constant 0.000000e+00 : f32
      %broadcast_in_dim3A_72 = vector.broadcast %broadcast_in_dim3A_71 : f32 to vector<16xf32>
      %mul3A_73 = arith.constant 16 : i32
      %mul3A_74 = arith.muli %scan3A_69, %mul3A_73 : i32
      %swap3A_75 = arith.index_cast %mul3A_74 : i32 to index
      %swap3A_76 = tpu.vector_load %arg7[%swap3A_75] {strides = array<i32>} : memref<640xf32, #tpu.memory_space<vmem>>, vector<16xf32>,
      %swap3A_77 = vector.shape_cast %swap3A_76 : vector<16xf32> to vector<16xf32>
      %swap3A_78 = vector.shape_cast %broadcast_in_dim3A_72 : vector<16xf32> to vector<16xf32>
      tpu.vector_store %arg7[%swap3A_75], %swap3A_78 {strides = array<i32>} : memref<640xf32, #tpu.memory_space<vmem>>, vector<16xf32>,
      %scan3A_79 = arith.constant 0 : i32
      scf.yield %scan3A_79 : i32
    }
    %scan3A_6 = arith.constant 40 : i32
    %broadcast_in_dim3A = arith.constant 1.000000e+00 : f32
    %broadcast_in_dim3A_7 = vector.broadcast %broadcast_in_dim3A : f32 to vector<16xf32>
    %swap3A = arith.constant 0 : index
    %swap3A_8 = tpu.vector_load %arg6[%swap3A] {strides = array<i32>} : memref<128xf32, #tpu.memory_space<vmem>>, vector<16xf32>,
    %swap3A_9 = vector.shape_cast %swap3A_8 : vector<16xf32> to vector<16xf32>
    %swap3A_10 = vector.shape_cast %broadcast_in_dim3A_7 : vector<16xf32> to vector<16xf32>
    tpu.vector_store %arg6[%swap3A], %swap3A_10 {strides = array<i32>} : memref<128xf32, #tpu.memory_space<vmem>>, vector<16xf32>,
    %broadcast_in_dim3A_11 = arith.constant 1.000000e+00 : f32
    %broadcast_in_dim3A_12 = vector.broadcast %broadcast_in_dim3A_11 : f32 to vector<16xf32>
    %swap3A_13 = arith.constant 16 : index
    %swap3A_14 = tpu.vector_load %arg6[%swap3A_13] {strides = array<i32>} : memref<128xf32, #tpu.memory_space<vmem>>, vector<16xf32>,
    %swap3A_15 = vector.shape_cast %swap3A_14 : vector<16xf32> to vector<16xf32>
    %swap3A_16 = vector.shape_cast %broadcast_in_dim3A_12 : vector<16xf32> to vector<16xf32>
    tpu.vector_store %arg6[%swap3A_13], %swap3A_16 {strides = array<i32>} : memref<128xf32, #tpu.memory_space<vmem>>, vector<16xf32>,
    %broadcast_in_dim3A_17 = arith.constant 1.000000e+00 : f32
    %broadcast_in_dim3A_18 = vector.broadcast %broadcast_in_dim3A_17 : f32 to vector<16xf32>
    %swap3A_19 = arith.constant 32 : index
    %swap3A_20 = tpu.vector_load %arg6[%swap3A_19] {strides = array<i32>} : memref<128xf32, #tpu.memory_space<vmem>>, vector<16xf32>,
    %swap3A_21 = vector.shape_cast %swap3A_20 : vector<16xf32> to vector<16xf32>
    %swap3A_22 = vector.shape_cast %broadcast_in_dim3A_18 : vector<16xf32> to vector<16xf32>
    tpu.vector_store %arg6[%swap3A_19], %swap3A_22 {strides = array<i32>} : memref<128xf32, #tpu.memory_space<vmem>>, vector<16xf32>,
    %broadcast_in_dim3A_23 = arith.constant 1.000000e+00 : f32
    %broadcast_in_dim3A_24 = vector.broadcast %broadcast_in_dim3A_23 : f32 to vector<16xf32>
    %swap3A_25 = arith.constant 48 : index
    %swap3A_26 = tpu.vector_load %arg6[%swap3A_25] {strides = array<i32>} : memref<128xf32, #tpu.memory_space<vmem>>, vector<16xf32>,
    %swap3A_27 = vector.shape_cast %swap3A_26 : vector<16xf32> to vector<16xf32>
    %swap3A_28 = vector.shape_cast %broadcast_in_dim3A_24 : vector<16xf32> to vector<16xf32>
    tpu.vector_store %arg6[%swap3A_25], %swap3A_28 {strides = array<i32>} : memref<128xf32, #tpu.memory_space<vmem>>, vector<16xf32>,
    %broadcast_in_dim3A_29 = arith.constant 1.000000e+00 : f32
    %broadcast_in_dim3A_30 = vector.broadcast %broadcast_in_dim3A_29 : f32 to vector<16xf32>
    %swap3A_31 = arith.constant 64 : index
    %swap3A_32 = tpu.vector_load %arg6[%swap3A_31] {strides = array<i32>} : memref<128xf32, #tpu.memory_space<vmem>>, vector<16xf32>,
    %swap3A_33 = vector.shape_cast %swap3A_32 : vector<16xf32> to vector<16xf32>
    %swap3A_34 = vector.shape_cast %broadcast_in_dim3A_30 : vector<16xf32> to vector<16xf32>
    tpu.vector_store %arg6[%swap3A_31], %swap3A_34 {strides = array<i32>} : memref<128xf32, #tpu.memory_space<vmem>>, vector<16xf32>,
    %broadcast_in_dim3A_35 = arith.constant 1.000000e+00 : f32
    %broadcast_in_dim3A_36 = vector.broadcast %broadcast_in_dim3A_35 : f32 to vector<16xf32>
    %swap3A_37 = arith.constant 80 : index
    %swap3A_38 = tpu.vector_load %arg6[%swap3A_37] {strides = array<i32>} : memref<128xf32, #tpu.memory_space<vmem>>, vector<16xf32>,
    %swap3A_39 = vector.shape_cast %swap3A_38 : vector<16xf32> to vector<16xf32>
    %swap3A_40 = vector.shape_cast %broadcast_in_dim3A_36 : vector<16xf32> to vector<16xf32>
    tpu.vector_store %arg6[%swap3A_37], %swap3A_40 {strides = array<i32>} : memref<128xf32, #tpu.memory_space<vmem>>, vector<16xf32>,
    %broadcast_in_dim3A_41 = arith.constant 1.000000e+00 : f32
    %broadcast_in_dim3A_42 = vector.broadcast %broadcast_in_dim3A_41 : f32 to vector<16xf32>
    %swap3A_43 = arith.constant 96 : index
    %swap3A_44 = tpu.vector_load %arg6[%swap3A_43] {strides = array<i32>} : memref<128xf32, #tpu.memory_space<vmem>>, vector<16xf32>,
    %swap3A_45 = vector.shape_cast %swap3A_44 : vector<16xf32> to vector<16xf32>
    %swap3A_46 = vector.shape_cast %broadcast_in_dim3A_42 : vector<16xf32> to vector<16xf32>
    tpu.vector_store %arg6[%swap3A_43], %swap3A_46 {strides = array<i32>} : memref<128xf32, #tpu.memory_space<vmem>>, vector<16xf32>,
    %broadcast_in_dim3A_47 = arith.constant 1.000000e+00 : f32
    %broadcast_in_dim3A_48 = vector.broadcast %broadcast_in_dim3A_47 : f32 to vector<16xf32>
    %swap3A_49 = arith.constant 112 : index
    %swap3A_50 = tpu.vector_load %arg6[%swap3A_49] {strides = array<i32>} : memref<128xf32, #tpu.memory_space<vmem>>, vector<16xf32>,
    %swap3A_51 = vector.shape_cast %swap3A_50 : vector<16xf32> to vector<16xf32>
    %swap3A_52 = vector.shape_cast %broadcast_in_dim3A_48 : vector<16xf32> to vector<16xf32>
    tpu.vector_store %arg6[%swap3A_49], %swap3A_52 {strides = array<i32>} : memref<128xf32, #tpu.memory_space<vmem>>, vector<16xf32>,
    %mul3A_53 = arith.constant 640 : i32
    %mul3A_54 = arith.muli %arg1, %mul3A_53 : i32
    "tpu.region"() ({
      %run_scoped3A = tpu.sem_alloc : memref<!tpu.dma_semaphore, #tpu.memory_space<semaphore_mem>>
      %dma_start3A = tpu.memref_slice %arg4[%mul3A_54] : memref<10240xf32, #tpu.memory_space<vmem_shared>> -> memref<640xf32, #tpu.memory_space<vmem_shared>>
      %dma_start3A_69 = tpu.memref_slice %arg4[%mul3A_54] : memref<10240xf32, #tpu.memory_space<vmem_shared>> -> memref<640xf32, #tpu.memory_space<vmem_shared>>
      tpu.enqueue_dma source(%arg7 : memref<640xf32, #tpu.memory_space<vmem>>) target(%dma_start3A_69 : memref<640xf32, #tpu.memory_space<vmem_shared>>) target_semaphore(%run_scoped3A : memref<!tpu.dma_semaphore, #tpu.memory_space<semaphore_mem>>)
      %dma_wait3A = tpu.memref_slice %arg4[%mul3A_54] : memref<10240xf32, #tpu.memory_space<vmem_shared>> -> memref<640xf32, #tpu.memory_space<vmem_shared>>
      %dma_wait3A_70 = tpu.memref_slice %arg4[%mul3A_54] : memref<10240xf32, #tpu.memory_space<vmem_shared>> -> memref<640xf32, #tpu.memory_space<vmem_shared>>
      tpu.wait_dma2 semaphore(%run_scoped3A : memref<!tpu.dma_semaphore, #tpu.memory_space<semaphore_mem>>) src(%arg7 : memref<640xf32, #tpu.memory_space<vmem>>) dst(%dma_wait3A_70 : memref<640xf32, #tpu.memory_space<vmem_shared>>)
      tpu.yield
    }) : () -> ()
    %mul3A_55 = arith.constant 40 : i32
    %mul3A_56 = arith.muli %add3A, %mul3A_55 : i32
    "tpu.region"() ({
      %run_scoped3A = tpu.sem_alloc : memref<!tpu.dma_semaphore, #tpu.memory_space<semaphore_mem>>
      %dma_start3A = arith.constant 0 : i32
      %dma_start3A_69 = tpu.memref_slice %arg2[%mul3A_56, %dma_start3A] : memref<1280x128xi32, #tpu.memory_space<hbm>> -> memref<40x128xi32, #tpu.memory_space<hbm>>
      %dma_start3A_70 = arith.constant 0 : i32
      %dma_start3A_71 = tpu.memref_slice %arg2[%mul3A_56, %dma_start3A_70] : memref<1280x128xi32, #tpu.memory_space<hbm>> -> memref<40x128xi32, #tpu.memory_space<hbm>>
      tpu.enqueue_dma source(%dma_start3A_71 : memref<40x128xi32, #tpu.memory_space<hbm>>) target(%arg5 : memref<40x128xi32, #tpu.memory_space<vmem>>) target_semaphore(%run_scoped3A : memref<!tpu.dma_semaphore, #tpu.memory_space<semaphore_mem>>)
      %dma_wait3A = arith.constant 0 : i32
      %dma_wait3A_72 = tpu.memref_slice %arg2[%mul3A_56, %dma_wait3A] : memref<1280x128xi32, #tpu.memory_space<hbm>> -> memref<40x128xi32, #tpu.memory_space<hbm>>
      %dma_wait3A_73 = arith.constant 0 : i32
      %dma_wait3A_74 = tpu.memref_slice %arg2[%mul3A_56, %dma_wait3A_73] : memref<1280x128xi32, #tpu.memory_space<hbm>> -> memref<40x128xi32, #tpu.memory_space<hbm>>
      tpu.wait_dma2 semaphore(%run_scoped3A : memref<!tpu.dma_semaphore, #tpu.memory_space<semaphore_mem>>) src(%dma_wait3A_74 : memref<40x128xi32, #tpu.memory_space<hbm>>) dst(%arg5 : memref<40x128xi32, #tpu.memory_space<vmem>>)
      tpu.yield
    }) : () -> ()
    %barrier3A = arith.constant 0 : index
    tpu.barrier barrier_id(%barrier3A)
    %scan3A_57 = arith.constant 0 : i32
    %scan3A_58 = arith.constant 0 : i32
    %scan3A_59 = arith.constant 40 : i32
    %scan3A_60 = arith.addi %scan3A_58, %scan3A_59 : i32
    %scan3A_61 = arith.constant 1 : i32
    %scan3A_62 = scf.for %scan3A_69 = %scan3A_58 to %scan3A_60 step %scan3A_61 iter_args(%scan3A_70 = %scan3A_57) -> (i32)  : i32 {
      "tpu.region"() ({
        %run_scoped3A = tpu.sem_alloc : memref<!tpu.dma_semaphore, #tpu.memory_space<semaphore_mem>>
        %dma_start3A = arith.constant 0 : i32
        %dma_start3A_72 = tpu.memref_slice %arg5[%scan3A_69, %dma_start3A] : memref<40x128xi32, #tpu.memory_space<vmem>> -> memref<1x128xi32, #tpu.memory_space<vmem>>
        %dma_start3A_73 = tpu.memref_squeeze %dma_start3A_72 : memref<1x128xi32, #tpu.memory_space<vmem>> -> memref<128xi32, #tpu.memory_space<vmem>>
        %dma_start3A_74 = arith.constant 0 : i32
        %dma_start3A_75 = tpu.memref_slice %arg4[%dma_start3A_74] : memref<10240xf32, #tpu.memory_space<vmem_shared>> -> memref<10240xf32, #tpu.memory_space<vmem_shared>>
        tpu.enqueue_indirect_dma source(%arg6 : memref<128xf32, #tpu.memory_space<vmem>>) target(%dma_start3A_75 : memref<10240xf32, #tpu.memory_space<vmem_shared>>) offsets(%dma_start3A_73 : memref<128xi32, #tpu.memory_space<vmem>>) semaphore(%run_scoped3A : memref<!tpu.dma_semaphore, #tpu.memory_space<semaphore_mem>>) {add = true}
        %dma_wait3A = arith.constant 0 : i32
        %dma_wait3A_76 = tpu.memref_slice %arg5[%scan3A_69, %dma_wait3A] : memref<40x128xi32, #tpu.memory_space<vmem>> -> memref<1x128xi32, #tpu.memory_space<vmem>>
        %dma_wait3A_77 = tpu.memref_squeeze %dma_wait3A_76 : memref<1x128xi32, #tpu.memory_space<vmem>> -> memref<128xi32, #tpu.memory_space<vmem>>
        %dma_wait3A_78 = arith.constant 0 : i32
        %dma_wait3A_79 = tpu.memref_slice %arg4[%dma_wait3A_78] : memref<10240xf32, #tpu.memory_space<vmem_shared>> -> memref<10240xf32, #tpu.memory_space<vmem_shared>>
        tpu.wait_indirect_dma semaphore(%run_scoped3A : memref<!tpu.dma_semaphore, #tpu.memory_space<semaphore_mem>>) src(%arg6 : memref<128xf32, #tpu.memory_space<vmem>>) dst(%dma_wait3A_79 : memref<10240xf32, #tpu.memory_space<vmem_shared>>)
        tpu.yield
      }) : () -> ()
      %scan3A_71 = arith.constant 0 : i32
      scf.yield %scan3A_71 : i32
    }
    %scan3A_63 = arith.constant 40 : i32
    %barrier3A_64 = arith.constant 0 : index
    tpu.barrier barrier_id(%barrier3A_64)
    %mul3A_65 = arith.constant 640 : i32
    %mul3A_66 = arith.muli %arg1, %mul3A_65 : i32
    %mul3A_67 = arith.constant 640 : i32
    %mul3A_68 = arith.muli %arg1, %mul3A_67 : i32
    "tpu.region"() ({
      %run_scoped3A = tpu.sem_alloc : memref<!tpu.dma_semaphore, #tpu.memory_space<semaphore_mem>>
      %dma_start3A = tpu.memref_slice %arg3[%arg0, %mul3A_68] : memref<2x10240xf32, #tpu.memory_space<hbm>> -> memref<1x640xf32, #tpu.memory_space<hbm>>
      %dma_start3A_69 = tpu.memref_squeeze %dma_start3A : memref<1x640xf32, #tpu.memory_space<hbm>> -> memref<640xf32, #tpu.memory_space<hbm>>
      %dma_start3A_70 = tpu.memref_slice %arg4[%mul3A_66] : memref<10240xf32, #tpu.memory_space<vmem_shared>> -> memref<640xf32, #tpu.memory_space<vmem_shared>>
      tpu.enqueue_dma source(%dma_start3A_70 : memref<640xf32, #tpu.memory_space<vmem_shared>>) target(%dma_start3A_69 : memref<640xf32, #tpu.memory_space<hbm>>) target_semaphore(%run_scoped3A : memref<!tpu.dma_semaphore, #tpu.memory_space<semaphore_mem>>)
      %dma_wait3A = tpu.memref_slice %arg3[%arg0, %mul3A_68] : memref<2x10240xf32, #tpu.memory_space<hbm>> -> memref<1x640xf32, #tpu.memory_space<hbm>>
      %dma_wait3A_71 = tpu.memref_squeeze %dma_wait3A : memref<1x640xf32, #tpu.memory_space<hbm>> -> memref<640xf32, #tpu.memory_space<hbm>>
      %dma_wait3A_72 = tpu.memref_slice %arg4[%mul3A_66] : memref<10240xf32, #tpu.memory_space<vmem_shared>> -> memref<640xf32, #tpu.memory_space<vmem_shared>>
      tpu.wait_dma2 semaphore(%run_scoped3A : memref<!tpu.dma_semaphore, #tpu.memory_space<semaphore_mem>>) src(%dma_wait3A_72 : memref<640xf32, #tpu.memory_space<vmem_shared>>) dst(%dma_wait3A_71 : memref<640xf32, #tpu.memory_space<hbm>>)
      tpu.yield
    }) : () -> ()
    return
  }
}

#map = affine_map<(d0, d1) -> (0, 0)>
module attributes {stable_mosaic.version = 14 : i64} {
  func.func @_pool_kernel(%arg0: i32, %arg1: i32, %arg2: memref<1024x160xi32, #tpu.memory_space<hbm>>, %arg3: memref<1024x160xi32, #tpu.memory_space<hbm>>, %arg4: memref<20000x128xf32, #tpu.memory_space<hbm>>, %arg5: memref<20480x128xf32, #tpu.memory_space<hbm>>, %arg6: memref<10240x128xf32, #tpu.memory_space<vmem_shared>>, %arg7: memref<1x160xi32, #tpu.memory_space<vmem>>, %arg8: memref<1x160xi32, #tpu.memory_space<vmem>>, %arg9: memref<1x160xi32, #tpu.memory_space<vmem>>, %arg10: memref<1x160xi32, #tpu.memory_space<vmem>>, %arg11: memref<1x160xi32, #tpu.memory_space<vmem>>, %arg12: memref<1x160xi32, #tpu.memory_space<vmem>>, %arg13: memref<1x160xi32, #tpu.memory_space<vmem>>, %arg14: memref<1x160xi32, #tpu.memory_space<vmem>>, %arg15: memref<160x128xf32, #tpu.memory_space<vmem>>, %arg16: memref<160x128xf32, #tpu.memory_space<vmem>>, %arg17: memref<!tpu.dma_semaphore, #tpu.memory_space<semaphore_mem>>, %arg18: memref<!tpu.dma_semaphore, #tpu.memory_space<semaphore_mem>>, %arg19: memref<!tpu.dma_semaphore, #tpu.memory_space<semaphore_mem>>, %arg20: memref<!tpu.dma_semaphore, #tpu.memory_space<semaphore_mem>>, %arg21: memref<!tpu.dma_semaphore, #tpu.memory_space<semaphore_mem>>, %arg22: memref<!tpu.dma_semaphore, #tpu.memory_space<semaphore_mem>>, %arg23: memref<!tpu.dma_semaphore, #tpu.memory_space<semaphore_mem>>, %arg24: memref<!tpu.dma_semaphore, #tpu.memory_space<semaphore_mem>>, %arg25: memref<!tpu.dma_semaphore, #tpu.memory_space<semaphore_mem>>, %arg26: memref<!tpu.dma_semaphore, #tpu.memory_space<semaphore_mem>>, %arg27: memref<!tpu.dma_semaphore, #tpu.memory_space<semaphore_mem>>, %arg28: memref<!tpu.dma_semaphore, #tpu.memory_space<semaphore_mem>>) attributes {dimension_semantics = [#tpu.dimension_semantics<core_parallel>, #tpu.dimension_semantics<subcore_parallel>], iteration_bounds = array<i64: 2, 16>, scalar_prefetch = 0 : i64, scratch_operands = 23 : i64, tpu.core_type = #tpu.core_type<sc_vector_subcore>, window_params = [{transform_indices = #map}, {transform_indices = #map}, {transform_indices = #map}, {transform_indices = #map}]} {
    %mul3A = arith.constant 10000 : i32
    %mul3A_0 = arith.muli %arg0, %mul3A : i32
    %scan3A = arith.constant 0 : i32
    %scan3A_1 = arith.constant 0 : i32
    %scan3A_2 = arith.constant 160 : i32
    %scan3A_3 = arith.addi %scan3A_1, %scan3A_2 : i32
    %scan3A_4 = arith.constant 1 : i32
    %scan3A_5 = scf.for %scan3A_392 = %scan3A_1 to %scan3A_3 step %scan3A_4 iter_args(%scan3A_393 = %scan3A) -> (i32)  : i32 {
      %broadcast_in_dim3A = arith.constant 0.000000e+00 : f32
      %broadcast_in_dim3A_394 = vector.broadcast %broadcast_in_dim3A : f32 to vector<16xf32>
      %swap3A_395 = arith.index_cast %scan3A_392 : i32 to index
      %swap3A_396 = arith.constant 0 : index
      %swap3A_397 = tpu.vector_load %arg15[%swap3A_395, %swap3A_396] {strides = array<i32>} : memref<160x128xf32, #tpu.memory_space<vmem>>, vector<1x16xf32>,
      %swap3A_398 = vector.shape_cast %swap3A_397 : vector<1x16xf32> to vector<16xf32>
      %swap3A_399 = vector.shape_cast %broadcast_in_dim3A_394 : vector<16xf32> to vector<1x16xf32>
      tpu.vector_store %arg15[%swap3A_395, %swap3A_396], %swap3A_399 {strides = array<i32>} : memref<160x128xf32, #tpu.memory_space<vmem>>, vector<1x16xf32>,
      %broadcast_in_dim3A_400 = arith.constant 0.000000e+00 : f32
      %broadcast_in_dim3A_401 = vector.broadcast %broadcast_in_dim3A_400 : f32 to vector<16xf32>
      %swap3A_402 = arith.index_cast %scan3A_392 : i32 to index
      %swap3A_403 = arith.constant 16 : index
      %swap3A_404 = tpu.vector_load %arg15[%swap3A_402, %swap3A_403] {strides = array<i32>} : memref<160x128xf32, #tpu.memory_space<vmem>>, vector<1x16xf32>,
      %swap3A_405 = vector.shape_cast %swap3A_404 : vector<1x16xf32> to vector<16xf32>
      %swap3A_406 = vector.shape_cast %broadcast_in_dim3A_401 : vector<16xf32> to vector<1x16xf32>
      tpu.vector_store %arg15[%swap3A_402, %swap3A_403], %swap3A_406 {strides = array<i32>} : memref<160x128xf32, #tpu.memory_space<vmem>>, vector<1x16xf32>,
      %broadcast_in_dim3A_407 = arith.constant 0.000000e+00 : f32
      %broadcast_in_dim3A_408 = vector.broadcast %broadcast_in_dim3A_407 : f32 to vector<16xf32>
      %swap3A_409 = arith.index_cast %scan3A_392 : i32 to index
      %swap3A_410 = arith.constant 32 : index
      %swap3A_411 = tpu.vector_load %arg15[%swap3A_409, %swap3A_410] {strides = array<i32>} : memref<160x128xf32, #tpu.memory_space<vmem>>, vector<1x16xf32>,
      %swap3A_412 = vector.shape_cast %swap3A_411 : vector<1x16xf32> to vector<16xf32>
      %swap3A_413 = vector.shape_cast %broadcast_in_dim3A_408 : vector<16xf32> to vector<1x16xf32>
      tpu.vector_store %arg15[%swap3A_409, %swap3A_410], %swap3A_413 {strides = array<i32>} : memref<160x128xf32, #tpu.memory_space<vmem>>, vector<1x16xf32>,
      %broadcast_in_dim3A_414 = arith.constant 0.000000e+00 : f32
      %broadcast_in_dim3A_415 = vector.broadcast %broadcast_in_dim3A_414 : f32 to vector<16xf32>
      %swap3A_416 = arith.index_cast %scan3A_392 : i32 to index
      %swap3A_417 = arith.constant 48 : index
      %swap3A_418 = tpu.vector_load %arg15[%swap3A_416, %swap3A_417] {strides = array<i32>} : memref<160x128xf32, #tpu.memory_space<vmem>>, vector<1x16xf32>,
      %swap3A_419 = vector.shape_cast %swap3A_418 : vector<1x16xf32> to vector<16xf32>
      %swap3A_420 = vector.shape_cast %broadcast_in_dim3A_415 : vector<16xf32> to vector<1x16xf32>
      tpu.vector_store %arg15[%swap3A_416, %swap3A_417], %swap3A_420 {strides = array<i32>} : memref<160x128xf32, #tpu.memory_space<vmem>>, vector<1x16xf32>,
      %broadcast_in_dim3A_421 = arith.constant 0.000000e+00 : f32
      %broadcast_in_dim3A_422 = vector.broadcast %broadcast_in_dim3A_421 : f32 to vector<16xf32>
      %swap3A_423 = arith.index_cast %scan3A_392 : i32 to index
      %swap3A_424 = arith.constant 64 : index
      %swap3A_425 = tpu.vector_load %arg15[%swap3A_423, %swap3A_424] {strides = array<i32>} : memref<160x128xf32, #tpu.memory_space<vmem>>, vector<1x16xf32>,
      %swap3A_426 = vector.shape_cast %swap3A_425 : vector<1x16xf32> to vector<16xf32>
      %swap3A_427 = vector.shape_cast %broadcast_in_dim3A_422 : vector<16xf32> to vector<1x16xf32>
      tpu.vector_store %arg15[%swap3A_423, %swap3A_424], %swap3A_427 {strides = array<i32>} : memref<160x128xf32, #tpu.memory_space<vmem>>, vector<1x16xf32>,
      %broadcast_in_dim3A_428 = arith.constant 0.000000e+00 : f32
      %broadcast_in_dim3A_429 = vector.broadcast %broadcast_in_dim3A_428 : f32 to vector<16xf32>
      %swap3A_430 = arith.index_cast %scan3A_392 : i32 to index
      %swap3A_431 = arith.constant 80 : index
      %swap3A_432 = tpu.vector_load %arg15[%swap3A_430, %swap3A_431] {strides = array<i32>} : memref<160x128xf32, #tpu.memory_space<vmem>>, vector<1x16xf32>,
      %swap3A_433 = vector.shape_cast %swap3A_432 : vector<1x16xf32> to vector<16xf32>
      %swap3A_434 = vector.shape_cast %broadcast_in_dim3A_429 : vector<16xf32> to vector<1x16xf32>
      tpu.vector_store %arg15[%swap3A_430, %swap3A_431], %swap3A_434 {strides = array<i32>} : memref<160x128xf32, #tpu.memory_space<vmem>>, vector<1x16xf32>,
      %broadcast_in_dim3A_435 = arith.constant 0.000000e+00 : f32
      %broadcast_in_dim3A_436 = vector.broadcast %broadcast_in_dim3A_435 : f32 to vector<16xf32>
      %swap3A_437 = arith.index_cast %scan3A_392 : i32 to index
      %swap3A_438 = arith.constant 96 : index
      %swap3A_439 = tpu.vector_load %arg15[%swap3A_437, %swap3A_438] {strides = array<i32>} : memref<160x128xf32, #tpu.memory_space<vmem>>, vector<1x16xf32>,
      %swap3A_440 = vector.shape_cast %swap3A_439 : vector<1x16xf32> to vector<16xf32>
      %swap3A_441 = vector.shape_cast %broadcast_in_dim3A_436 : vector<16xf32> to vector<1x16xf32>
      tpu.vector_store %arg15[%swap3A_437, %swap3A_438], %swap3A_441 {strides = array<i32>} : memref<160x128xf32, #tpu.memory_space<vmem>>, vector<1x16xf32>,
      %broadcast_in_dim3A_442 = arith.constant 0.000000e+00 : f32
      %broadcast_in_dim3A_443 = vector.broadcast %broadcast_in_dim3A_442 : f32 to vector<16xf32>
      %swap3A_444 = arith.index_cast %scan3A_392 : i32 to index
      %swap3A_445 = arith.constant 112 : index
      %swap3A_446 = tpu.vector_load %arg15[%swap3A_444, %swap3A_445] {strides = array<i32>} : memref<160x128xf32, #tpu.memory_space<vmem>>, vector<1x16xf32>,
      %swap3A_447 = vector.shape_cast %swap3A_446 : vector<1x16xf32> to vector<16xf32>
      %swap3A_448 = vector.shape_cast %broadcast_in_dim3A_443 : vector<16xf32> to vector<1x16xf32>
      tpu.vector_store %arg15[%swap3A_444, %swap3A_445], %swap3A_448 {strides = array<i32>} : memref<160x128xf32, #tpu.memory_space<vmem>>, vector<1x16xf32>,
      %scan3A_449 = arith.constant 0 : i32
      scf.yield %scan3A_449 : i32
    }
    %scan3A_6 = arith.constant 160 : i32
    %scan3A_7 = arith.constant 0 : i32
    %scan3A_8 = arith.constant 0 : i32
    %scan3A_9 = arith.constant 4 : i32
    %scan3A_10 = arith.addi %scan3A_8, %scan3A_9 : i32
    %scan3A_11 = arith.constant 1 : i32
    %scan3A_12 = scf.for %scan3A_392 = %scan3A_8 to %scan3A_10 step %scan3A_11 iter_args(%scan3A_393 = %scan3A_7) -> (i32)  : i32 {
      %mul3A_394 = arith.constant 640 : i32
      %mul3A_395 = arith.muli %arg1, %mul3A_394 : i32
      %mul3A_396 = arith.constant 160 : i32
      %mul3A_397 = arith.muli %scan3A_392, %mul3A_396 : i32
      %add3A_398 = arith.addi %mul3A_395, %mul3A_397 : i32
      "tpu.region"() ({
        %run_scoped3A = tpu.sem_alloc : memref<!tpu.dma_semaphore, #tpu.memory_space<semaphore_mem>>
        %dma_start3A_400 = arith.constant 0 : i32
        %dma_start3A_401 = tpu.memref_slice %arg6[%add3A_398, %dma_start3A_400] : memref<10240x128xf32, #tpu.memory_space<vmem_shared>> -> memref<160x128xf32, #tpu.memory_space<vmem_shared>>
        %dma_start3A_402 = arith.constant 0 : i32
        %dma_start3A_403 = tpu.memref_slice %arg6[%add3A_398, %dma_start3A_402] : memref<10240x128xf32, #tpu.memory_space<vmem_shared>> -> memref<160x128xf32, #tpu.memory_space<vmem_shared>>
        tpu.enqueue_dma source(%arg15 : memref<160x128xf32, #tpu.memory_space<vmem>>) target(%dma_start3A_403 : memref<160x128xf32, #tpu.memory_space<vmem_shared>>) target_semaphore(%run_scoped3A : memref<!tpu.dma_semaphore, #tpu.memory_space<semaphore_mem>>)
        %dma_wait3A_404 = arith.constant 0 : i32
        %dma_wait3A_405 = tpu.memref_slice %arg6[%add3A_398, %dma_wait3A_404] : memref<10240x128xf32, #tpu.memory_space<vmem_shared>> -> memref<160x128xf32, #tpu.memory_space<vmem_shared>>
        %dma_wait3A_406 = arith.constant 0 : i32
        %dma_wait3A_407 = tpu.memref_slice %arg6[%add3A_398, %dma_wait3A_406] : memref<10240x128xf32, #tpu.memory_space<vmem_shared>> -> memref<160x128xf32, #tpu.memory_space<vmem_shared>>
        tpu.wait_dma2 semaphore(%run_scoped3A : memref<!tpu.dma_semaphore, #tpu.memory_space<semaphore_mem>>) src(%arg15 : memref<160x128xf32, #tpu.memory_space<vmem>>) dst(%dma_wait3A_407 : memref<160x128xf32, #tpu.memory_space<vmem_shared>>)
        tpu.yield
      }) : () -> ()
      %scan3A_399 = arith.constant 0 : i32
      scf.yield %scan3A_399 : i32
    }
    %scan3A_13 = arith.constant 4 : i32
    %barrier3A = arith.constant 0 : index
    tpu.barrier barrier_id(%barrier3A)
    %mul3A_14 = arith.constant 64 : i32
    %mul3A_15 = arith.muli %arg1, %mul3A_14 : i32
    %add3A = arith.constant 0 : i32
    %add3A_16 = arith.addi %mul3A_15, %add3A : i32
    %dma_start3A = arith.constant 0 : i32
    %dma_start3A_17 = tpu.memref_slice %arg2[%add3A_16, %dma_start3A] : memref<1024x160xi32, #tpu.memory_space<hbm>> -> memref<1x160xi32, #tpu.memory_space<hbm>>
    %dma_start3A_18 = arith.constant 0 : i32
    %dma_start3A_19 = tpu.memref_slice %arg2[%add3A_16, %dma_start3A_18] : memref<1024x160xi32, #tpu.memory_space<hbm>> -> memref<1x160xi32, #tpu.memory_space<hbm>>
    tpu.enqueue_dma source(%dma_start3A_19 : memref<1x160xi32, #tpu.memory_space<hbm>>) target(%arg7 : memref<1x160xi32, #tpu.memory_space<vmem>>) target_semaphore(%arg19 : memref<!tpu.dma_semaphore, #tpu.memory_space<semaphore_mem>>)
    %mul3A_20 = arith.constant 64 : i32
    %mul3A_21 = arith.muli %arg1, %mul3A_20 : i32
    %add3A_22 = arith.constant 0 : i32
    %add3A_23 = arith.addi %mul3A_21, %add3A_22 : i32
    %dma_start3A_24 = arith.constant 0 : i32
    %dma_start3A_25 = tpu.memref_slice %arg3[%add3A_23, %dma_start3A_24] : memref<1024x160xi32, #tpu.memory_space<hbm>> -> memref<1x160xi32, #tpu.memory_space<hbm>>
    %dma_start3A_26 = arith.constant 0 : i32
    %dma_start3A_27 = tpu.memref_slice %arg3[%add3A_23, %dma_start3A_26] : memref<1024x160xi32, #tpu.memory_space<hbm>> -> memref<1x160xi32, #tpu.memory_space<hbm>>
    tpu.enqueue_dma source(%dma_start3A_27 : memref<1x160xi32, #tpu.memory_space<hbm>>) target(%arg11 : memref<1x160xi32, #tpu.memory_space<vmem>>) target_semaphore(%arg23 : memref<!tpu.dma_semaphore, #tpu.memory_space<semaphore_mem>>)
    %mul3A_28 = arith.constant 64 : i32
    %mul3A_29 = arith.muli %arg1, %mul3A_28 : i32
    %add3A_30 = arith.constant 1 : i32
    %add3A_31 = arith.addi %mul3A_29, %add3A_30 : i32
    %dma_start3A_32 = arith.constant 0 : i32
    %dma_start3A_33 = tpu.memref_slice %arg2[%add3A_31, %dma_start3A_32] : memref<1024x160xi32, #tpu.memory_space<hbm>> -> memref<1x160xi32, #tpu.memory_space<hbm>>
    %dma_start3A_34 = arith.constant 0 : i32
    %dma_start3A_35 = tpu.memref_slice %arg2[%add3A_31, %dma_start3A_34] : memref<1024x160xi32, #tpu.memory_space<hbm>> -> memref<1x160xi32, #tpu.memory_space<hbm>>
    tpu.enqueue_dma source(%dma_start3A_35 : memref<1x160xi32, #tpu.memory_space<hbm>>) target(%arg8 : memref<1x160xi32, #tpu.memory_space<vmem>>) target_semaphore(%arg20 : memref<!tpu.dma_semaphore, #tpu.memory_space<semaphore_mem>>)
    %mul3A_36 = arith.constant 64 : i32
    %mul3A_37 = arith.muli %arg1, %mul3A_36 : i32
    %add3A_38 = arith.constant 1 : i32
    %add3A_39 = arith.addi %mul3A_37, %add3A_38 : i32
    %dma_start3A_40 = arith.constant 0 : i32
    %dma_start3A_41 = tpu.memref_slice %arg3[%add3A_39, %dma_start3A_40] : memref<1024x160xi32, #tpu.memory_space<hbm>> -> memref<1x160xi32, #tpu.memory_space<hbm>>
    %dma_start3A_42 = arith.constant 0 : i32
    %dma_start3A_43 = tpu.memref_slice %arg3[%add3A_39, %dma_start3A_42] : memref<1024x160xi32, #tpu.memory_space<hbm>> -> memref<1x160xi32, #tpu.memory_space<hbm>>
    tpu.enqueue_dma source(%dma_start3A_43 : memref<1x160xi32, #tpu.memory_space<hbm>>) target(%arg12 : memref<1x160xi32, #tpu.memory_space<vmem>>) target_semaphore(%arg24 : memref<!tpu.dma_semaphore, #tpu.memory_space<semaphore_mem>>)
    %mul3A_44 = arith.constant 64 : i32
    %mul3A_45 = arith.muli %arg1, %mul3A_44 : i32
    %add3A_46 = arith.constant 2 : i32
    %add3A_47 = arith.addi %mul3A_45, %add3A_46 : i32
    %dma_start3A_48 = arith.constant 0 : i32
    %dma_start3A_49 = tpu.memref_slice %arg2[%add3A_47, %dma_start3A_48] : memref<1024x160xi32, #tpu.memory_space<hbm>> -> memref<1x160xi32, #tpu.memory_space<hbm>>
    %dma_start3A_50 = arith.constant 0 : i32
    %dma_start3A_51 = tpu.memref_slice %arg2[%add3A_47, %dma_start3A_50] : memref<1024x160xi32, #tpu.memory_space<hbm>> -> memref<1x160xi32, #tpu.memory_space<hbm>>
    tpu.enqueue_dma source(%dma_start3A_51 : memref<1x160xi32, #tpu.memory_space<hbm>>) target(%arg9 : memref<1x160xi32, #tpu.memory_space<vmem>>) target_semaphore(%arg21 : memref<!tpu.dma_semaphore, #tpu.memory_space<semaphore_mem>>)
    %mul3A_52 = arith.constant 64 : i32
    %mul3A_53 = arith.muli %arg1, %mul3A_52 : i32
    %add3A_54 = arith.constant 2 : i32
    %add3A_55 = arith.addi %mul3A_53, %add3A_54 : i32
    %dma_start3A_56 = arith.constant 0 : i32
    %dma_start3A_57 = tpu.memref_slice %arg3[%add3A_55, %dma_start3A_56] : memref<1024x160xi32, #tpu.memory_space<hbm>> -> memref<1x160xi32, #tpu.memory_space<hbm>>
    %dma_start3A_58 = arith.constant 0 : i32
    %dma_start3A_59 = tpu.memref_slice %arg3[%add3A_55, %dma_start3A_58] : memref<1024x160xi32, #tpu.memory_space<hbm>> -> memref<1x160xi32, #tpu.memory_space<hbm>>
    tpu.enqueue_dma source(%dma_start3A_59 : memref<1x160xi32, #tpu.memory_space<hbm>>) target(%arg13 : memref<1x160xi32, #tpu.memory_space<vmem>>) target_semaphore(%arg25 : memref<!tpu.dma_semaphore, #tpu.memory_space<semaphore_mem>>)
    %mul3A_60 = arith.constant 64 : i32
    %mul3A_61 = arith.muli %arg1, %mul3A_60 : i32
    %add3A_62 = arith.constant 3 : i32
    %add3A_63 = arith.addi %mul3A_61, %add3A_62 : i32
    %dma_start3A_64 = arith.constant 0 : i32
    %dma_start3A_65 = tpu.memref_slice %arg2[%add3A_63, %dma_start3A_64] : memref<1024x160xi32, #tpu.memory_space<hbm>> -> memref<1x160xi32, #tpu.memory_space<hbm>>
    %dma_start3A_66 = arith.constant 0 : i32
    %dma_start3A_67 = tpu.memref_slice %arg2[%add3A_63, %dma_start3A_66] : memref<1024x160xi32, #tpu.memory_space<hbm>> -> memref<1x160xi32, #tpu.memory_space<hbm>>
    tpu.enqueue_dma source(%dma_start3A_67 : memref<1x160xi32, #tpu.memory_space<hbm>>) target(%arg10 : memref<1x160xi32, #tpu.memory_space<vmem>>) target_semaphore(%arg22 : memref<!tpu.dma_semaphore, #tpu.memory_space<semaphore_mem>>)
    %mul3A_68 = arith.constant 64 : i32
    %mul3A_69 = arith.muli %arg1, %mul3A_68 : i32
    %add3A_70 = arith.constant 3 : i32
    %add3A_71 = arith.addi %mul3A_69, %add3A_70 : i32
    %dma_start3A_72 = arith.constant 0 : i32
    %dma_start3A_73 = tpu.memref_slice %arg3[%add3A_71, %dma_start3A_72] : memref<1024x160xi32, #tpu.memory_space<hbm>> -> memref<1x160xi32, #tpu.memory_space<hbm>>
    %dma_start3A_74 = arith.constant 0 : i32
    %dma_start3A_75 = tpu.memref_slice %arg3[%add3A_71, %dma_start3A_74] : memref<1024x160xi32, #tpu.memory_space<hbm>> -> memref<1x160xi32, #tpu.memory_space<hbm>>
    tpu.enqueue_dma source(%dma_start3A_75 : memref<1x160xi32, #tpu.memory_space<hbm>>) target(%arg14 : memref<1x160xi32, #tpu.memory_space<vmem>>) target_semaphore(%arg26 : memref<!tpu.dma_semaphore, #tpu.memory_space<semaphore_mem>>)
    %mul3A_76 = arith.constant 64 : i32
    %mul3A_77 = arith.muli %arg1, %mul3A_76 : i32
    %add3A_78 = arith.constant 0 : i32
    %add3A_79 = arith.addi %mul3A_77, %add3A_78 : i32
    %dma_wait3A = arith.constant 0 : i32
    %dma_wait3A_80 = tpu.memref_slice %arg2[%add3A_79, %dma_wait3A] : memref<1024x160xi32, #tpu.memory_space<hbm>> -> memref<1x160xi32, #tpu.memory_space<hbm>>
    %dma_wait3A_81 = arith.constant 0 : i32
    %dma_wait3A_82 = tpu.memref_slice %arg2[%add3A_79, %dma_wait3A_81] : memref<1024x160xi32, #tpu.memory_space<hbm>> -> memref<1x160xi32, #tpu.memory_space<hbm>>
    tpu.wait_dma2 semaphore(%arg19 : memref<!tpu.dma_semaphore, #tpu.memory_space<semaphore_mem>>) src(%dma_wait3A_82 : memref<1x160xi32, #tpu.memory_space<hbm>>) dst(%arg7 : memref<1x160xi32, #tpu.memory_space<vmem>>)
    %get3A = arith.constant 0 : i32
    %get3A_83 = arith.index_cast %get3A : i32 to index
    %get3A_84 = arith.constant 0 : index
    %get3A_85 = tpu.vector_load %arg7[%get3A_83, %get3A_84] {strides = array<i32>} : memref<1x160xi32, #tpu.memory_space<vmem>>, vector<1x16xi32>,
    %get3A_86 = vector.shape_cast %get3A_85 : vector<1x16xi32> to vector<16xi32>
    %add3A_87 = vector.broadcast %mul3A_0 : i32 to vector<16xi32>
    %add3A_88 = arith.addi %get3A_86, %add3A_87 : vector<16xi32>
    %swap3A = arith.constant 0 : i32
    %swap3A_89 = arith.index_cast %swap3A : i32 to index
    %swap3A_90 = arith.constant 0 : index
    %swap3A_91 = tpu.vector_load %arg7[%swap3A_89, %swap3A_90] {strides = array<i32>} : memref<1x160xi32, #tpu.memory_space<vmem>>, vector<1x16xi32>,
    %swap3A_92 = vector.shape_cast %swap3A_91 : vector<1x16xi32> to vector<16xi32>
    %swap3A_93 = vector.shape_cast %add3A_88 : vector<16xi32> to vector<1x16xi32>
    tpu.vector_store %arg7[%swap3A_89, %swap3A_90], %swap3A_93 {strides = array<i32>} : memref<1x160xi32, #tpu.memory_space<vmem>>, vector<1x16xi32>,
    %get3A_94 = arith.constant 0 : i32
    %get3A_95 = arith.index_cast %get3A_94 : i32 to index
    %get3A_96 = arith.constant 16 : index
    %get3A_97 = tpu.vector_load %arg7[%get3A_95, %get3A_96] {strides = array<i32>} : memref<1x160xi32, #tpu.memory_space<vmem>>, vector<1x16xi32>,
    %get3A_98 = vector.shape_cast %get3A_97 : vector<1x16xi32> to vector<16xi32>
    %add3A_99 = vector.broadcast %mul3A_0 : i32 to vector<16xi32>
    %add3A_100 = arith.addi %get3A_98, %add3A_99 : vector<16xi32>
    %swap3A_101 = arith.constant 0 : i32
    %swap3A_102 = arith.index_cast %swap3A_101 : i32 to index
    %swap3A_103 = arith.constant 16 : index
    %swap3A_104 = tpu.vector_load %arg7[%swap3A_102, %swap3A_103] {strides = array<i32>} : memref<1x160xi32, #tpu.memory_space<vmem>>, vector<1x16xi32>,
    %swap3A_105 = vector.shape_cast %swap3A_104 : vector<1x16xi32> to vector<16xi32>
    %swap3A_106 = vector.shape_cast %add3A_100 : vector<16xi32> to vector<1x16xi32>
    tpu.vector_store %arg7[%swap3A_102, %swap3A_103], %swap3A_106 {strides = array<i32>} : memref<1x160xi32, #tpu.memory_space<vmem>>, vector<1x16xi32>,
    %get3A_107 = arith.constant 0 : i32
    %get3A_108 = arith.index_cast %get3A_107 : i32 to index
    %get3A_109 = arith.constant 32 : index
    %get3A_110 = tpu.vector_load %arg7[%get3A_108, %get3A_109] {strides = array<i32>} : memref<1x160xi32, #tpu.memory_space<vmem>>, vector<1x16xi32>,
    %get3A_111 = vector.shape_cast %get3A_110 : vector<1x16xi32> to vector<16xi32>
    %add3A_112 = vector.broadcast %mul3A_0 : i32 to vector<16xi32>
    %add3A_113 = arith.addi %get3A_111, %add3A_112 : vector<16xi32>
    %swap3A_114 = arith.constant 0 : i32
    %swap3A_115 = arith.index_cast %swap3A_114 : i32 to index
    %swap3A_116 = arith.constant 32 : index
    %swap3A_117 = tpu.vector_load %arg7[%swap3A_115, %swap3A_116] {strides = array<i32>} : memref<1x160xi32, #tpu.memory_space<vmem>>, vector<1x16xi32>,
    %swap3A_118 = vector.shape_cast %swap3A_117 : vector<1x16xi32> to vector<16xi32>
    %swap3A_119 = vector.shape_cast %add3A_113 : vector<16xi32> to vector<1x16xi32>
    tpu.vector_store %arg7[%swap3A_115, %swap3A_116], %swap3A_119 {strides = array<i32>} : memref<1x160xi32, #tpu.memory_space<vmem>>, vector<1x16xi32>,
    %get3A_120 = arith.constant 0 : i32
    %get3A_121 = arith.index_cast %get3A_120 : i32 to index
    %get3A_122 = arith.constant 48 : index
    %get3A_123 = tpu.vector_load %arg7[%get3A_121, %get3A_122] {strides = array<i32>} : memref<1x160xi32, #tpu.memory_space<vmem>>, vector<1x16xi32>,
    %get3A_124 = vector.shape_cast %get3A_123 : vector<1x16xi32> to vector<16xi32>
    %add3A_125 = vector.broadcast %mul3A_0 : i32 to vector<16xi32>
    %add3A_126 = arith.addi %get3A_124, %add3A_125 : vector<16xi32>
    %swap3A_127 = arith.constant 0 : i32
    %swap3A_128 = arith.index_cast %swap3A_127 : i32 to index
    %swap3A_129 = arith.constant 48 : index
    %swap3A_130 = tpu.vector_load %arg7[%swap3A_128, %swap3A_129] {strides = array<i32>} : memref<1x160xi32, #tpu.memory_space<vmem>>, vector<1x16xi32>,
    %swap3A_131 = vector.shape_cast %swap3A_130 : vector<1x16xi32> to vector<16xi32>
    %swap3A_132 = vector.shape_cast %add3A_126 : vector<16xi32> to vector<1x16xi32>
    tpu.vector_store %arg7[%swap3A_128, %swap3A_129], %swap3A_132 {strides = array<i32>} : memref<1x160xi32, #tpu.memory_space<vmem>>, vector<1x16xi32>,
    %get3A_133 = arith.constant 0 : i32
    %get3A_134 = arith.index_cast %get3A_133 : i32 to index
    %get3A_135 = arith.constant 64 : index
    %get3A_136 = tpu.vector_load %arg7[%get3A_134, %get3A_135] {strides = array<i32>} : memref<1x160xi32, #tpu.memory_space<vmem>>, vector<1x16xi32>,
    %get3A_137 = vector.shape_cast %get3A_136 : vector<1x16xi32> to vector<16xi32>
    %add3A_138 = vector.broadcast %mul3A_0 : i32 to vector<16xi32>
    %add3A_139 = arith.addi %get3A_137, %add3A_138 : vector<16xi32>
    %swap3A_140 = arith.constant 0 : i32
    %swap3A_141 = arith.index_cast %swap3A_140 : i32 to index
    %swap3A_142 = arith.constant 64 : index
    %swap3A_143 = tpu.vector_load %arg7[%swap3A_141, %swap3A_142] {strides = array<i32>} : memref<1x160xi32, #tpu.memory_space<vmem>>, vector<1x16xi32>,
    %swap3A_144 = vector.shape_cast %swap3A_143 : vector<1x16xi32> to vector<16xi32>
    %swap3A_145 = vector.shape_cast %add3A_139 : vector<16xi32> to vector<1x16xi32>
    tpu.vector_store %arg7[%swap3A_141, %swap3A_142], %swap3A_145 {strides = array<i32>} : memref<1x160xi32, #tpu.memory_space<vmem>>, vector<1x16xi32>,
    %get3A_146 = arith.constant 0 : i32
    %get3A_147 = arith.index_cast %get3A_146 : i32 to index
    %get3A_148 = arith.constant 80 : index
    %get3A_149 = tpu.vector_load %arg7[%get3A_147, %get3A_148] {strides = array<i32>} : memref<1x160xi32, #tpu.memory_space<vmem>>, vector<1x16xi32>,
    %get3A_150 = vector.shape_cast %get3A_149 : vector<1x16xi32> to vector<16xi32>
    %add3A_151 = vector.broadcast %mul3A_0 : i32 to vector<16xi32>
    %add3A_152 = arith.addi %get3A_150, %add3A_151 : vector<16xi32>
    %swap3A_153 = arith.constant 0 : i32
    %swap3A_154 = arith.index_cast %swap3A_153 : i32 to index
    %swap3A_155 = arith.constant 80 : index
    %swap3A_156 = tpu.vector_load %arg7[%swap3A_154, %swap3A_155] {strides = array<i32>} : memref<1x160xi32, #tpu.memory_space<vmem>>, vector<1x16xi32>,
    %swap3A_157 = vector.shape_cast %swap3A_156 : vector<1x16xi32> to vector<16xi32>
    %swap3A_158 = vector.shape_cast %add3A_152 : vector<16xi32> to vector<1x16xi32>
    tpu.vector_store %arg7[%swap3A_154, %swap3A_155], %swap3A_158 {strides = array<i32>} : memref<1x160xi32, #tpu.memory_space<vmem>>, vector<1x16xi32>,
    %get3A_159 = arith.constant 0 : i32
    %get3A_160 = arith.index_cast %get3A_159 : i32 to index
    %get3A_161 = arith.constant 96 : index
    %get3A_162 = tpu.vector_load %arg7[%get3A_160, %get3A_161] {strides = array<i32>} : memref<1x160xi32, #tpu.memory_space<vmem>>, vector<1x16xi32>,
    %get3A_163 = vector.shape_cast %get3A_162 : vector<1x16xi32> to vector<16xi32>
    %add3A_164 = vector.broadcast %mul3A_0 : i32 to vector<16xi32>
    %add3A_165 = arith.addi %get3A_163, %add3A_164 : vector<16xi32>
    %swap3A_166 = arith.constant 0 : i32
    %swap3A_167 = arith.index_cast %swap3A_166 : i32 to index
    %swap3A_168 = arith.constant 96 : index
    %swap3A_169 = tpu.vector_load %arg7[%swap3A_167, %swap3A_168] {strides = array<i32>} : memref<1x160xi32, #tpu.memory_space<vmem>>, vector<1x16xi32>,
    %swap3A_170 = vector.shape_cast %swap3A_169 : vector<1x16xi32> to vector<16xi32>
    %swap3A_171 = vector.shape_cast %add3A_165 : vector<16xi32> to vector<1x16xi32>
    tpu.vector_store %arg7[%swap3A_167, %swap3A_168], %swap3A_171 {strides = array<i32>} : memref<1x160xi32, #tpu.memory_space<vmem>>, vector<1x16xi32>,
    %get3A_172 = arith.constant 0 : i32
    %get3A_173 = arith.index_cast %get3A_172 : i32 to index
    %get3A_174 = arith.constant 112 : index
    %get3A_175 = tpu.vector_load %arg7[%get3A_173, %get3A_174] {strides = array<i32>} : memref<1x160xi32, #tpu.memory_space<vmem>>, vector<1x16xi32>,
    %get3A_176 = vector.shape_cast %get3A_175 : vector<1x16xi32> to vector<16xi32>
    %add3A_177 = vector.broadcast %mul3A_0 : i32 to vector<16xi32>
    %add3A_178 = arith.addi %get3A_176, %add3A_177 : vector<16xi32>
    %swap3A_179 = arith.constant 0 : i32
    %swap3A_180 = arith.index_cast %swap3A_179 : i32 to index
    %swap3A_181 = arith.constant 112 : index
    %swap3A_182 = tpu.vector_load %arg7[%swap3A_180, %swap3A_181] {strides = array<i32>} : memref<1x160xi32, #tpu.memory_space<vmem>>, vector<1x16xi32>,
    %swap3A_183 = vector.shape_cast %swap3A_182 : vector<1x16xi32> to vector<16xi32>
    %swap3A_184 = vector.shape_cast %add3A_178 : vector<16xi32> to vector<1x16xi32>
    tpu.vector_store %arg7[%swap3A_180, %swap3A_181], %swap3A_184 {strides = array<i32>} : memref<1x160xi32, #tpu.memory_space<vmem>>, vector<1x16xi32>,
    %get3A_185 = arith.constant 0 : i32
    %get3A_186 = arith.index_cast %get3A_185 : i32 to index
    %get3A_187 = arith.constant 128 : index
    %get3A_188 = tpu.vector_load %arg7[%get3A_186, %get3A_187] {strides = array<i32>} : memref<1x160xi32, #tpu.memory_space<vmem>>, vector<1x16xi32>,
    %get3A_189 = vector.shape_cast %get3A_188 : vector<1x16xi32> to vector<16xi32>
    %add3A_190 = vector.broadcast %mul3A_0 : i32 to vector<16xi32>
    %add3A_191 = arith.addi %get3A_189, %add3A_190 : vector<16xi32>
    %swap3A_192 = arith.constant 0 : i32
    %swap3A_193 = arith.index_cast %swap3A_192 : i32 to index
    %swap3A_194 = arith.constant 128 : index
    %swap3A_195 = tpu.vector_load %arg7[%swap3A_193, %swap3A_194] {strides = array<i32>} : memref<1x160xi32, #tpu.memory_space<vmem>>, vector<1x16xi32>,
    %swap3A_196 = vector.shape_cast %swap3A_195 : vector<1x16xi32> to vector<16xi32>
    %swap3A_197 = vector.shape_cast %add3A_191 : vector<16xi32> to vector<1x16xi32>
    tpu.vector_store %arg7[%swap3A_193, %swap3A_194], %swap3A_197 {strides = array<i32>} : memref<1x160xi32, #tpu.memory_space<vmem>>, vector<1x16xi32>,
    %get3A_198 = arith.constant 0 : i32
    %get3A_199 = arith.index_cast %get3A_198 : i32 to index
    %get3A_200 = arith.constant 144 : index
    %get3A_201 = tpu.vector_load %arg7[%get3A_199, %get3A_200] {strides = array<i32>} : memref<1x160xi32, #tpu.memory_space<vmem>>, vector<1x16xi32>,
    %get3A_202 = vector.shape_cast %get3A_201 : vector<1x16xi32> to vector<16xi32>
    %add3A_203 = vector.broadcast %mul3A_0 : i32 to vector<16xi32>
    %add3A_204 = arith.addi %get3A_202, %add3A_203 : vector<16xi32>
    %swap3A_205 = arith.constant 0 : i32
    %swap3A_206 = arith.index_cast %swap3A_205 : i32 to index
    %swap3A_207 = arith.constant 144 : index
    %swap3A_208 = tpu.vector_load %arg7[%swap3A_206, %swap3A_207] {strides = array<i32>} : memref<1x160xi32, #tpu.memory_space<vmem>>, vector<1x16xi32>,
    %swap3A_209 = vector.shape_cast %swap3A_208 : vector<1x16xi32> to vector<16xi32>
    %swap3A_210 = vector.shape_cast %add3A_204 : vector<16xi32> to vector<1x16xi32>
    tpu.vector_store %arg7[%swap3A_206, %swap3A_207], %swap3A_210 {strides = array<i32>} : memref<1x160xi32, #tpu.memory_space<vmem>>, vector<1x16xi32>,
    %dma_start3A_211 = arith.constant 0 : i32
    %dma_start3A_212 = arith.constant 0 : i32
    %dma_start3A_213 = tpu.memref_slice %arg7[%dma_start3A_211, %dma_start3A_212] : memref<1x160xi32, #tpu.memory_space<vmem>> -> memref<1x160xi32, #tpu.memory_space<vmem>>
    %dma_start3A_214 = tpu.memref_squeeze %dma_start3A_213 : memref<1x160xi32, #tpu.memory_space<vmem>> -> memref<160xi32, #tpu.memory_space<vmem>>
    %dma_start3A_215 = arith.constant 0 : i32
    %dma_start3A_216 = arith.constant 0 : i32
    %dma_start3A_217 = tpu.memref_slice %arg4[%dma_start3A_215, %dma_start3A_216] : memref<20000x128xf32, #tpu.memory_space<hbm>> -> memref<20000x128xf32, #tpu.memory_space<hbm>>
    tpu.enqueue_indirect_dma source(%dma_start3A_217 : memref<20000x128xf32, #tpu.memory_space<hbm>>) target(%arg15 : memref<160x128xf32, #tpu.memory_space<vmem>>) offsets(%dma_start3A_214 : memref<160xi32, #tpu.memory_space<vmem>>) semaphore(%arg17 : memref<!tpu.dma_semaphore, #tpu.memory_space<semaphore_mem>>)
    %mul3A_218 = arith.constant 64 : i32
    %mul3A_219 = arith.muli %arg1, %mul3A_218 : i32
    %add3A_220 = arith.constant 1 : i32
    %add3A_221 = arith.addi %mul3A_219, %add3A_220 : i32
    %dma_wait3A_222 = arith.constant 0 : i32
    %dma_wait3A_223 = tpu.memref_slice %arg2[%add3A_221, %dma_wait3A_222] : memref<1024x160xi32, #tpu.memory_space<hbm>> -> memref<1x160xi32, #tpu.memory_space<hbm>>
    %dma_wait3A_224 = arith.constant 0 : i32
    %dma_wait3A_225 = tpu.memref_slice %arg2[%add3A_221, %dma_wait3A_224] : memref<1024x160xi32, #tpu.memory_space<hbm>> -> memref<1x160xi32, #tpu.memory_space<hbm>>
    tpu.wait_dma2 semaphore(%arg20 : memref<!tpu.dma_semaphore, #tpu.memory_space<semaphore_mem>>) src(%dma_wait3A_225 : memref<1x160xi32, #tpu.memory_space<hbm>>) dst(%arg8 : memref<1x160xi32, #tpu.memory_space<vmem>>)
    %get3A_226 = arith.constant 0 : i32
    %get3A_227 = arith.index_cast %get3A_226 : i32 to index
    %get3A_228 = arith.constant 0 : index
    %get3A_229 = tpu.vector_load %arg8[%get3A_227, %get3A_228] {strides = array<i32>} : memref<1x160xi32, #tpu.memory_space<vmem>>, vector<1x16xi32>,
    %get3A_230 = vector.shape_cast %get3A_229 : vector<1x16xi32> to vector<16xi32>
    %add3A_231 = vector.broadcast %mul3A_0 : i32 to vector<16xi32>
    %add3A_232 = arith.addi %get3A_230, %add3A_231 : vector<16xi32>
    %swap3A_233 = arith.constant 0 : i32
    %swap3A_234 = arith.index_cast %swap3A_233 : i32 to index
    %swap3A_235 = arith.constant 0 : index
    %swap3A_236 = tpu.vector_load %arg8[%swap3A_234, %swap3A_235] {strides = array<i32>} : memref<1x160xi32, #tpu.memory_space<vmem>>, vector<1x16xi32>,
    %swap3A_237 = vector.shape_cast %swap3A_236 : vector<1x16xi32> to vector<16xi32>
    %swap3A_238 = vector.shape_cast %add3A_232 : vector<16xi32> to vector<1x16xi32>
    tpu.vector_store %arg8[%swap3A_234, %swap3A_235], %swap3A_238 {strides = array<i32>} : memref<1x160xi32, #tpu.memory_space<vmem>>, vector<1x16xi32>,
    %get3A_239 = arith.constant 0 : i32
    %get3A_240 = arith.index_cast %get3A_239 : i32 to index
    %get3A_241 = arith.constant 16 : index
    %get3A_242 = tpu.vector_load %arg8[%get3A_240, %get3A_241] {strides = array<i32>} : memref<1x160xi32, #tpu.memory_space<vmem>>, vector<1x16xi32>,
    %get3A_243 = vector.shape_cast %get3A_242 : vector<1x16xi32> to vector<16xi32>
    %add3A_244 = vector.broadcast %mul3A_0 : i32 to vector<16xi32>
    %add3A_245 = arith.addi %get3A_243, %add3A_244 : vector<16xi32>
    %swap3A_246 = arith.constant 0 : i32
    %swap3A_247 = arith.index_cast %swap3A_246 : i32 to index
    %swap3A_248 = arith.constant 16 : index
    %swap3A_249 = tpu.vector_load %arg8[%swap3A_247, %swap3A_248] {strides = array<i32>} : memref<1x160xi32, #tpu.memory_space<vmem>>, vector<1x16xi32>,
    %swap3A_250 = vector.shape_cast %swap3A_249 : vector<1x16xi32> to vector<16xi32>
    %swap3A_251 = vector.shape_cast %add3A_245 : vector<16xi32> to vector<1x16xi32>
    tpu.vector_store %arg8[%swap3A_247, %swap3A_248], %swap3A_251 {strides = array<i32>} : memref<1x160xi32, #tpu.memory_space<vmem>>, vector<1x16xi32>,
    %get3A_252 = arith.constant 0 : i32
    %get3A_253 = arith.index_cast %get3A_252 : i32 to index
    %get3A_254 = arith.constant 32 : index
    %get3A_255 = tpu.vector_load %arg8[%get3A_253, %get3A_254] {strides = array<i32>} : memref<1x160xi32, #tpu.memory_space<vmem>>, vector<1x16xi32>,
    %get3A_256 = vector.shape_cast %get3A_255 : vector<1x16xi32> to vector<16xi32>
    %add3A_257 = vector.broadcast %mul3A_0 : i32 to vector<16xi32>
    %add3A_258 = arith.addi %get3A_256, %add3A_257 : vector<16xi32>
    %swap3A_259 = arith.constant 0 : i32
    %swap3A_260 = arith.index_cast %swap3A_259 : i32 to index
    %swap3A_261 = arith.constant 32 : index
    %swap3A_262 = tpu.vector_load %arg8[%swap3A_260, %swap3A_261] {strides = array<i32>} : memref<1x160xi32, #tpu.memory_space<vmem>>, vector<1x16xi32>,
    %swap3A_263 = vector.shape_cast %swap3A_262 : vector<1x16xi32> to vector<16xi32>
    %swap3A_264 = vector.shape_cast %add3A_258 : vector<16xi32> to vector<1x16xi32>
    tpu.vector_store %arg8[%swap3A_260, %swap3A_261], %swap3A_264 {strides = array<i32>} : memref<1x160xi32, #tpu.memory_space<vmem>>, vector<1x16xi32>,
    %get3A_265 = arith.constant 0 : i32
    %get3A_266 = arith.index_cast %get3A_265 : i32 to index
    %get3A_267 = arith.constant 48 : index
    %get3A_268 = tpu.vector_load %arg8[%get3A_266, %get3A_267] {strides = array<i32>} : memref<1x160xi32, #tpu.memory_space<vmem>>, vector<1x16xi32>,
    %get3A_269 = vector.shape_cast %get3A_268 : vector<1x16xi32> to vector<16xi32>
    %add3A_270 = vector.broadcast %mul3A_0 : i32 to vector<16xi32>
    %add3A_271 = arith.addi %get3A_269, %add3A_270 : vector<16xi32>
    %swap3A_272 = arith.constant 0 : i32
    %swap3A_273 = arith.index_cast %swap3A_272 : i32 to index
    %swap3A_274 = arith.constant 48 : index
    %swap3A_275 = tpu.vector_load %arg8[%swap3A_273, %swap3A_274] {strides = array<i32>} : memref<1x160xi32, #tpu.memory_space<vmem>>, vector<1x16xi32>,
    %swap3A_276 = vector.shape_cast %swap3A_275 : vector<1x16xi32> to vector<16xi32>
    %swap3A_277 = vector.shape_cast %add3A_271 : vector<16xi32> to vector<1x16xi32>
    tpu.vector_store %arg8[%swap3A_273, %swap3A_274], %swap3A_277 {strides = array<i32>} : memref<1x160xi32, #tpu.memory_space<vmem>>, vector<1x16xi32>,
    %get3A_278 = arith.constant 0 : i32
    %get3A_279 = arith.index_cast %get3A_278 : i32 to index
    %get3A_280 = arith.constant 64 : index
    %get3A_281 = tpu.vector_load %arg8[%get3A_279, %get3A_280] {strides = array<i32>} : memref<1x160xi32, #tpu.memory_space<vmem>>, vector<1x16xi32>,
    %get3A_282 = vector.shape_cast %get3A_281 : vector<1x16xi32> to vector<16xi32>
    %add3A_283 = vector.broadcast %mul3A_0 : i32 to vector<16xi32>
    %add3A_284 = arith.addi %get3A_282, %add3A_283 : vector<16xi32>
    %swap3A_285 = arith.constant 0 : i32
    %swap3A_286 = arith.index_cast %swap3A_285 : i32 to index
    %swap3A_287 = arith.constant 64 : index
    %swap3A_288 = tpu.vector_load %arg8[%swap3A_286, %swap3A_287] {strides = array<i32>} : memref<1x160xi32, #tpu.memory_space<vmem>>, vector<1x16xi32>,
    %swap3A_289 = vector.shape_cast %swap3A_288 : vector<1x16xi32> to vector<16xi32>
    %swap3A_290 = vector.shape_cast %add3A_284 : vector<16xi32> to vector<1x16xi32>
    tpu.vector_store %arg8[%swap3A_286, %swap3A_287], %swap3A_290 {strides = array<i32>} : memref<1x160xi32, #tpu.memory_space<vmem>>, vector<1x16xi32>,
    %get3A_291 = arith.constant 0 : i32
    %get3A_292 = arith.index_cast %get3A_291 : i32 to index
    %get3A_293 = arith.constant 80 : index
    %get3A_294 = tpu.vector_load %arg8[%get3A_292, %get3A_293] {strides = array<i32>} : memref<1x160xi32, #tpu.memory_space<vmem>>, vector<1x16xi32>,
    %get3A_295 = vector.shape_cast %get3A_294 : vector<1x16xi32> to vector<16xi32>
    %add3A_296 = vector.broadcast %mul3A_0 : i32 to vector<16xi32>
    %add3A_297 = arith.addi %get3A_295, %add3A_296 : vector<16xi32>
    %swap3A_298 = arith.constant 0 : i32
    %swap3A_299 = arith.index_cast %swap3A_298 : i32 to index
    %swap3A_300 = arith.constant 80 : index
    %swap3A_301 = tpu.vector_load %arg8[%swap3A_299, %swap3A_300] {strides = array<i32>} : memref<1x160xi32, #tpu.memory_space<vmem>>, vector<1x16xi32>,
    %swap3A_302 = vector.shape_cast %swap3A_301 : vector<1x16xi32> to vector<16xi32>
    %swap3A_303 = vector.shape_cast %add3A_297 : vector<16xi32> to vector<1x16xi32>
    tpu.vector_store %arg8[%swap3A_299, %swap3A_300], %swap3A_303 {strides = array<i32>} : memref<1x160xi32, #tpu.memory_space<vmem>>, vector<1x16xi32>,
    %get3A_304 = arith.constant 0 : i32
    %get3A_305 = arith.index_cast %get3A_304 : i32 to index
    %get3A_306 = arith.constant 96 : index
    %get3A_307 = tpu.vector_load %arg8[%get3A_305, %get3A_306] {strides = array<i32>} : memref<1x160xi32, #tpu.memory_space<vmem>>, vector<1x16xi32>,
    %get3A_308 = vector.shape_cast %get3A_307 : vector<1x16xi32> to vector<16xi32>
    %add3A_309 = vector.broadcast %mul3A_0 : i32 to vector<16xi32>
    %add3A_310 = arith.addi %get3A_308, %add3A_309 : vector<16xi32>
    %swap3A_311 = arith.constant 0 : i32
    %swap3A_312 = arith.index_cast %swap3A_311 : i32 to index
    %swap3A_313 = arith.constant 96 : index
    %swap3A_314 = tpu.vector_load %arg8[%swap3A_312, %swap3A_313] {strides = array<i32>} : memref<1x160xi32, #tpu.memory_space<vmem>>, vector<1x16xi32>,
    %swap3A_315 = vector.shape_cast %swap3A_314 : vector<1x16xi32> to vector<16xi32>
    %swap3A_316 = vector.shape_cast %add3A_310 : vector<16xi32> to vector<1x16xi32>
    tpu.vector_store %arg8[%swap3A_312, %swap3A_313], %swap3A_316 {strides = array<i32>} : memref<1x160xi32, #tpu.memory_space<vmem>>, vector<1x16xi32>,
    %get3A_317 = arith.constant 0 : i32
    %get3A_318 = arith.index_cast %get3A_317 : i32 to index
    %get3A_319 = arith.constant 112 : index
    %get3A_320 = tpu.vector_load %arg8[%get3A_318, %get3A_319] {strides = array<i32>} : memref<1x160xi32, #tpu.memory_space<vmem>>, vector<1x16xi32>,
    %get3A_321 = vector.shape_cast %get3A_320 : vector<1x16xi32> to vector<16xi32>
    %add3A_322 = vector.broadcast %mul3A_0 : i32 to vector<16xi32>
    %add3A_323 = arith.addi %get3A_321, %add3A_322 : vector<16xi32>
    %swap3A_324 = arith.constant 0 : i32
    %swap3A_325 = arith.index_cast %swap3A_324 : i32 to index
    %swap3A_326 = arith.constant 112 : index
    %swap3A_327 = tpu.vector_load %arg8[%swap3A_325, %swap3A_326] {strides = array<i32>} : memref<1x160xi32, #tpu.memory_space<vmem>>, vector<1x16xi32>,
    %swap3A_328 = vector.shape_cast %swap3A_327 : vector<1x16xi32> to vector<16xi32>
    %swap3A_329 = vector.shape_cast %add3A_323 : vector<16xi32> to vector<1x16xi32>
    tpu.vector_store %arg8[%swap3A_325, %swap3A_326], %swap3A_329 {strides = array<i32>} : memref<1x160xi32, #tpu.memory_space<vmem>>, vector<1x16xi32>,
    %get3A_330 = arith.constant 0 : i32
    %get3A_331 = arith.index_cast %get3A_330 : i32 to index
    %get3A_332 = arith.constant 128 : index
    %get3A_333 = tpu.vector_load %arg8[%get3A_331, %get3A_332] {strides = array<i32>} : memref<1x160xi32, #tpu.memory_space<vmem>>, vector<1x16xi32>,
    %get3A_334 = vector.shape_cast %get3A_333 : vector<1x16xi32> to vector<16xi32>
    %add3A_335 = vector.broadcast %mul3A_0 : i32 to vector<16xi32>
    %add3A_336 = arith.addi %get3A_334, %add3A_335 : vector<16xi32>
    %swap3A_337 = arith.constant 0 : i32
    %swap3A_338 = arith.index_cast %swap3A_337 : i32 to index
    %swap3A_339 = arith.constant 128 : index
    %swap3A_340 = tpu.vector_load %arg8[%swap3A_338, %swap3A_339] {strides = array<i32>} : memref<1x160xi32, #tpu.memory_space<vmem>>, vector<1x16xi32>,
    %swap3A_341 = vector.shape_cast %swap3A_340 : vector<1x16xi32> to vector<16xi32>
    %swap3A_342 = vector.shape_cast %add3A_336 : vector<16xi32> to vector<1x16xi32>
    tpu.vector_store %arg8[%swap3A_338, %swap3A_339], %swap3A_342 {strides = array<i32>} : memref<1x160xi32, #tpu.memory_space<vmem>>, vector<1x16xi32>,
    %get3A_343 = arith.constant 0 : i32
    %get3A_344 = arith.index_cast %get3A_343 : i32 to index
    %get3A_345 = arith.constant 144 : index
    %get3A_346 = tpu.vector_load %arg8[%get3A_344, %get3A_345] {strides = array<i32>} : memref<1x160xi32, #tpu.memory_space<vmem>>, vector<1x16xi32>,
    %get3A_347 = vector.shape_cast %get3A_346 : vector<1x16xi32> to vector<16xi32>
    %add3A_348 = vector.broadcast %mul3A_0 : i32 to vector<16xi32>
    %add3A_349 = arith.addi %get3A_347, %add3A_348 : vector<16xi32>
    %swap3A_350 = arith.constant 0 : i32
    %swap3A_351 = arith.index_cast %swap3A_350 : i32 to index
    %swap3A_352 = arith.constant 144 : index
    %swap3A_353 = tpu.vector_load %arg8[%swap3A_351, %swap3A_352] {strides = array<i32>} : memref<1x160xi32, #tpu.memory_space<vmem>>, vector<1x16xi32>,
    %swap3A_354 = vector.shape_cast %swap3A_353 : vector<1x16xi32> to vector<16xi32>
    %swap3A_355 = vector.shape_cast %add3A_349 : vector<16xi32> to vector<1x16xi32>
    tpu.vector_store %arg8[%swap3A_351, %swap3A_352], %swap3A_355 {strides = array<i32>} : memref<1x160xi32, #tpu.memory_space<vmem>>, vector<1x16xi32>,
    %dma_start3A_356 = arith.constant 0 : i32
    %dma_start3A_357 = arith.constant 0 : i32
    %dma_start3A_358 = tpu.memref_slice %arg8[%dma_start3A_356, %dma_start3A_357] : memref<1x160xi32, #tpu.memory_space<vmem>> -> memref<1x160xi32, #tpu.memory_space<vmem>>
    %dma_start3A_359 = tpu.memref_squeeze %dma_start3A_358 : memref<1x160xi32, #tpu.memory_space<vmem>> -> memref<160xi32, #tpu.memory_space<vmem>>
    %dma_start3A_360 = arith.constant 0 : i32
    %dma_start3A_361 = arith.constant 0 : i32
    %dma_start3A_362 = tpu.memref_slice %arg4[%dma_start3A_360, %dma_start3A_361] : memref<20000x128xf32, #tpu.memory_space<hbm>> -> memref<20000x128xf32, #tpu.memory_space<hbm>>
    tpu.enqueue_indirect_dma source(%dma_start3A_362 : memref<20000x128xf32, #tpu.memory_space<hbm>>) target(%arg16 : memref<160x128xf32, #tpu.memory_space<vmem>>) offsets(%dma_start3A_359 : memref<160xi32, #tpu.memory_space<vmem>>) semaphore(%arg18 : memref<!tpu.dma_semaphore, #tpu.memory_space<semaphore_mem>>)
    %scan3A_363 = arith.constant 0 : i32
    %scan3A_364 = arith.constant 0 : i32
    %scan3A_365 = arith.constant 16 : i32
    %scan3A_366 = arith.addi %scan3A_364, %scan3A_365 : i32
    %scan3A_367 = arith.constant 1 : i32
    %scan3A_368 = scf.for %scan3A_392 = %scan3A_364 to %scan3A_366 step %scan3A_367 iter_args(%scan3A_393 = %scan3A_363) -> (i32)  : i32 {
      %mul3A_394 = arith.constant 4 : i32
      %mul3A_395 = arith.muli %scan3A_392, %mul3A_394 : i32
      %add3A_396 = arith.constant 0 : i32
      %add3A_397 = arith.addi %mul3A_395, %add3A_396 : i32
      %dma_wait3A_398 = arith.constant 0 : i32
      %dma_wait3A_399 = arith.constant 0 : i32
      %dma_wait3A_400 = tpu.memref_slice %arg7[%dma_wait3A_398, %dma_wait3A_399] : memref<1x160xi32, #tpu.memory_space<vmem>> -> memref<1x160xi32, #tpu.memory_space<vmem>>
      %dma_wait3A_401 = tpu.memref_squeeze %dma_wait3A_400 : memref<1x160xi32, #tpu.memory_space<vmem>> -> memref<160xi32, #tpu.memory_space<vmem>>
      %dma_wait3A_402 = arith.constant 0 : i32
      %dma_wait3A_403 = arith.constant 0 : i32
      %dma_wait3A_404 = tpu.memref_slice %arg4[%dma_wait3A_402, %dma_wait3A_403] : memref<20000x128xf32, #tpu.memory_space<hbm>> -> memref<20000x128xf32, #tpu.memory_space<hbm>>
      tpu.wait_indirect_dma semaphore(%arg17 : memref<!tpu.dma_semaphore, #tpu.memory_space<semaphore_mem>>) src(%dma_wait3A_404 : memref<20000x128xf32, #tpu.memory_space<hbm>>) dst(%arg15 : memref<160x128xf32, #tpu.memory_space<vmem>>)
      %mul3A_405 = arith.constant 64 : i32
      %mul3A_406 = arith.muli %arg1, %mul3A_405 : i32
      %add3A_407 = arith.addi %mul3A_406, %add3A_397 : i32
      %dma_wait3A_408 = arith.constant 0 : i32
      %dma_wait3A_409 = tpu.memref_slice %arg3[%add3A_407, %dma_wait3A_408] : memref<1024x160xi32, #tpu.memory_space<hbm>> -> memref<1x160xi32, #tpu.memory_space<hbm>>
      %dma_wait3A_410 = arith.constant 0 : i32
      %dma_wait3A_411 = tpu.memref_slice %arg3[%add3A_407, %dma_wait3A_410] : memref<1024x160xi32, #tpu.memory_space<hbm>> -> memref<1x160xi32, #tpu.memory_space<hbm>>
      tpu.wait_dma2 semaphore(%arg23 : memref<!tpu.dma_semaphore, #tpu.memory_space<semaphore_mem>>) src(%dma_wait3A_411 : memref<1x160xi32, #tpu.memory_space<hbm>>) dst(%arg11 : memref<1x160xi32, #tpu.memory_space<vmem>>)
      %dma_start3A_412 = arith.constant 0 : i32
      %dma_start3A_413 = arith.constant 0 : i32
      %dma_start3A_414 = tpu.memref_slice %arg11[%dma_start3A_412, %dma_start3A_413] : memref<1x160xi32, #tpu.memory_space<vmem>> -> memref<1x160xi32, #tpu.memory_space<vmem>>
      %dma_start3A_415 = tpu.memref_squeeze %dma_start3A_414 : memref<1x160xi32, #tpu.memory_space<vmem>> -> memref<160xi32, #tpu.memory_space<vmem>>
      %dma_start3A_416 = arith.constant 0 : i32
      %dma_start3A_417 = arith.constant 0 : i32
      %dma_start3A_418 = tpu.memref_slice %arg6[%dma_start3A_416, %dma_start3A_417] : memref<10240x128xf32, #tpu.memory_space<vmem_shared>> -> memref<10240x128xf32, #tpu.memory_space<vmem_shared>>
      tpu.enqueue_indirect_dma source(%arg15 : memref<160x128xf32, #tpu.memory_space<vmem>>) target(%dma_start3A_418 : memref<10240x128xf32, #tpu.memory_space<vmem_shared>>) offsets(%dma_start3A_415 : memref<160xi32, #tpu.memory_space<vmem>>) semaphore(%arg27 : memref<!tpu.dma_semaphore, #tpu.memory_space<semaphore_mem>>) {add = true}
      %add3A_419 = arith.constant 4 : i32
      %add3A_420 = arith.addi %add3A_397, %add3A_419 : i32
      %add3A_421 = arith.constant 2 : i32
      %add3A_422 = arith.addi %add3A_397, %add3A_421 : i32
      %lt3A = arith.constant 64 : i32
      %lt3A_423 = arith.cmpi slt, %add3A_422, %lt3A : i32
      %convert_element_type3A = arith.extui %lt3A_423 : i1 to i32
      %cond3A = arith.constant 0 : i32
      %cond3A_424 = arith.cmpi ne, %convert_element_type3A, %cond3A : i32
      scf.if %cond3A_424 {
        %dma_wait3A_528 = arith.constant 0 : i32
        %dma_wait3A_529 = arith.constant 0 : i32
        %dma_wait3A_530 = tpu.memref_slice %arg11[%dma_wait3A_528, %dma_wait3A_529] : memref<1x160xi32, #tpu.memory_space<vmem>> -> memref<1x160xi32, #tpu.memory_space<vmem>>
        %dma_wait3A_531 = tpu.memref_squeeze %dma_wait3A_530 : memref<1x160xi32, #tpu.memory_space<vmem>> -> memref<160xi32, #tpu.memory_space<vmem>>
        %dma_wait3A_532 = arith.constant 0 : i32
        %dma_wait3A_533 = arith.constant 0 : i32
        %dma_wait3A_534 = tpu.memref_slice %arg6[%dma_wait3A_532, %dma_wait3A_533] : memref<10240x128xf32, #tpu.memory_space<vmem_shared>> -> memref<10240x128xf32, #tpu.memory_space<vmem_shared>>
        tpu.wait_indirect_dma semaphore(%arg27 : memref<!tpu.dma_semaphore, #tpu.memory_space<semaphore_mem>>) src(%arg15 : memref<160x128xf32, #tpu.memory_space<vmem>>) dst(%dma_wait3A_534 : memref<10240x128xf32, #tpu.memory_space<vmem_shared>>)
        %lt3A_535 = arith.constant 64 : i32
        %lt3A_536 = arith.cmpi slt, %add3A_420, %lt3A_535 : i32
        %convert_element_type3A_537 = arith.extui %lt3A_536 : i1 to i32
        %cond3A_538 = arith.constant 0 : i32
        %cond3A_539 = arith.cmpi ne, %convert_element_type3A_537, %cond3A_538 : i32
        scf.if %cond3A_539 {
          %mul3A_684 = arith.constant 64 : i32
          %mul3A_685 = arith.muli %arg1, %mul3A_684 : i32
          %add3A_686 = arith.addi %mul3A_685, %add3A_420 : i32
          %dma_start3A_687 = arith.constant 0 : i32
          %dma_start3A_688 = tpu.memref_slice %arg2[%add3A_686, %dma_start3A_687] : memref<1024x160xi32, #tpu.memory_space<hbm>> -> memref<1x160xi32, #tpu.memory_space<hbm>>
          %dma_start3A_689 = arith.constant 0 : i32
          %dma_start3A_690 = tpu.memref_slice %arg2[%add3A_686, %dma_start3A_689] : memref<1024x160xi32, #tpu.memory_space<hbm>> -> memref<1x160xi32, #tpu.memory_space<hbm>>
          tpu.enqueue_dma source(%dma_start3A_690 : memref<1x160xi32, #tpu.memory_space<hbm>>) target(%arg7 : memref<1x160xi32, #tpu.memory_space<vmem>>) target_semaphore(%arg19 : memref<!tpu.dma_semaphore, #tpu.memory_space<semaphore_mem>>)
          %mul3A_691 = arith.constant 64 : i32
          %mul3A_692 = arith.muli %arg1, %mul3A_691 : i32
          %add3A_693 = arith.addi %mul3A_692, %add3A_420 : i32
          %dma_start3A_694 = arith.constant 0 : i32
          %dma_start3A_695 = tpu.memref_slice %arg3[%add3A_693, %dma_start3A_694] : memref<1024x160xi32, #tpu.memory_space<hbm>> -> memref<1x160xi32, #tpu.memory_space<hbm>>
          %dma_start3A_696 = arith.constant 0 : i32
          %dma_start3A_697 = tpu.memref_slice %arg3[%add3A_693, %dma_start3A_696] : memref<1024x160xi32, #tpu.memory_space<hbm>> -> memref<1x160xi32, #tpu.memory_space<hbm>>
          tpu.enqueue_dma source(%dma_start3A_697 : memref<1x160xi32, #tpu.memory_space<hbm>>) target(%arg11 : memref<1x160xi32, #tpu.memory_space<vmem>>) target_semaphore(%arg23 : memref<!tpu.dma_semaphore, #tpu.memory_space<semaphore_mem>>)
        } else {
        }
        %mul3A_540 = arith.constant 64 : i32
        %mul3A_541 = arith.muli %arg1, %mul3A_540 : i32
        %add3A_542 = arith.addi %mul3A_541, %add3A_422 : i32
        %dma_wait3A_543 = arith.constant 0 : i32
        %dma_wait3A_544 = tpu.memref_slice %arg2[%add3A_542, %dma_wait3A_543] : memref<1024x160xi32, #tpu.memory_space<hbm>> -> memref<1x160xi32, #tpu.memory_space<hbm>>
        %dma_wait3A_545 = arith.constant 0 : i32
        %dma_wait3A_546 = tpu.memref_slice %arg2[%add3A_542, %dma_wait3A_545] : memref<1024x160xi32, #tpu.memory_space<hbm>> -> memref<1x160xi32, #tpu.memory_space<hbm>>
        tpu.wait_dma2 semaphore(%arg21 : memref<!tpu.dma_semaphore, #tpu.memory_space<semaphore_mem>>) src(%dma_wait3A_546 : memref<1x160xi32, #tpu.memory_space<hbm>>) dst(%arg9 : memref<1x160xi32, #tpu.memory_space<vmem>>)
        %get3A_547 = arith.constant 0 : i32
        %get3A_548 = arith.index_cast %get3A_547 : i32 to index
        %get3A_549 = arith.constant 0 : index
        %get3A_550 = tpu.vector_load %arg9[%get3A_548, %get3A_549] {strides = array<i32>} : memref<1x160xi32, #tpu.memory_space<vmem>>, vector<1x16xi32>,
        %get3A_551 = vector.shape_cast %get3A_550 : vector<1x16xi32> to vector<16xi32>
        %add3A_552 = vector.broadcast %mul3A_0 : i32 to vector<16xi32>
        %add3A_553 = arith.addi %get3A_551, %add3A_552 : vector<16xi32>
        %swap3A_554 = arith.constant 0 : i32
        %swap3A_555 = arith.index_cast %swap3A_554 : i32 to index
        %swap3A_556 = arith.constant 0 : index
        %swap3A_557 = tpu.vector_load %arg9[%swap3A_555, %swap3A_556] {strides = array<i32>} : memref<1x160xi32, #tpu.memory_space<vmem>>, vector<1x16xi32>,
        %swap3A_558 = vector.shape_cast %swap3A_557 : vector<1x16xi32> to vector<16xi32>
        %swap3A_559 = vector.shape_cast %add3A_553 : vector<16xi32> to vector<1x16xi32>
        tpu.vector_store %arg9[%swap3A_555, %swap3A_556], %swap3A_559 {strides = array<i32>} : memref<1x160xi32, #tpu.memory_space<vmem>>, vector<1x16xi32>,
        %get3A_560 = arith.constant 0 : i32
        %get3A_561 = arith.index_cast %get3A_560 : i32 to index
        %get3A_562 = arith.constant 16 : index
        %get3A_563 = tpu.vector_load %arg9[%get3A_561, %get3A_562] {strides = array<i32>} : memref<1x160xi32, #tpu.memory_space<vmem>>, vector<1x16xi32>,
        %get3A_564 = vector.shape_cast %get3A_563 : vector<1x16xi32> to vector<16xi32>
        %add3A_565 = vector.broadcast %mul3A_0 : i32 to vector<16xi32>
        %add3A_566 = arith.addi %get3A_564, %add3A_565 : vector<16xi32>
        %swap3A_567 = arith.constant 0 : i32
        %swap3A_568 = arith.index_cast %swap3A_567 : i32 to index
        %swap3A_569 = arith.constant 16 : index
        %swap3A_570 = tpu.vector_load %arg9[%swap3A_568, %swap3A_569] {strides = array<i32>} : memref<1x160xi32, #tpu.memory_space<vmem>>, vector<1x16xi32>,
        %swap3A_571 = vector.shape_cast %swap3A_570 : vector<1x16xi32> to vector<16xi32>
        %swap3A_572 = vector.shape_cast %add3A_566 : vector<16xi32> to vector<1x16xi32>
        tpu.vector_store %arg9[%swap3A_568, %swap3A_569], %swap3A_572 {strides = array<i32>} : memref<1x160xi32, #tpu.memory_space<vmem>>, vector<1x16xi32>,
        %get3A_573 = arith.constant 0 : i32
        %get3A_574 = arith.index_cast %get3A_573 : i32 to index
        %get3A_575 = arith.constant 32 : index
        %get3A_576 = tpu.vector_load %arg9[%get3A_574, %get3A_575] {strides = array<i32>} : memref<1x160xi32, #tpu.memory_space<vmem>>, vector<1x16xi32>,
        %get3A_577 = vector.shape_cast %get3A_576 : vector<1x16xi32> to vector<16xi32>
        %add3A_578 = vector.broadcast %mul3A_0 : i32 to vector<16xi32>
        %add3A_579 = arith.addi %get3A_577, %add3A_578 : vector<16xi32>
        %swap3A_580 = arith.constant 0 : i32
        %swap3A_581 = arith.index_cast %swap3A_580 : i32 to index
        %swap3A_582 = arith.constant 32 : index
        %swap3A_583 = tpu.vector_load %arg9[%swap3A_581, %swap3A_582] {strides = array<i32>} : memref<1x160xi32, #tpu.memory_space<vmem>>, vector<1x16xi32>,
        %swap3A_584 = vector.shape_cast %swap3A_583 : vector<1x16xi32> to vector<16xi32>
        %swap3A_585 = vector.shape_cast %add3A_579 : vector<16xi32> to vector<1x16xi32>
        tpu.vector_store %arg9[%swap3A_581, %swap3A_582], %swap3A_585 {strides = array<i32>} : memref<1x160xi32, #tpu.memory_space<vmem>>, vector<1x16xi32>,
        %get3A_586 = arith.constant 0 : i32
        %get3A_587 = arith.index_cast %get3A_586 : i32 to index
        %get3A_588 = arith.constant 48 : index
        %get3A_589 = tpu.vector_load %arg9[%get3A_587, %get3A_588] {strides = array<i32>} : memref<1x160xi32, #tpu.memory_space<vmem>>, vector<1x16xi32>,
        %get3A_590 = vector.shape_cast %get3A_589 : vector<1x16xi32> to vector<16xi32>
        %add3A_591 = vector.broadcast %mul3A_0 : i32 to vector<16xi32>
        %add3A_592 = arith.addi %get3A_590, %add3A_591 : vector<16xi32>
        %swap3A_593 = arith.constant 0 : i32
        %swap3A_594 = arith.index_cast %swap3A_593 : i32 to index
        %swap3A_595 = arith.constant 48 : index
        %swap3A_596 = tpu.vector_load %arg9[%swap3A_594, %swap3A_595] {strides = array<i32>} : memref<1x160xi32, #tpu.memory_space<vmem>>, vector<1x16xi32>,
        %swap3A_597 = vector.shape_cast %swap3A_596 : vector<1x16xi32> to vector<16xi32>
        %swap3A_598 = vector.shape_cast %add3A_592 : vector<16xi32> to vector<1x16xi32>
        tpu.vector_store %arg9[%swap3A_594, %swap3A_595], %swap3A_598 {strides = array<i32>} : memref<1x160xi32, #tpu.memory_space<vmem>>, vector<1x16xi32>,
        %get3A_599 = arith.constant 0 : i32
        %get3A_600 = arith.index_cast %get3A_599 : i32 to index
        %get3A_601 = arith.constant 64 : index
        %get3A_602 = tpu.vector_load %arg9[%get3A_600, %get3A_601] {strides = array<i32>} : memref<1x160xi32, #tpu.memory_space<vmem>>, vector<1x16xi32>,
        %get3A_603 = vector.shape_cast %get3A_602 : vector<1x16xi32> to vector<16xi32>
        %add3A_604 = vector.broadcast %mul3A_0 : i32 to vector<16xi32>
        %add3A_605 = arith.addi %get3A_603, %add3A_604 : vector<16xi32>
        %swap3A_606 = arith.constant 0 : i32
        %swap3A_607 = arith.index_cast %swap3A_606 : i32 to index
        %swap3A_608 = arith.constant 64 : index
        %swap3A_609 = tpu.vector_load %arg9[%swap3A_607, %swap3A_608] {strides = array<i32>} : memref<1x160xi32, #tpu.memory_space<vmem>>, vector<1x16xi32>,
        %swap3A_610 = vector.shape_cast %swap3A_609 : vector<1x16xi32> to vector<16xi32>
        %swap3A_611 = vector.shape_cast %add3A_605 : vector<16xi32> to vector<1x16xi32>
        tpu.vector_store %arg9[%swap3A_607, %swap3A_608], %swap3A_611 {strides = array<i32>} : memref<1x160xi32, #tpu.memory_space<vmem>>, vector<1x16xi32>,
        %get3A_612 = arith.constant 0 : i32
        %get3A_613 = arith.index_cast %get3A_612 : i32 to index
        %get3A_614 = arith.constant 80 : index
        %get3A_615 = tpu.vector_load %arg9[%get3A_613, %get3A_614] {strides = array<i32>} : memref<1x160xi32, #tpu.memory_space<vmem>>, vector<1x16xi32>,
        %get3A_616 = vector.shape_cast %get3A_615 : vector<1x16xi32> to vector<16xi32>
        %add3A_617 = vector.broadcast %mul3A_0 : i32 to vector<16xi32>
        %add3A_618 = arith.addi %get3A_616, %add3A_617 : vector<16xi32>
        %swap3A_619 = arith.constant 0 : i32
        %swap3A_620 = arith.index_cast %swap3A_619 : i32 to index
        %swap3A_621 = arith.constant 80 : index
        %swap3A_622 = tpu.vector_load %arg9[%swap3A_620, %swap3A_621] {strides = array<i32>} : memref<1x160xi32, #tpu.memory_space<vmem>>, vector<1x16xi32>,
        %swap3A_623 = vector.shape_cast %swap3A_622 : vector<1x16xi32> to vector<16xi32>
        %swap3A_624 = vector.shape_cast %add3A_618 : vector<16xi32> to vector<1x16xi32>
        tpu.vector_store %arg9[%swap3A_620, %swap3A_621], %swap3A_624 {strides = array<i32>} : memref<1x160xi32, #tpu.memory_space<vmem>>, vector<1x16xi32>,
        %get3A_625 = arith.constant 0 : i32
        %get3A_626 = arith.index_cast %get3A_625 : i32 to index
        %get3A_627 = arith.constant 96 : index
        %get3A_628 = tpu.vector_load %arg9[%get3A_626, %get3A_627] {strides = array<i32>} : memref<1x160xi32, #tpu.memory_space<vmem>>, vector<1x16xi32>,
        %get3A_629 = vector.shape_cast %get3A_628 : vector<1x16xi32> to vector<16xi32>
        %add3A_630 = vector.broadcast %mul3A_0 : i32 to vector<16xi32>
        %add3A_631 = arith.addi %get3A_629, %add3A_630 : vector<16xi32>
        %swap3A_632 = arith.constant 0 : i32
        %swap3A_633 = arith.index_cast %swap3A_632 : i32 to index
        %swap3A_634 = arith.constant 96 : index
        %swap3A_635 = tpu.vector_load %arg9[%swap3A_633, %swap3A_634] {strides = array<i32>} : memref<1x160xi32, #tpu.memory_space<vmem>>, vector<1x16xi32>,
        %swap3A_636 = vector.shape_cast %swap3A_635 : vector<1x16xi32> to vector<16xi32>
        %swap3A_637 = vector.shape_cast %add3A_631 : vector<16xi32> to vector<1x16xi32>
        tpu.vector_store %arg9[%swap3A_633, %swap3A_634], %swap3A_637 {strides = array<i32>} : memref<1x160xi32, #tpu.memory_space<vmem>>, vector<1x16xi32>,
        %get3A_638 = arith.constant 0 : i32
        %get3A_639 = arith.index_cast %get3A_638 : i32 to index
        %get3A_640 = arith.constant 112 : index
        %get3A_641 = tpu.vector_load %arg9[%get3A_639, %get3A_640] {strides = array<i32>} : memref<1x160xi32, #tpu.memory_space<vmem>>, vector<1x16xi32>,
        %get3A_642 = vector.shape_cast %get3A_641 : vector<1x16xi32> to vector<16xi32>
        %add3A_643 = vector.broadcast %mul3A_0 : i32 to vector<16xi32>
        %add3A_644 = arith.addi %get3A_642, %add3A_643 : vector<16xi32>
        %swap3A_645 = arith.constant 0 : i32
        %swap3A_646 = arith.index_cast %swap3A_645 : i32 to index
        %swap3A_647 = arith.constant 112 : index
        %swap3A_648 = tpu.vector_load %arg9[%swap3A_646, %swap3A_647] {strides = array<i32>} : memref<1x160xi32, #tpu.memory_space<vmem>>, vector<1x16xi32>,
        %swap3A_649 = vector.shape_cast %swap3A_648 : vector<1x16xi32> to vector<16xi32>
        %swap3A_650 = vector.shape_cast %add3A_644 : vector<16xi32> to vector<1x16xi32>
        tpu.vector_store %arg9[%swap3A_646, %swap3A_647], %swap3A_650 {strides = array<i32>} : memref<1x160xi32, #tpu.memory_space<vmem>>, vector<1x16xi32>,
        %get3A_651 = arith.constant 0 : i32
        %get3A_652 = arith.index_cast %get3A_651 : i32 to index
        %get3A_653 = arith.constant 128 : index
        %get3A_654 = tpu.vector_load %arg9[%get3A_652, %get3A_653] {strides = array<i32>} : memref<1x160xi32, #tpu.memory_space<vmem>>, vector<1x16xi32>,
        %get3A_655 = vector.shape_cast %get3A_654 : vector<1x16xi32> to vector<16xi32>
        %add3A_656 = vector.broadcast %mul3A_0 : i32 to vector<16xi32>
        %add3A_657 = arith.addi %get3A_655, %add3A_656 : vector<16xi32>
        %swap3A_658 = arith.constant 0 : i32
        %swap3A_659 = arith.index_cast %swap3A_658 : i32 to index
        %swap3A_660 = arith.constant 128 : index
        %swap3A_661 = tpu.vector_load %arg9[%swap3A_659, %swap3A_660] {strides = array<i32>} : memref<1x160xi32, #tpu.memory_space<vmem>>, vector<1x16xi32>,
        %swap3A_662 = vector.shape_cast %swap3A_661 : vector<1x16xi32> to vector<16xi32>
        %swap3A_663 = vector.shape_cast %add3A_657 : vector<16xi32> to vector<1x16xi32>
        tpu.vector_store %arg9[%swap3A_659, %swap3A_660], %swap3A_663 {strides = array<i32>} : memref<1x160xi32, #tpu.memory_space<vmem>>, vector<1x16xi32>,
        %get3A_664 = arith.constant 0 : i32
        %get3A_665 = arith.index_cast %get3A_664 : i32 to index
        %get3A_666 = arith.constant 144 : index
        %get3A_667 = tpu.vector_load %arg9[%get3A_665, %get3A_666] {strides = array<i32>} : memref<1x160xi32, #tpu.memory_space<vmem>>, vector<1x16xi32>,
        %get3A_668 = vector.shape_cast %get3A_667 : vector<1x16xi32> to vector<16xi32>
        %add3A_669 = vector.broadcast %mul3A_0 : i32 to vector<16xi32>
        %add3A_670 = arith.addi %get3A_668, %add3A_669 : vector<16xi32>
        %swap3A_671 = arith.constant 0 : i32
        %swap3A_672 = arith.index_cast %swap3A_671 : i32 to index
        %swap3A_673 = arith.constant 144 : index
        %swap3A_674 = tpu.vector_load %arg9[%swap3A_672, %swap3A_673] {strides = array<i32>} : memref<1x160xi32, #tpu.memory_space<vmem>>, vector<1x16xi32>,
        %swap3A_675 = vector.shape_cast %swap3A_674 : vector<1x16xi32> to vector<16xi32>
        %swap3A_676 = vector.shape_cast %add3A_670 : vector<16xi32> to vector<1x16xi32>
        tpu.vector_store %arg9[%swap3A_672, %swap3A_673], %swap3A_676 {strides = array<i32>} : memref<1x160xi32, #tpu.memory_space<vmem>>, vector<1x16xi32>,
        %dma_start3A_677 = arith.constant 0 : i32
        %dma_start3A_678 = arith.constant 0 : i32
        %dma_start3A_679 = tpu.memref_slice %arg9[%dma_start3A_677, %dma_start3A_678] : memref<1x160xi32, #tpu.memory_space<vmem>> -> memref<1x160xi32, #tpu.memory_space<vmem>>
        %dma_start3A_680 = tpu.memref_squeeze %dma_start3A_679 : memref<1x160xi32, #tpu.memory_space<vmem>> -> memref<160xi32, #tpu.memory_space<vmem>>
        %dma_start3A_681 = arith.constant 0 : i32
        %dma_start3A_682 = arith.constant 0 : i32
        %dma_start3A_683 = tpu.memref_slice %arg4[%dma_start3A_681, %dma_start3A_682] : memref<20000x128xf32, #tpu.memory_space<hbm>> -> memref<20000x128xf32, #tpu.memory_space<hbm>>
        tpu.enqueue_indirect_dma source(%dma_start3A_683 : memref<20000x128xf32, #tpu.memory_space<hbm>>) target(%arg15 : memref<160x128xf32, #tpu.memory_space<vmem>>) offsets(%dma_start3A_680 : memref<160xi32, #tpu.memory_space<vmem>>) semaphore(%arg17 : memref<!tpu.dma_semaphore, #tpu.memory_space<semaphore_mem>>)
      } else {
      }
      %mul3A_425 = arith.constant 4 : i32
      %mul3A_426 = arith.muli %scan3A_392, %mul3A_425 : i32
      %add3A_427 = arith.constant 1 : i32
      %add3A_428 = arith.addi %mul3A_426, %add3A_427 : i32
      %dma_wait3A_429 = arith.constant 0 : i32
      %dma_wait3A_430 = arith.constant 0 : i32
      %dma_wait3A_431 = tpu.memref_slice %arg8[%dma_wait3A_429, %dma_wait3A_430] : memref<1x160xi32, #tpu.memory_space<vmem>> -> memref<1x160xi32, #tpu.memory_space<vmem>>
      %dma_wait3A_432 = tpu.memref_squeeze %dma_wait3A_431 : memref<1x160xi32, #tpu.memory_space<vmem>> -> memref<160xi32, #tpu.memory_space<vmem>>
      %dma_wait3A_433 = arith.constant 0 : i32
      %dma_wait3A_434 = arith.constant 0 : i32
      %dma_wait3A_435 = tpu.memref_slice %arg4[%dma_wait3A_433, %dma_wait3A_434] : memref<20000x128xf32, #tpu.memory_space<hbm>> -> memref<20000x128xf32, #tpu.memory_space<hbm>>
      tpu.wait_indirect_dma semaphore(%arg18 : memref<!tpu.dma_semaphore, #tpu.memory_space<semaphore_mem>>) src(%dma_wait3A_435 : memref<20000x128xf32, #tpu.memory_space<hbm>>) dst(%arg16 : memref<160x128xf32, #tpu.memory_space<vmem>>)
      %mul3A_436 = arith.constant 64 : i32
      %mul3A_437 = arith.muli %arg1, %mul3A_436 : i32
      %add3A_438 = arith.addi %mul3A_437, %add3A_428 : i32
      %dma_wait3A_439 = arith.constant 0 : i32
      %dma_wait3A_440 = tpu.memref_slice %arg3[%add3A_438, %dma_wait3A_439] : memref<1024x160xi32, #tpu.memory_space<hbm>> -> memref<1x160xi32, #tpu.memory_space<hbm>>
      %dma_wait3A_441 = arith.constant 0 : i32
      %dma_wait3A_442 = tpu.memref_slice %arg3[%add3A_438, %dma_wait3A_441] : memref<1024x160xi32, #tpu.memory_space<hbm>> -> memref<1x160xi32, #tpu.memory_space<hbm>>
      tpu.wait_dma2 semaphore(%arg24 : memref<!tpu.dma_semaphore, #tpu.memory_space<semaphore_mem>>) src(%dma_wait3A_442 : memref<1x160xi32, #tpu.memory_space<hbm>>) dst(%arg12 : memref<1x160xi32, #tpu.memory_space<vmem>>)
      %dma_start3A_443 = arith.constant 0 : i32
      %dma_start3A_444 = arith.constant 0 : i32
      %dma_start3A_445 = tpu.memref_slice %arg12[%dma_start3A_443, %dma_start3A_444] : memref<1x160xi32, #tpu.memory_space<vmem>> -> memref<1x160xi32, #tpu.memory_space<vmem>>
      %dma_start3A_446 = tpu.memref_squeeze %dma_start3A_445 : memref<1x160xi32, #tpu.memory_space<vmem>> -> memref<160xi32, #tpu.memory_space<vmem>>
      %dma_start3A_447 = arith.constant 0 : i32
      %dma_start3A_448 = arith.constant 0 : i32
      %dma_start3A_449 = tpu.memref_slice %arg6[%dma_start3A_447, %dma_start3A_448] : memref<10240x128xf32, #tpu.memory_space<vmem_shared>> -> memref<10240x128xf32, #tpu.memory_space<vmem_shared>>
      tpu.enqueue_indirect_dma source(%arg16 : memref<160x128xf32, #tpu.memory_space<vmem>>) target(%dma_start3A_449 : memref<10240x128xf32, #tpu.memory_space<vmem_shared>>) offsets(%dma_start3A_446 : memref<160xi32, #tpu.memory_space<vmem>>) semaphore(%arg28 : memref<!tpu.dma_semaphore, #tpu.memory_space<semaphore_mem>>) {add = true}
      %add3A_450 = arith.constant 4 : i32
      %add3A_451 = arith.addi %add3A_428, %add3A_450 : i32
      %add3A_452 = arith.constant 2 : i32
      %add3A_453 = arith.addi %add3A_428, %add3A_452 : i32
      %lt3A_454 = arith.constant 64 : i32
      %lt3A_455 = arith.cmpi slt, %add3A_453, %lt3A_454 : i32
      %convert_element_type3A_456 = arith.extui %lt3A_455 : i1 to i32
      %cond3A_457 = arith.constant 0 : i32
      %cond3A_458 = arith.cmpi ne, %convert_element_type3A_456, %cond3A_457 : i32
      scf.if %cond3A_458 {
        %dma_wait3A_528 = arith.constant 0 : i32
        %dma_wait3A_529 = arith.constant 0 : i32
        %dma_wait3A_530 = tpu.memref_slice %arg12[%dma_wait3A_528, %dma_wait3A_529] : memref<1x160xi32, #tpu.memory_space<vmem>> -> memref<1x160xi32, #tpu.memory_space<vmem>>
        %dma_wait3A_531 = tpu.memref_squeeze %dma_wait3A_530 : memref<1x160xi32, #tpu.memory_space<vmem>> -> memref<160xi32, #tpu.memory_space<vmem>>
        %dma_wait3A_532 = arith.constant 0 : i32
        %dma_wait3A_533 = arith.constant 0 : i32
        %dma_wait3A_534 = tpu.memref_slice %arg6[%dma_wait3A_532, %dma_wait3A_533] : memref<10240x128xf32, #tpu.memory_space<vmem_shared>> -> memref<10240x128xf32, #tpu.memory_space<vmem_shared>>
        tpu.wait_indirect_dma semaphore(%arg28 : memref<!tpu.dma_semaphore, #tpu.memory_space<semaphore_mem>>) src(%arg16 : memref<160x128xf32, #tpu.memory_space<vmem>>) dst(%dma_wait3A_534 : memref<10240x128xf32, #tpu.memory_space<vmem_shared>>)
        %lt3A_535 = arith.constant 64 : i32
        %lt3A_536 = arith.cmpi slt, %add3A_451, %lt3A_535 : i32
        %convert_element_type3A_537 = arith.extui %lt3A_536 : i1 to i32
        %cond3A_538 = arith.constant 0 : i32
        %cond3A_539 = arith.cmpi ne, %convert_element_type3A_537, %cond3A_538 : i32
        scf.if %cond3A_539 {
          %mul3A_684 = arith.constant 64 : i32
          %mul3A_685 = arith.muli %arg1, %mul3A_684 : i32
          %add3A_686 = arith.addi %mul3A_685, %add3A_451 : i32
          %dma_start3A_687 = arith.constant 0 : i32
          %dma_start3A_688 = tpu.memref_slice %arg2[%add3A_686, %dma_start3A_687] : memref<1024x160xi32, #tpu.memory_space<hbm>> -> memref<1x160xi32, #tpu.memory_space<hbm>>
          %dma_start3A_689 = arith.constant 0 : i32
          %dma_start3A_690 = tpu.memref_slice %arg2[%add3A_686, %dma_start3A_689] : memref<1024x160xi32, #tpu.memory_space<hbm>> -> memref<1x160xi32, #tpu.memory_space<hbm>>
          tpu.enqueue_dma source(%dma_start3A_690 : memref<1x160xi32, #tpu.memory_space<hbm>>) target(%arg8 : memref<1x160xi32, #tpu.memory_space<vmem>>) target_semaphore(%arg20 : memref<!tpu.dma_semaphore, #tpu.memory_space<semaphore_mem>>)
          %mul3A_691 = arith.constant 64 : i32
          %mul3A_692 = arith.muli %arg1, %mul3A_691 : i32
          %add3A_693 = arith.addi %mul3A_692, %add3A_451 : i32
          %dma_start3A_694 = arith.constant 0 : i32
          %dma_start3A_695 = tpu.memref_slice %arg3[%add3A_693, %dma_start3A_694] : memref<1024x160xi32, #tpu.memory_space<hbm>> -> memref<1x160xi32, #tpu.memory_space<hbm>>
          %dma_start3A_696 = arith.constant 0 : i32
          %dma_start3A_697 = tpu.memref_slice %arg3[%add3A_693, %dma_start3A_696] : memref<1024x160xi32, #tpu.memory_space<hbm>> -> memref<1x160xi32, #tpu.memory_space<hbm>>
          tpu.enqueue_dma source(%dma_start3A_697 : memref<1x160xi32, #tpu.memory_space<hbm>>) target(%arg12 : memref<1x160xi32, #tpu.memory_space<vmem>>) target_semaphore(%arg24 : memref<!tpu.dma_semaphore, #tpu.memory_space<semaphore_mem>>)
        } else {
        }
        %mul3A_540 = arith.constant 64 : i32
        %mul3A_541 = arith.muli %arg1, %mul3A_540 : i32
        %add3A_542 = arith.addi %mul3A_541, %add3A_453 : i32
        %dma_wait3A_543 = arith.constant 0 : i32
        %dma_wait3A_544 = tpu.memref_slice %arg2[%add3A_542, %dma_wait3A_543] : memref<1024x160xi32, #tpu.memory_space<hbm>> -> memref<1x160xi32, #tpu.memory_space<hbm>>
        %dma_wait3A_545 = arith.constant 0 : i32
        %dma_wait3A_546 = tpu.memref_slice %arg2[%add3A_542, %dma_wait3A_545] : memref<1024x160xi32, #tpu.memory_space<hbm>> -> memref<1x160xi32, #tpu.memory_space<hbm>>
        tpu.wait_dma2 semaphore(%arg22 : memref<!tpu.dma_semaphore, #tpu.memory_space<semaphore_mem>>) src(%dma_wait3A_546 : memref<1x160xi32, #tpu.memory_space<hbm>>) dst(%arg10 : memref<1x160xi32, #tpu.memory_space<vmem>>)
        %get3A_547 = arith.constant 0 : i32
        %get3A_548 = arith.index_cast %get3A_547 : i32 to index
        %get3A_549 = arith.constant 0 : index
        %get3A_550 = tpu.vector_load %arg10[%get3A_548, %get3A_549] {strides = array<i32>} : memref<1x160xi32, #tpu.memory_space<vmem>>, vector<1x16xi32>,
        %get3A_551 = vector.shape_cast %get3A_550 : vector<1x16xi32> to vector<16xi32>
        %add3A_552 = vector.broadcast %mul3A_0 : i32 to vector<16xi32>
        %add3A_553 = arith.addi %get3A_551, %add3A_552 : vector<16xi32>
        %swap3A_554 = arith.constant 0 : i32
        %swap3A_555 = arith.index_cast %swap3A_554 : i32 to index
        %swap3A_556 = arith.constant 0 : index
        %swap3A_557 = tpu.vector_load %arg10[%swap3A_555, %swap3A_556] {strides = array<i32>} : memref<1x160xi32, #tpu.memory_space<vmem>>, vector<1x16xi32>,
        %swap3A_558 = vector.shape_cast %swap3A_557 : vector<1x16xi32> to vector<16xi32>
        %swap3A_559 = vector.shape_cast %add3A_553 : vector<16xi32> to vector<1x16xi32>
        tpu.vector_store %arg10[%swap3A_555, %swap3A_556], %swap3A_559 {strides = array<i32>} : memref<1x160xi32, #tpu.memory_space<vmem>>, vector<1x16xi32>,
        %get3A_560 = arith.constant 0 : i32
        %get3A_561 = arith.index_cast %get3A_560 : i32 to index
        %get3A_562 = arith.constant 16 : index
        %get3A_563 = tpu.vector_load %arg10[%get3A_561, %get3A_562] {strides = array<i32>} : memref<1x160xi32, #tpu.memory_space<vmem>>, vector<1x16xi32>,
        %get3A_564 = vector.shape_cast %get3A_563 : vector<1x16xi32> to vector<16xi32>
        %add3A_565 = vector.broadcast %mul3A_0 : i32 to vector<16xi32>
        %add3A_566 = arith.addi %get3A_564, %add3A_565 : vector<16xi32>
        %swap3A_567 = arith.constant 0 : i32
        %swap3A_568 = arith.index_cast %swap3A_567 : i32 to index
        %swap3A_569 = arith.constant 16 : index
        %swap3A_570 = tpu.vector_load %arg10[%swap3A_568, %swap3A_569] {strides = array<i32>} : memref<1x160xi32, #tpu.memory_space<vmem>>, vector<1x16xi32>,
        %swap3A_571 = vector.shape_cast %swap3A_570 : vector<1x16xi32> to vector<16xi32>
        %swap3A_572 = vector.shape_cast %add3A_566 : vector<16xi32> to vector<1x16xi32>
        tpu.vector_store %arg10[%swap3A_568, %swap3A_569], %swap3A_572 {strides = array<i32>} : memref<1x160xi32, #tpu.memory_space<vmem>>, vector<1x16xi32>,
        %get3A_573 = arith.constant 0 : i32
        %get3A_574 = arith.index_cast %get3A_573 : i32 to index
        %get3A_575 = arith.constant 32 : index
        %get3A_576 = tpu.vector_load %arg10[%get3A_574, %get3A_575] {strides = array<i32>} : memref<1x160xi32, #tpu.memory_space<vmem>>, vector<1x16xi32>,
        %get3A_577 = vector.shape_cast %get3A_576 : vector<1x16xi32> to vector<16xi32>
        %add3A_578 = vector.broadcast %mul3A_0 : i32 to vector<16xi32>
        %add3A_579 = arith.addi %get3A_577, %add3A_578 : vector<16xi32>
        %swap3A_580 = arith.constant 0 : i32
        %swap3A_581 = arith.index_cast %swap3A_580 : i32 to index
        %swap3A_582 = arith.constant 32 : index
        %swap3A_583 = tpu.vector_load %arg10[%swap3A_581, %swap3A_582] {strides = array<i32>} : memref<1x160xi32, #tpu.memory_space<vmem>>, vector<1x16xi32>,
        %swap3A_584 = vector.shape_cast %swap3A_583 : vector<1x16xi32> to vector<16xi32>
        %swap3A_585 = vector.shape_cast %add3A_579 : vector<16xi32> to vector<1x16xi32>
        tpu.vector_store %arg10[%swap3A_581, %swap3A_582], %swap3A_585 {strides = array<i32>} : memref<1x160xi32, #tpu.memory_space<vmem>>, vector<1x16xi32>,
        %get3A_586 = arith.constant 0 : i32
        %get3A_587 = arith.index_cast %get3A_586 : i32 to index
        %get3A_588 = arith.constant 48 : index
        %get3A_589 = tpu.vector_load %arg10[%get3A_587, %get3A_588] {strides = array<i32>} : memref<1x160xi32, #tpu.memory_space<vmem>>, vector<1x16xi32>,
        %get3A_590 = vector.shape_cast %get3A_589 : vector<1x16xi32> to vector<16xi32>
        %add3A_591 = vector.broadcast %mul3A_0 : i32 to vector<16xi32>
        %add3A_592 = arith.addi %get3A_590, %add3A_591 : vector<16xi32>
        %swap3A_593 = arith.constant 0 : i32
        %swap3A_594 = arith.index_cast %swap3A_593 : i32 to index
        %swap3A_595 = arith.constant 48 : index
        %swap3A_596 = tpu.vector_load %arg10[%swap3A_594, %swap3A_595] {strides = array<i32>} : memref<1x160xi32, #tpu.memory_space<vmem>>, vector<1x16xi32>,
        %swap3A_597 = vector.shape_cast %swap3A_596 : vector<1x16xi32> to vector<16xi32>
        %swap3A_598 = vector.shape_cast %add3A_592 : vector<16xi32> to vector<1x16xi32>
        tpu.vector_store %arg10[%swap3A_594, %swap3A_595], %swap3A_598 {strides = array<i32>} : memref<1x160xi32, #tpu.memory_space<vmem>>, vector<1x16xi32>,
        %get3A_599 = arith.constant 0 : i32
        %get3A_600 = arith.index_cast %get3A_599 : i32 to index
        %get3A_601 = arith.constant 64 : index
        %get3A_602 = tpu.vector_load %arg10[%get3A_600, %get3A_601] {strides = array<i32>} : memref<1x160xi32, #tpu.memory_space<vmem>>, vector<1x16xi32>,
        %get3A_603 = vector.shape_cast %get3A_602 : vector<1x16xi32> to vector<16xi32>
        %add3A_604 = vector.broadcast %mul3A_0 : i32 to vector<16xi32>
        %add3A_605 = arith.addi %get3A_603, %add3A_604 : vector<16xi32>
        %swap3A_606 = arith.constant 0 : i32
        %swap3A_607 = arith.index_cast %swap3A_606 : i32 to index
        %swap3A_608 = arith.constant 64 : index
        %swap3A_609 = tpu.vector_load %arg10[%swap3A_607, %swap3A_608] {strides = array<i32>} : memref<1x160xi32, #tpu.memory_space<vmem>>, vector<1x16xi32>,
        %swap3A_610 = vector.shape_cast %swap3A_609 : vector<1x16xi32> to vector<16xi32>
        %swap3A_611 = vector.shape_cast %add3A_605 : vector<16xi32> to vector<1x16xi32>
        tpu.vector_store %arg10[%swap3A_607, %swap3A_608], %swap3A_611 {strides = array<i32>} : memref<1x160xi32, #tpu.memory_space<vmem>>, vector<1x16xi32>,
        %get3A_612 = arith.constant 0 : i32
        %get3A_613 = arith.index_cast %get3A_612 : i32 to index
        %get3A_614 = arith.constant 80 : index
        %get3A_615 = tpu.vector_load %arg10[%get3A_613, %get3A_614] {strides = array<i32>} : memref<1x160xi32, #tpu.memory_space<vmem>>, vector<1x16xi32>,
        %get3A_616 = vector.shape_cast %get3A_615 : vector<1x16xi32> to vector<16xi32>
        %add3A_617 = vector.broadcast %mul3A_0 : i32 to vector<16xi32>
        %add3A_618 = arith.addi %get3A_616, %add3A_617 : vector<16xi32>
        %swap3A_619 = arith.constant 0 : i32
        %swap3A_620 = arith.index_cast %swap3A_619 : i32 to index
        %swap3A_621 = arith.constant 80 : index
        %swap3A_622 = tpu.vector_load %arg10[%swap3A_620, %swap3A_621] {strides = array<i32>} : memref<1x160xi32, #tpu.memory_space<vmem>>, vector<1x16xi32>,
        %swap3A_623 = vector.shape_cast %swap3A_622 : vector<1x16xi32> to vector<16xi32>
        %swap3A_624 = vector.shape_cast %add3A_618 : vector<16xi32> to vector<1x16xi32>
        tpu.vector_store %arg10[%swap3A_620, %swap3A_621], %swap3A_624 {strides = array<i32>} : memref<1x160xi32, #tpu.memory_space<vmem>>, vector<1x16xi32>,
        %get3A_625 = arith.constant 0 : i32
        %get3A_626 = arith.index_cast %get3A_625 : i32 to index
        %get3A_627 = arith.constant 96 : index
        %get3A_628 = tpu.vector_load %arg10[%get3A_626, %get3A_627] {strides = array<i32>} : memref<1x160xi32, #tpu.memory_space<vmem>>, vector<1x16xi32>,
        %get3A_629 = vector.shape_cast %get3A_628 : vector<1x16xi32> to vector<16xi32>
        %add3A_630 = vector.broadcast %mul3A_0 : i32 to vector<16xi32>
        %add3A_631 = arith.addi %get3A_629, %add3A_630 : vector<16xi32>
        %swap3A_632 = arith.constant 0 : i32
        %swap3A_633 = arith.index_cast %swap3A_632 : i32 to index
        %swap3A_634 = arith.constant 96 : index
        %swap3A_635 = tpu.vector_load %arg10[%swap3A_633, %swap3A_634] {strides = array<i32>} : memref<1x160xi32, #tpu.memory_space<vmem>>, vector<1x16xi32>,
        %swap3A_636 = vector.shape_cast %swap3A_635 : vector<1x16xi32> to vector<16xi32>
        %swap3A_637 = vector.shape_cast %add3A_631 : vector<16xi32> to vector<1x16xi32>
        tpu.vector_store %arg10[%swap3A_633, %swap3A_634], %swap3A_637 {strides = array<i32>} : memref<1x160xi32, #tpu.memory_space<vmem>>, vector<1x16xi32>,
        %get3A_638 = arith.constant 0 : i32
        %get3A_639 = arith.index_cast %get3A_638 : i32 to index
        %get3A_640 = arith.constant 112 : index
        %get3A_641 = tpu.vector_load %arg10[%get3A_639, %get3A_640] {strides = array<i32>} : memref<1x160xi32, #tpu.memory_space<vmem>>, vector<1x16xi32>,
        %get3A_642 = vector.shape_cast %get3A_641 : vector<1x16xi32> to vector<16xi32>
        %add3A_643 = vector.broadcast %mul3A_0 : i32 to vector<16xi32>
        %add3A_644 = arith.addi %get3A_642, %add3A_643 : vector<16xi32>
        %swap3A_645 = arith.constant 0 : i32
        %swap3A_646 = arith.index_cast %swap3A_645 : i32 to index
        %swap3A_647 = arith.constant 112 : index
        %swap3A_648 = tpu.vector_load %arg10[%swap3A_646, %swap3A_647] {strides = array<i32>} : memref<1x160xi32, #tpu.memory_space<vmem>>, vector<1x16xi32>,
        %swap3A_649 = vector.shape_cast %swap3A_648 : vector<1x16xi32> to vector<16xi32>
        %swap3A_650 = vector.shape_cast %add3A_644 : vector<16xi32> to vector<1x16xi32>
        tpu.vector_store %arg10[%swap3A_646, %swap3A_647], %swap3A_650 {strides = array<i32>} : memref<1x160xi32, #tpu.memory_space<vmem>>, vector<1x16xi32>,
        %get3A_651 = arith.constant 0 : i32
        %get3A_652 = arith.index_cast %get3A_651 : i32 to index
        %get3A_653 = arith.constant 128 : index
        %get3A_654 = tpu.vector_load %arg10[%get3A_652, %get3A_653] {strides = array<i32>} : memref<1x160xi32, #tpu.memory_space<vmem>>, vector<1x16xi32>,
        %get3A_655 = vector.shape_cast %get3A_654 : vector<1x16xi32> to vector<16xi32>
        %add3A_656 = vector.broadcast %mul3A_0 : i32 to vector<16xi32>
        %add3A_657 = arith.addi %get3A_655, %add3A_656 : vector<16xi32>
        %swap3A_658 = arith.constant 0 : i32
        %swap3A_659 = arith.index_cast %swap3A_658 : i32 to index
        %swap3A_660 = arith.constant 128 : index
        %swap3A_661 = tpu.vector_load %arg10[%swap3A_659, %swap3A_660] {strides = array<i32>} : memref<1x160xi32, #tpu.memory_space<vmem>>, vector<1x16xi32>,
        %swap3A_662 = vector.shape_cast %swap3A_661 : vector<1x16xi32> to vector<16xi32>
        %swap3A_663 = vector.shape_cast %add3A_657 : vector<16xi32> to vector<1x16xi32>
        tpu.vector_store %arg10[%swap3A_659, %swap3A_660], %swap3A_663 {strides = array<i32>} : memref<1x160xi32, #tpu.memory_space<vmem>>, vector<1x16xi32>,
        %get3A_664 = arith.constant 0 : i32
        %get3A_665 = arith.index_cast %get3A_664 : i32 to index
        %get3A_666 = arith.constant 144 : index
        %get3A_667 = tpu.vector_load %arg10[%get3A_665, %get3A_666] {strides = array<i32>} : memref<1x160xi32, #tpu.memory_space<vmem>>, vector<1x16xi32>,
        %get3A_668 = vector.shape_cast %get3A_667 : vector<1x16xi32> to vector<16xi32>
        %add3A_669 = vector.broadcast %mul3A_0 : i32 to vector<16xi32>
        %add3A_670 = arith.addi %get3A_668, %add3A_669 : vector<16xi32>
        %swap3A_671 = arith.constant 0 : i32
        %swap3A_672 = arith.index_cast %swap3A_671 : i32 to index
        %swap3A_673 = arith.constant 144 : index
        %swap3A_674 = tpu.vector_load %arg10[%swap3A_672, %swap3A_673] {strides = array<i32>} : memref<1x160xi32, #tpu.memory_space<vmem>>, vector<1x16xi32>,
        %swap3A_675 = vector.shape_cast %swap3A_674 : vector<1x16xi32> to vector<16xi32>
        %swap3A_676 = vector.shape_cast %add3A_670 : vector<16xi32> to vector<1x16xi32>
        tpu.vector_store %arg10[%swap3A_672, %swap3A_673], %swap3A_676 {strides = array<i32>} : memref<1x160xi32, #tpu.memory_space<vmem>>, vector<1x16xi32>,
        %dma_start3A_677 = arith.constant 0 : i32
        %dma_start3A_678 = arith.constant 0 : i32
        %dma_start3A_679 = tpu.memref_slice %arg10[%dma_start3A_677, %dma_start3A_678] : memref<1x160xi32, #tpu.memory_space<vmem>> -> memref<1x160xi32, #tpu.memory_space<vmem>>
        %dma_start3A_680 = tpu.memref_squeeze %dma_start3A_679 : memref<1x160xi32, #tpu.memory_space<vmem>> -> memref<160xi32, #tpu.memory_space<vmem>>
        %dma_start3A_681 = arith.constant 0 : i32
        %dma_start3A_682 = arith.constant 0 : i32
        %dma_start3A_683 = tpu.memref_slice %arg4[%dma_start3A_681, %dma_start3A_682] : memref<20000x128xf32, #tpu.memory_space<hbm>> -> memref<20000x128xf32, #tpu.memory_space<hbm>>
        tpu.enqueue_indirect_dma source(%dma_start3A_683 : memref<20000x128xf32, #tpu.memory_space<hbm>>) target(%arg16 : memref<160x128xf32, #tpu.memory_space<vmem>>) offsets(%dma_start3A_680 : memref<160xi32, #tpu.memory_space<vmem>>) semaphore(%arg18 : memref<!tpu.dma_semaphore, #tpu.memory_space<semaphore_mem>>)
      } else {
      }
      %mul3A_459 = arith.constant 4 : i32
      %mul3A_460 = arith.muli %scan3A_392, %mul3A_459 : i32
      %add3A_461 = arith.constant 2 : i32
      %add3A_462 = arith.addi %mul3A_460, %add3A_461 : i32
      %dma_wait3A_463 = arith.constant 0 : i32
      %dma_wait3A_464 = arith.constant 0 : i32
      %dma_wait3A_465 = tpu.memref_slice %arg9[%dma_wait3A_463, %dma_wait3A_464] : memref<1x160xi32, #tpu.memory_space<vmem>> -> memref<1x160xi32, #tpu.memory_space<vmem>>
      %dma_wait3A_466 = tpu.memref_squeeze %dma_wait3A_465 : memref<1x160xi32, #tpu.memory_space<vmem>> -> memref<160xi32, #tpu.memory_space<vmem>>
      %dma_wait3A_467 = arith.constant 0 : i32
      %dma_wait3A_468 = arith.constant 0 : i32
      %dma_wait3A_469 = tpu.memref_slice %arg4[%dma_wait3A_467, %dma_wait3A_468] : memref<20000x128xf32, #tpu.memory_space<hbm>> -> memref<20000x128xf32, #tpu.memory_space<hbm>>
      tpu.wait_indirect_dma semaphore(%arg17 : memref<!tpu.dma_semaphore, #tpu.memory_space<semaphore_mem>>) src(%dma_wait3A_469 : memref<20000x128xf32, #tpu.memory_space<hbm>>) dst(%arg15 : memref<160x128xf32, #tpu.memory_space<vmem>>)
      %mul3A_470 = arith.constant 64 : i32
      %mul3A_471 = arith.muli %arg1, %mul3A_470 : i32
      %add3A_472 = arith.addi %mul3A_471, %add3A_462 : i32
      %dma_wait3A_473 = arith.constant 0 : i32
      %dma_wait3A_474 = tpu.memref_slice %arg3[%add3A_472, %dma_wait3A_473] : memref<1024x160xi32, #tpu.memory_space<hbm>> -> memref<1x160xi32, #tpu.memory_space<hbm>>
      %dma_wait3A_475 = arith.constant 0 : i32
      %dma_wait3A_476 = tpu.memref_slice %arg3[%add3A_472, %dma_wait3A_475] : memref<1024x160xi32, #tpu.memory_space<hbm>> -> memref<1x160xi32, #tpu.memory_space<hbm>>
      tpu.wait_dma2 semaphore(%arg25 : memref<!tpu.dma_semaphore, #tpu.memory_space<semaphore_mem>>) src(%dma_wait3A_476 : memref<1x160xi32, #tpu.memory_space<hbm>>) dst(%arg13 : memref<1x160xi32, #tpu.memory_space<vmem>>)
      %dma_start3A_477 = arith.constant 0 : i32
      %dma_start3A_478 = arith.constant 0 : i32
      %dma_start3A_479 = tpu.memref_slice %arg13[%dma_start3A_477, %dma_start3A_478] : memref<1x160xi32, #tpu.memory_space<vmem>> -> memref<1x160xi32, #tpu.memory_space<vmem>>
      %dma_start3A_480 = tpu.memref_squeeze %dma_start3A_479 : memref<1x160xi32, #tpu.memory_space<vmem>> -> memref<160xi32, #tpu.memory_space<vmem>>
      %dma_start3A_481 = arith.constant 0 : i32
      %dma_start3A_482 = arith.constant 0 : i32
      %dma_start3A_483 = tpu.memref_slice %arg6[%dma_start3A_481, %dma_start3A_482] : memref<10240x128xf32, #tpu.memory_space<vmem_shared>> -> memref<10240x128xf32, #tpu.memory_space<vmem_shared>>
      tpu.enqueue_indirect_dma source(%arg15 : memref<160x128xf32, #tpu.memory_space<vmem>>) target(%dma_start3A_483 : memref<10240x128xf32, #tpu.memory_space<vmem_shared>>) offsets(%dma_start3A_480 : memref<160xi32, #tpu.memory_space<vmem>>) semaphore(%arg27 : memref<!tpu.dma_semaphore, #tpu.memory_space<semaphore_mem>>) {add = true}
      %add3A_484 = arith.constant 4 : i32
      %add3A_485 = arith.addi %add3A_462, %add3A_484 : i32
      %add3A_486 = arith.constant 2 : i32
      %add3A_487 = arith.addi %add3A_462, %add3A_486 : i32
      %lt3A_488 = arith.constant 64 : i32
      %lt3A_489 = arith.cmpi slt, %add3A_487, %lt3A_488 : i32
      %convert_element_type3A_490 = arith.extui %lt3A_489 : i1 to i32
      %cond3A_491 = arith.constant 0 : i32
      %cond3A_492 = arith.cmpi ne, %convert_element_type3A_490, %cond3A_491 : i32
      scf.if %cond3A_492 {
        %dma_wait3A_528 = arith.constant 0 : i32
        %dma_wait3A_529 = arith.constant 0 : i32
        %dma_wait3A_530 = tpu.memref_slice %arg13[%dma_wait3A_528, %dma_wait3A_529] : memref<1x160xi32, #tpu.memory_space<vmem>> -> memref<1x160xi32, #tpu.memory_space<vmem>>
        %dma_wait3A_531 = tpu.memref_squeeze %dma_wait3A_530 : memref<1x160xi32, #tpu.memory_space<vmem>> -> memref<160xi32, #tpu.memory_space<vmem>>
        %dma_wait3A_532 = arith.constant 0 : i32
        %dma_wait3A_533 = arith.constant 0 : i32
        %dma_wait3A_534 = tpu.memref_slice %arg6[%dma_wait3A_532, %dma_wait3A_533] : memref<10240x128xf32, #tpu.memory_space<vmem_shared>> -> memref<10240x128xf32, #tpu.memory_space<vmem_shared>>
        tpu.wait_indirect_dma semaphore(%arg27 : memref<!tpu.dma_semaphore, #tpu.memory_space<semaphore_mem>>) src(%arg15 : memref<160x128xf32, #tpu.memory_space<vmem>>) dst(%dma_wait3A_534 : memref<10240x128xf32, #tpu.memory_space<vmem_shared>>)
        %lt3A_535 = arith.constant 64 : i32
        %lt3A_536 = arith.cmpi slt, %add3A_485, %lt3A_535 : i32
        %convert_element_type3A_537 = arith.extui %lt3A_536 : i1 to i32
        %cond3A_538 = arith.constant 0 : i32
        %cond3A_539 = arith.cmpi ne, %convert_element_type3A_537, %cond3A_538 : i32
        scf.if %cond3A_539 {
          %mul3A_684 = arith.constant 64 : i32
          %mul3A_685 = arith.muli %arg1, %mul3A_684 : i32
          %add3A_686 = arith.addi %mul3A_685, %add3A_485 : i32
          %dma_start3A_687 = arith.constant 0 : i32
          %dma_start3A_688 = tpu.memref_slice %arg2[%add3A_686, %dma_start3A_687] : memref<1024x160xi32, #tpu.memory_space<hbm>> -> memref<1x160xi32, #tpu.memory_space<hbm>>
          %dma_start3A_689 = arith.constant 0 : i32
          %dma_start3A_690 = tpu.memref_slice %arg2[%add3A_686, %dma_start3A_689] : memref<1024x160xi32, #tpu.memory_space<hbm>> -> memref<1x160xi32, #tpu.memory_space<hbm>>
          tpu.enqueue_dma source(%dma_start3A_690 : memref<1x160xi32, #tpu.memory_space<hbm>>) target(%arg9 : memref<1x160xi32, #tpu.memory_space<vmem>>) target_semaphore(%arg21 : memref<!tpu.dma_semaphore, #tpu.memory_space<semaphore_mem>>)
          %mul3A_691 = arith.constant 64 : i32
          %mul3A_692 = arith.muli %arg1, %mul3A_691 : i32
          %add3A_693 = arith.addi %mul3A_692, %add3A_485 : i32
          %dma_start3A_694 = arith.constant 0 : i32
          %dma_start3A_695 = tpu.memref_slice %arg3[%add3A_693, %dma_start3A_694] : memref<1024x160xi32, #tpu.memory_space<hbm>> -> memref<1x160xi32, #tpu.memory_space<hbm>>
          %dma_start3A_696 = arith.constant 0 : i32
          %dma_start3A_697 = tpu.memref_slice %arg3[%add3A_693, %dma_start3A_696] : memref<1024x160xi32, #tpu.memory_space<hbm>> -> memref<1x160xi32, #tpu.memory_space<hbm>>
          tpu.enqueue_dma source(%dma_start3A_697 : memref<1x160xi32, #tpu.memory_space<hbm>>) target(%arg13 : memref<1x160xi32, #tpu.memory_space<vmem>>) target_semaphore(%arg25 : memref<!tpu.dma_semaphore, #tpu.memory_space<semaphore_mem>>)
        } else {
        }
        %mul3A_540 = arith.constant 64 : i32
        %mul3A_541 = arith.muli %arg1, %mul3A_540 : i32
        %add3A_542 = arith.addi %mul3A_541, %add3A_487 : i32
        %dma_wait3A_543 = arith.constant 0 : i32
        %dma_wait3A_544 = tpu.memref_slice %arg2[%add3A_542, %dma_wait3A_543] : memref<1024x160xi32, #tpu.memory_space<hbm>> -> memref<1x160xi32, #tpu.memory_space<hbm>>
        %dma_wait3A_545 = arith.constant 0 : i32
        %dma_wait3A_546 = tpu.memref_slice %arg2[%add3A_542, %dma_wait3A_545] : memref<1024x160xi32, #tpu.memory_space<hbm>> -> memref<1x160xi32, #tpu.memory_space<hbm>>
        tpu.wait_dma2 semaphore(%arg19 : memref<!tpu.dma_semaphore, #tpu.memory_space<semaphore_mem>>) src(%dma_wait3A_546 : memref<1x160xi32, #tpu.memory_space<hbm>>) dst(%arg7 : memref<1x160xi32, #tpu.memory_space<vmem>>)
        %get3A_547 = arith.constant 0 : i32
        %get3A_548 = arith.index_cast %get3A_547 : i32 to index
        %get3A_549 = arith.constant 0 : index
        %get3A_550 = tpu.vector_load %arg7[%get3A_548, %get3A_549] {strides = array<i32>} : memref<1x160xi32, #tpu.memory_space<vmem>>, vector<1x16xi32>,
        %get3A_551 = vector.shape_cast %get3A_550 : vector<1x16xi32> to vector<16xi32>
        %add3A_552 = vector.broadcast %mul3A_0 : i32 to vector<16xi32>
        %add3A_553 = arith.addi %get3A_551, %add3A_552 : vector<16xi32>
        %swap3A_554 = arith.constant 0 : i32
        %swap3A_555 = arith.index_cast %swap3A_554 : i32 to index
        %swap3A_556 = arith.constant 0 : index
        %swap3A_557 = tpu.vector_load %arg7[%swap3A_555, %swap3A_556] {strides = array<i32>} : memref<1x160xi32, #tpu.memory_space<vmem>>, vector<1x16xi32>,
        %swap3A_558 = vector.shape_cast %swap3A_557 : vector<1x16xi32> to vector<16xi32>
        %swap3A_559 = vector.shape_cast %add3A_553 : vector<16xi32> to vector<1x16xi32>
        tpu.vector_store %arg7[%swap3A_555, %swap3A_556], %swap3A_559 {strides = array<i32>} : memref<1x160xi32, #tpu.memory_space<vmem>>, vector<1x16xi32>,
        %get3A_560 = arith.constant 0 : i32
        %get3A_561 = arith.index_cast %get3A_560 : i32 to index
        %get3A_562 = arith.constant 16 : index
        %get3A_563 = tpu.vector_load %arg7[%get3A_561, %get3A_562] {strides = array<i32>} : memref<1x160xi32, #tpu.memory_space<vmem>>, vector<1x16xi32>,
        %get3A_564 = vector.shape_cast %get3A_563 : vector<1x16xi32> to vector<16xi32>
        %add3A_565 = vector.broadcast %mul3A_0 : i32 to vector<16xi32>
        %add3A_566 = arith.addi %get3A_564, %add3A_565 : vector<16xi32>
        %swap3A_567 = arith.constant 0 : i32
        %swap3A_568 = arith.index_cast %swap3A_567 : i32 to index
        %swap3A_569 = arith.constant 16 : index
        %swap3A_570 = tpu.vector_load %arg7[%swap3A_568, %swap3A_569] {strides = array<i32>} : memref<1x160xi32, #tpu.memory_space<vmem>>, vector<1x16xi32>,
        %swap3A_571 = vector.shape_cast %swap3A_570 : vector<1x16xi32> to vector<16xi32>
        %swap3A_572 = vector.shape_cast %add3A_566 : vector<16xi32> to vector<1x16xi32>
        tpu.vector_store %arg7[%swap3A_568, %swap3A_569], %swap3A_572 {strides = array<i32>} : memref<1x160xi32, #tpu.memory_space<vmem>>, vector<1x16xi32>,
        %get3A_573 = arith.constant 0 : i32
        %get3A_574 = arith.index_cast %get3A_573 : i32 to index
        %get3A_575 = arith.constant 32 : index
        %get3A_576 = tpu.vector_load %arg7[%get3A_574, %get3A_575] {strides = array<i32>} : memref<1x160xi32, #tpu.memory_space<vmem>>, vector<1x16xi32>,
        %get3A_577 = vector.shape_cast %get3A_576 : vector<1x16xi32> to vector<16xi32>
        %add3A_578 = vector.broadcast %mul3A_0 : i32 to vector<16xi32>
        %add3A_579 = arith.addi %get3A_577, %add3A_578 : vector<16xi32>
        %swap3A_580 = arith.constant 0 : i32
        %swap3A_581 = arith.index_cast %swap3A_580 : i32 to index
        %swap3A_582 = arith.constant 32 : index
        %swap3A_583 = tpu.vector_load %arg7[%swap3A_581, %swap3A_582] {strides = array<i32>} : memref<1x160xi32, #tpu.memory_space<vmem>>, vector<1x16xi32>,
        %swap3A_584 = vector.shape_cast %swap3A_583 : vector<1x16xi32> to vector<16xi32>
        %swap3A_585 = vector.shape_cast %add3A_579 : vector<16xi32> to vector<1x16xi32>
        tpu.vector_store %arg7[%swap3A_581, %swap3A_582], %swap3A_585 {strides = array<i32>} : memref<1x160xi32, #tpu.memory_space<vmem>>, vector<1x16xi32>,
        %get3A_586 = arith.constant 0 : i32
        %get3A_587 = arith.index_cast %get3A_586 : i32 to index
        %get3A_588 = arith.constant 48 : index
        %get3A_589 = tpu.vector_load %arg7[%get3A_587, %get3A_588] {strides = array<i32>} : memref<1x160xi32, #tpu.memory_space<vmem>>, vector<1x16xi32>,
        %get3A_590 = vector.shape_cast %get3A_589 : vector<1x16xi32> to vector<16xi32>
        %add3A_591 = vector.broadcast %mul3A_0 : i32 to vector<16xi32>
        %add3A_592 = arith.addi %get3A_590, %add3A_591 : vector<16xi32>
        %swap3A_593 = arith.constant 0 : i32
        %swap3A_594 = arith.index_cast %swap3A_593 : i32 to index
        %swap3A_595 = arith.constant 48 : index
        %swap3A_596 = tpu.vector_load %arg7[%swap3A_594, %swap3A_595] {strides = array<i32>} : memref<1x160xi32, #tpu.memory_space<vmem>>, vector<1x16xi32>,
        %swap3A_597 = vector.shape_cast %swap3A_596 : vector<1x16xi32> to vector<16xi32>
        %swap3A_598 = vector.shape_cast %add3A_592 : vector<16xi32> to vector<1x16xi32>
        tpu.vector_store %arg7[%swap3A_594, %swap3A_595], %swap3A_598 {strides = array<i32>} : memref<1x160xi32, #tpu.memory_space<vmem>>, vector<1x16xi32>,
        %get3A_599 = arith.constant 0 : i32
        %get3A_600 = arith.index_cast %get3A_599 : i32 to index
        %get3A_601 = arith.constant 64 : index
        %get3A_602 = tpu.vector_load %arg7[%get3A_600, %get3A_601] {strides = array<i32>} : memref<1x160xi32, #tpu.memory_space<vmem>>, vector<1x16xi32>,
        %get3A_603 = vector.shape_cast %get3A_602 : vector<1x16xi32> to vector<16xi32>
        %add3A_604 = vector.broadcast %mul3A_0 : i32 to vector<16xi32>
        %add3A_605 = arith.addi %get3A_603, %add3A_604 : vector<16xi32>
        %swap3A_606 = arith.constant 0 : i32
        %swap3A_607 = arith.index_cast %swap3A_606 : i32 to index
        %swap3A_608 = arith.constant 64 : index
        %swap3A_609 = tpu.vector_load %arg7[%swap3A_607, %swap3A_608] {strides = array<i32>} : memref<1x160xi32, #tpu.memory_space<vmem>>, vector<1x16xi32>,
        %swap3A_610 = vector.shape_cast %swap3A_609 : vector<1x16xi32> to vector<16xi32>
        %swap3A_611 = vector.shape_cast %add3A_605 : vector<16xi32> to vector<1x16xi32>
        tpu.vector_store %arg7[%swap3A_607, %swap3A_608], %swap3A_611 {strides = array<i32>} : memref<1x160xi32, #tpu.memory_space<vmem>>, vector<1x16xi32>,
        %get3A_612 = arith.constant 0 : i32
        %get3A_613 = arith.index_cast %get3A_612 : i32 to index
        %get3A_614 = arith.constant 80 : index
        %get3A_615 = tpu.vector_load %arg7[%get3A_613, %get3A_614] {strides = array<i32>} : memref<1x160xi32, #tpu.memory_space<vmem>>, vector<1x16xi32>,
        %get3A_616 = vector.shape_cast %get3A_615 : vector<1x16xi32> to vector<16xi32>
        %add3A_617 = vector.broadcast %mul3A_0 : i32 to vector<16xi32>
        %add3A_618 = arith.addi %get3A_616, %add3A_617 : vector<16xi32>
        %swap3A_619 = arith.constant 0 : i32
        %swap3A_620 = arith.index_cast %swap3A_619 : i32 to index
        %swap3A_621 = arith.constant 80 : index
        %swap3A_622 = tpu.vector_load %arg7[%swap3A_620, %swap3A_621] {strides = array<i32>} : memref<1x160xi32, #tpu.memory_space<vmem>>, vector<1x16xi32>,
        %swap3A_623 = vector.shape_cast %swap3A_622 : vector<1x16xi32> to vector<16xi32>
        %swap3A_624 = vector.shape_cast %add3A_618 : vector<16xi32> to vector<1x16xi32>
        tpu.vector_store %arg7[%swap3A_620, %swap3A_621], %swap3A_624 {strides = array<i32>} : memref<1x160xi32, #tpu.memory_space<vmem>>, vector<1x16xi32>,
        %get3A_625 = arith.constant 0 : i32
        %get3A_626 = arith.index_cast %get3A_625 : i32 to index
        %get3A_627 = arith.constant 96 : index
        %get3A_628 = tpu.vector_load %arg7[%get3A_626, %get3A_627] {strides = array<i32>} : memref<1x160xi32, #tpu.memory_space<vmem>>, vector<1x16xi32>,
        %get3A_629 = vector.shape_cast %get3A_628 : vector<1x16xi32> to vector<16xi32>
        %add3A_630 = vector.broadcast %mul3A_0 : i32 to vector<16xi32>
        %add3A_631 = arith.addi %get3A_629, %add3A_630 : vector<16xi32>
        %swap3A_632 = arith.constant 0 : i32
        %swap3A_633 = arith.index_cast %swap3A_632 : i32 to index
        %swap3A_634 = arith.constant 96 : index
        %swap3A_635 = tpu.vector_load %arg7[%swap3A_633, %swap3A_634] {strides = array<i32>} : memref<1x160xi32, #tpu.memory_space<vmem>>, vector<1x16xi32>,
        %swap3A_636 = vector.shape_cast %swap3A_635 : vector<1x16xi32> to vector<16xi32>
        %swap3A_637 = vector.shape_cast %add3A_631 : vector<16xi32> to vector<1x16xi32>
        tpu.vector_store %arg7[%swap3A_633, %swap3A_634], %swap3A_637 {strides = array<i32>} : memref<1x160xi32, #tpu.memory_space<vmem>>, vector<1x16xi32>,
        %get3A_638 = arith.constant 0 : i32
        %get3A_639 = arith.index_cast %get3A_638 : i32 to index
        %get3A_640 = arith.constant 112 : index
        %get3A_641 = tpu.vector_load %arg7[%get3A_639, %get3A_640] {strides = array<i32>} : memref<1x160xi32, #tpu.memory_space<vmem>>, vector<1x16xi32>,
        %get3A_642 = vector.shape_cast %get3A_641 : vector<1x16xi32> to vector<16xi32>
        %add3A_643 = vector.broadcast %mul3A_0 : i32 to vector<16xi32>
        %add3A_644 = arith.addi %get3A_642, %add3A_643 : vector<16xi32>
        %swap3A_645 = arith.constant 0 : i32
        %swap3A_646 = arith.index_cast %swap3A_645 : i32 to index
        %swap3A_647 = arith.constant 112 : index
        %swap3A_648 = tpu.vector_load %arg7[%swap3A_646, %swap3A_647] {strides = array<i32>} : memref<1x160xi32, #tpu.memory_space<vmem>>, vector<1x16xi32>,
        %swap3A_649 = vector.shape_cast %swap3A_648 : vector<1x16xi32> to vector<16xi32>
        %swap3A_650 = vector.shape_cast %add3A_644 : vector<16xi32> to vector<1x16xi32>
        tpu.vector_store %arg7[%swap3A_646, %swap3A_647], %swap3A_650 {strides = array<i32>} : memref<1x160xi32, #tpu.memory_space<vmem>>, vector<1x16xi32>,
        %get3A_651 = arith.constant 0 : i32
        %get3A_652 = arith.index_cast %get3A_651 : i32 to index
        %get3A_653 = arith.constant 128 : index
        %get3A_654 = tpu.vector_load %arg7[%get3A_652, %get3A_653] {strides = array<i32>} : memref<1x160xi32, #tpu.memory_space<vmem>>, vector<1x16xi32>,
        %get3A_655 = vector.shape_cast %get3A_654 : vector<1x16xi32> to vector<16xi32>
        %add3A_656 = vector.broadcast %mul3A_0 : i32 to vector<16xi32>
        %add3A_657 = arith.addi %get3A_655, %add3A_656 : vector<16xi32>
        %swap3A_658 = arith.constant 0 : i32
        %swap3A_659 = arith.index_cast %swap3A_658 : i32 to index
        %swap3A_660 = arith.constant 128 : index
        %swap3A_661 = tpu.vector_load %arg7[%swap3A_659, %swap3A_660] {strides = array<i32>} : memref<1x160xi32, #tpu.memory_space<vmem>>, vector<1x16xi32>,
        %swap3A_662 = vector.shape_cast %swap3A_661 : vector<1x16xi32> to vector<16xi32>
        %swap3A_663 = vector.shape_cast %add3A_657 : vector<16xi32> to vector<1x16xi32>
        tpu.vector_store %arg7[%swap3A_659, %swap3A_660], %swap3A_663 {strides = array<i32>} : memref<1x160xi32, #tpu.memory_space<vmem>>, vector<1x16xi32>,
        %get3A_664 = arith.constant 0 : i32
        %get3A_665 = arith.index_cast %get3A_664 : i32 to index
        %get3A_666 = arith.constant 144 : index
        %get3A_667 = tpu.vector_load %arg7[%get3A_665, %get3A_666] {strides = array<i32>} : memref<1x160xi32, #tpu.memory_space<vmem>>, vector<1x16xi32>,
        %get3A_668 = vector.shape_cast %get3A_667 : vector<1x16xi32> to vector<16xi32>
        %add3A_669 = vector.broadcast %mul3A_0 : i32 to vector<16xi32>
        %add3A_670 = arith.addi %get3A_668, %add3A_669 : vector<16xi32>
        %swap3A_671 = arith.constant 0 : i32
        %swap3A_672 = arith.index_cast %swap3A_671 : i32 to index
        %swap3A_673 = arith.constant 144 : index
        %swap3A_674 = tpu.vector_load %arg7[%swap3A_672, %swap3A_673] {strides = array<i32>} : memref<1x160xi32, #tpu.memory_space<vmem>>, vector<1x16xi32>,
        %swap3A_675 = vector.shape_cast %swap3A_674 : vector<1x16xi32> to vector<16xi32>
        %swap3A_676 = vector.shape_cast %add3A_670 : vector<16xi32> to vector<1x16xi32>
        tpu.vector_store %arg7[%swap3A_672, %swap3A_673], %swap3A_676 {strides = array<i32>} : memref<1x160xi32, #tpu.memory_space<vmem>>, vector<1x16xi32>,
        %dma_start3A_677 = arith.constant 0 : i32
        %dma_start3A_678 = arith.constant 0 : i32
        %dma_start3A_679 = tpu.memref_slice %arg7[%dma_start3A_677, %dma_start3A_678] : memref<1x160xi32, #tpu.memory_space<vmem>> -> memref<1x160xi32, #tpu.memory_space<vmem>>
        %dma_start3A_680 = tpu.memref_squeeze %dma_start3A_679 : memref<1x160xi32, #tpu.memory_space<vmem>> -> memref<160xi32, #tpu.memory_space<vmem>>
        %dma_start3A_681 = arith.constant 0 : i32
        %dma_start3A_682 = arith.constant 0 : i32
        %dma_start3A_683 = tpu.memref_slice %arg4[%dma_start3A_681, %dma_start3A_682] : memref<20000x128xf32, #tpu.memory_space<hbm>> -> memref<20000x128xf32, #tpu.memory_space<hbm>>
        tpu.enqueue_indirect_dma source(%dma_start3A_683 : memref<20000x128xf32, #tpu.memory_space<hbm>>) target(%arg15 : memref<160x128xf32, #tpu.memory_space<vmem>>) offsets(%dma_start3A_680 : memref<160xi32, #tpu.memory_space<vmem>>) semaphore(%arg17 : memref<!tpu.dma_semaphore, #tpu.memory_space<semaphore_mem>>)
      } else {
      }
      %mul3A_493 = arith.constant 4 : i32
      %mul3A_494 = arith.muli %scan3A_392, %mul3A_493 : i32
      %add3A_495 = arith.constant 3 : i32
      %add3A_496 = arith.addi %mul3A_494, %add3A_495 : i32
      %dma_wait3A_497 = arith.constant 0 : i32
      %dma_wait3A_498 = arith.constant 0 : i32
      %dma_wait3A_499 = tpu.memref_slice %arg10[%dma_wait3A_497, %dma_wait3A_498] : memref<1x160xi32, #tpu.memory_space<vmem>> -> memref<1x160xi32, #tpu.memory_space<vmem>>
      %dma_wait3A_500 = tpu.memref_squeeze %dma_wait3A_499 : memref<1x160xi32, #tpu.memory_space<vmem>> -> memref<160xi32, #tpu.memory_space<vmem>>
      %dma_wait3A_501 = arith.constant 0 : i32
      %dma_wait3A_502 = arith.constant 0 : i32
      %dma_wait3A_503 = tpu.memref_slice %arg4[%dma_wait3A_501, %dma_wait3A_502] : memref<20000x128xf32, #tpu.memory_space<hbm>> -> memref<20000x128xf32, #tpu.memory_space<hbm>>
      tpu.wait_indirect_dma semaphore(%arg18 : memref<!tpu.dma_semaphore, #tpu.memory_space<semaphore_mem>>) src(%dma_wait3A_503 : memref<20000x128xf32, #tpu.memory_space<hbm>>) dst(%arg16 : memref<160x128xf32, #tpu.memory_space<vmem>>)
      %mul3A_504 = arith.constant 64 : i32
      %mul3A_505 = arith.muli %arg1, %mul3A_504 : i32
      %add3A_506 = arith.addi %mul3A_505, %add3A_496 : i32
      %dma_wait3A_507 = arith.constant 0 : i32
      %dma_wait3A_508 = tpu.memref_slice %arg3[%add3A_506, %dma_wait3A_507] : memref<1024x160xi32, #tpu.memory_space<hbm>> -> memref<1x160xi32, #tpu.memory_space<hbm>>
      %dma_wait3A_509 = arith.constant 0 : i32
      %dma_wait3A_510 = tpu.memref_slice %arg3[%add3A_506, %dma_wait3A_509] : memref<1024x160xi32, #tpu.memory_space<hbm>> -> memref<1x160xi32, #tpu.memory_space<hbm>>
      tpu.wait_dma2 semaphore(%arg26 : memref<!tpu.dma_semaphore, #tpu.memory_space<semaphore_mem>>) src(%dma_wait3A_510 : memref<1x160xi32, #tpu.memory_space<hbm>>) dst(%arg14 : memref<1x160xi32, #tpu.memory_space<vmem>>)
      %dma_start3A_511 = arith.constant 0 : i32
      %dma_start3A_512 = arith.constant 0 : i32
      %dma_start3A_513 = tpu.memref_slice %arg14[%dma_start3A_511, %dma_start3A_512] : memref<1x160xi32, #tpu.memory_space<vmem>> -> memref<1x160xi32, #tpu.memory_space<vmem>>
      %dma_start3A_514 = tpu.memref_squeeze %dma_start3A_513 : memref<1x160xi32, #tpu.memory_space<vmem>> -> memref<160xi32, #tpu.memory_space<vmem>>
      %dma_start3A_515 = arith.constant 0 : i32
      %dma_start3A_516 = arith.constant 0 : i32
      %dma_start3A_517 = tpu.memref_slice %arg6[%dma_start3A_515, %dma_start3A_516] : memref<10240x128xf32, #tpu.memory_space<vmem_shared>> -> memref<10240x128xf32, #tpu.memory_space<vmem_shared>>
      tpu.enqueue_indirect_dma source(%arg16 : memref<160x128xf32, #tpu.memory_space<vmem>>) target(%dma_start3A_517 : memref<10240x128xf32, #tpu.memory_space<vmem_shared>>) offsets(%dma_start3A_514 : memref<160xi32, #tpu.memory_space<vmem>>) semaphore(%arg28 : memref<!tpu.dma_semaphore, #tpu.memory_space<semaphore_mem>>) {add = true}
      %add3A_518 = arith.constant 4 : i32
      %add3A_519 = arith.addi %add3A_496, %add3A_518 : i32
      %add3A_520 = arith.constant 2 : i32
      %add3A_521 = arith.addi %add3A_496, %add3A_520 : i32
      %lt3A_522 = arith.constant 64 : i32
      %lt3A_523 = arith.cmpi slt, %add3A_521, %lt3A_522 : i32
      %convert_element_type3A_524 = arith.extui %lt3A_523 : i1 to i32
      %cond3A_525 = arith.constant 0 : i32
      %cond3A_526 = arith.cmpi ne, %convert_element_type3A_524, %cond3A_525 : i32
      scf.if %cond3A_526 {
        %dma_wait3A_528 = arith.constant 0 : i32
        %dma_wait3A_529 = arith.constant 0 : i32
        %dma_wait3A_530 = tpu.memref_slice %arg14[%dma_wait3A_528, %dma_wait3A_529] : memref<1x160xi32, #tpu.memory_space<vmem>> -> memref<1x160xi32, #tpu.memory_space<vmem>>
        %dma_wait3A_531 = tpu.memref_squeeze %dma_wait3A_530 : memref<1x160xi32, #tpu.memory_space<vmem>> -> memref<160xi32, #tpu.memory_space<vmem>>
        %dma_wait3A_532 = arith.constant 0 : i32
        %dma_wait3A_533 = arith.constant 0 : i32
        %dma_wait3A_534 = tpu.memref_slice %arg6[%dma_wait3A_532, %dma_wait3A_533] : memref<10240x128xf32, #tpu.memory_space<vmem_shared>> -> memref<10240x128xf32, #tpu.memory_space<vmem_shared>>
        tpu.wait_indirect_dma semaphore(%arg28 : memref<!tpu.dma_semaphore, #tpu.memory_space<semaphore_mem>>) src(%arg16 : memref<160x128xf32, #tpu.memory_space<vmem>>) dst(%dma_wait3A_534 : memref<10240x128xf32, #tpu.memory_space<vmem_shared>>)
        %lt3A_535 = arith.constant 64 : i32
        %lt3A_536 = arith.cmpi slt, %add3A_519, %lt3A_535 : i32
        %convert_element_type3A_537 = arith.extui %lt3A_536 : i1 to i32
        %cond3A_538 = arith.constant 0 : i32
        %cond3A_539 = arith.cmpi ne, %convert_element_type3A_537, %cond3A_538 : i32
        scf.if %cond3A_539 {
          %mul3A_684 = arith.constant 64 : i32
          %mul3A_685 = arith.muli %arg1, %mul3A_684 : i32
          %add3A_686 = arith.addi %mul3A_685, %add3A_519 : i32
          %dma_start3A_687 = arith.constant 0 : i32
          %dma_start3A_688 = tpu.memref_slice %arg2[%add3A_686, %dma_start3A_687] : memref<1024x160xi32, #tpu.memory_space<hbm>> -> memref<1x160xi32, #tpu.memory_space<hbm>>
          %dma_start3A_689 = arith.constant 0 : i32
          %dma_start3A_690 = tpu.memref_slice %arg2[%add3A_686, %dma_start3A_689] : memref<1024x160xi32, #tpu.memory_space<hbm>> -> memref<1x160xi32, #tpu.memory_space<hbm>>
          tpu.enqueue_dma source(%dma_start3A_690 : memref<1x160xi32, #tpu.memory_space<hbm>>) target(%arg10 : memref<1x160xi32, #tpu.memory_space<vmem>>) target_semaphore(%arg22 : memref<!tpu.dma_semaphore, #tpu.memory_space<semaphore_mem>>)
          %mul3A_691 = arith.constant 64 : i32
          %mul3A_692 = arith.muli %arg1, %mul3A_691 : i32
          %add3A_693 = arith.addi %mul3A_692, %add3A_519 : i32
          %dma_start3A_694 = arith.constant 0 : i32
          %dma_start3A_695 = tpu.memref_slice %arg3[%add3A_693, %dma_start3A_694] : memref<1024x160xi32, #tpu.memory_space<hbm>> -> memref<1x160xi32, #tpu.memory_space<hbm>>
          %dma_start3A_696 = arith.constant 0 : i32
          %dma_start3A_697 = tpu.memref_slice %arg3[%add3A_693, %dma_start3A_696] : memref<1024x160xi32, #tpu.memory_space<hbm>> -> memref<1x160xi32, #tpu.memory_space<hbm>>
          tpu.enqueue_dma source(%dma_start3A_697 : memref<1x160xi32, #tpu.memory_space<hbm>>) target(%arg14 : memref<1x160xi32, #tpu.memory_space<vmem>>) target_semaphore(%arg26 : memref<!tpu.dma_semaphore, #tpu.memory_space<semaphore_mem>>)
        } else {
        }
        %mul3A_540 = arith.constant 64 : i32
        %mul3A_541 = arith.muli %arg1, %mul3A_540 : i32
        %add3A_542 = arith.addi %mul3A_541, %add3A_521 : i32
        %dma_wait3A_543 = arith.constant 0 : i32
        %dma_wait3A_544 = tpu.memref_slice %arg2[%add3A_542, %dma_wait3A_543] : memref<1024x160xi32, #tpu.memory_space<hbm>> -> memref<1x160xi32, #tpu.memory_space<hbm>>
        %dma_wait3A_545 = arith.constant 0 : i32
        %dma_wait3A_546 = tpu.memref_slice %arg2[%add3A_542, %dma_wait3A_545] : memref<1024x160xi32, #tpu.memory_space<hbm>> -> memref<1x160xi32, #tpu.memory_space<hbm>>
        tpu.wait_dma2 semaphore(%arg20 : memref<!tpu.dma_semaphore, #tpu.memory_space<semaphore_mem>>) src(%dma_wait3A_546 : memref<1x160xi32, #tpu.memory_space<hbm>>) dst(%arg8 : memref<1x160xi32, #tpu.memory_space<vmem>>)
        %get3A_547 = arith.constant 0 : i32
        %get3A_548 = arith.index_cast %get3A_547 : i32 to index
        %get3A_549 = arith.constant 0 : index
        %get3A_550 = tpu.vector_load %arg8[%get3A_548, %get3A_549] {strides = array<i32>} : memref<1x160xi32, #tpu.memory_space<vmem>>, vector<1x16xi32>,
        %get3A_551 = vector.shape_cast %get3A_550 : vector<1x16xi32> to vector<16xi32>
        %add3A_552 = vector.broadcast %mul3A_0 : i32 to vector<16xi32>
        %add3A_553 = arith.addi %get3A_551, %add3A_552 : vector<16xi32>
        %swap3A_554 = arith.constant 0 : i32
        %swap3A_555 = arith.index_cast %swap3A_554 : i32 to index
        %swap3A_556 = arith.constant 0 : index
        %swap3A_557 = tpu.vector_load %arg8[%swap3A_555, %swap3A_556] {strides = array<i32>} : memref<1x160xi32, #tpu.memory_space<vmem>>, vector<1x16xi32>,
        %swap3A_558 = vector.shape_cast %swap3A_557 : vector<1x16xi32> to vector<16xi32>
        %swap3A_559 = vector.shape_cast %add3A_553 : vector<16xi32> to vector<1x16xi32>
        tpu.vector_store %arg8[%swap3A_555, %swap3A_556], %swap3A_559 {strides = array<i32>} : memref<1x160xi32, #tpu.memory_space<vmem>>, vector<1x16xi32>,
        %get3A_560 = arith.constant 0 : i32
        %get3A_561 = arith.index_cast %get3A_560 : i32 to index
        %get3A_562 = arith.constant 16 : index
        %get3A_563 = tpu.vector_load %arg8[%get3A_561, %get3A_562] {strides = array<i32>} : memref<1x160xi32, #tpu.memory_space<vmem>>, vector<1x16xi32>,
        %get3A_564 = vector.shape_cast %get3A_563 : vector<1x16xi32> to vector<16xi32>
        %add3A_565 = vector.broadcast %mul3A_0 : i32 to vector<16xi32>
        %add3A_566 = arith.addi %get3A_564, %add3A_565 : vector<16xi32>
        %swap3A_567 = arith.constant 0 : i32
        %swap3A_568 = arith.index_cast %swap3A_567 : i32 to index
        %swap3A_569 = arith.constant 16 : index
        %swap3A_570 = tpu.vector_load %arg8[%swap3A_568, %swap3A_569] {strides = array<i32>} : memref<1x160xi32, #tpu.memory_space<vmem>>, vector<1x16xi32>,
        %swap3A_571 = vector.shape_cast %swap3A_570 : vector<1x16xi32> to vector<16xi32>
        %swap3A_572 = vector.shape_cast %add3A_566 : vector<16xi32> to vector<1x16xi32>
        tpu.vector_store %arg8[%swap3A_568, %swap3A_569], %swap3A_572 {strides = array<i32>} : memref<1x160xi32, #tpu.memory_space<vmem>>, vector<1x16xi32>,
        %get3A_573 = arith.constant 0 : i32
        %get3A_574 = arith.index_cast %get3A_573 : i32 to index
        %get3A_575 = arith.constant 32 : index
        %get3A_576 = tpu.vector_load %arg8[%get3A_574, %get3A_575] {strides = array<i32>} : memref<1x160xi32, #tpu.memory_space<vmem>>, vector<1x16xi32>,
        %get3A_577 = vector.shape_cast %get3A_576 : vector<1x16xi32> to vector<16xi32>
        %add3A_578 = vector.broadcast %mul3A_0 : i32 to vector<16xi32>
        %add3A_579 = arith.addi %get3A_577, %add3A_578 : vector<16xi32>
        %swap3A_580 = arith.constant 0 : i32
        %swap3A_581 = arith.index_cast %swap3A_580 : i32 to index
        %swap3A_582 = arith.constant 32 : index
        %swap3A_583 = tpu.vector_load %arg8[%swap3A_581, %swap3A_582] {strides = array<i32>} : memref<1x160xi32, #tpu.memory_space<vmem>>, vector<1x16xi32>,
        %swap3A_584 = vector.shape_cast %swap3A_583 : vector<1x16xi32> to vector<16xi32>
        %swap3A_585 = vector.shape_cast %add3A_579 : vector<16xi32> to vector<1x16xi32>
        tpu.vector_store %arg8[%swap3A_581, %swap3A_582], %swap3A_585 {strides = array<i32>} : memref<1x160xi32, #tpu.memory_space<vmem>>, vector<1x16xi32>,
        %get3A_586 = arith.constant 0 : i32
        %get3A_587 = arith.index_cast %get3A_586 : i32 to index
        %get3A_588 = arith.constant 48 : index
        %get3A_589 = tpu.vector_load %arg8[%get3A_587, %get3A_588] {strides = array<i32>} : memref<1x160xi32, #tpu.memory_space<vmem>>, vector<1x16xi32>,
        %get3A_590 = vector.shape_cast %get3A_589 : vector<1x16xi32> to vector<16xi32>
        %add3A_591 = vector.broadcast %mul3A_0 : i32 to vector<16xi32>
        %add3A_592 = arith.addi %get3A_590, %add3A_591 : vector<16xi32>
        %swap3A_593 = arith.constant 0 : i32
        %swap3A_594 = arith.index_cast %swap3A_593 : i32 to index
        %swap3A_595 = arith.constant 48 : index
        %swap3A_596 = tpu.vector_load %arg8[%swap3A_594, %swap3A_595] {strides = array<i32>} : memref<1x160xi32, #tpu.memory_space<vmem>>, vector<1x16xi32>,
        %swap3A_597 = vector.shape_cast %swap3A_596 : vector<1x16xi32> to vector<16xi32>
        %swap3A_598 = vector.shape_cast %add3A_592 : vector<16xi32> to vector<1x16xi32>
        tpu.vector_store %arg8[%swap3A_594, %swap3A_595], %swap3A_598 {strides = array<i32>} : memref<1x160xi32, #tpu.memory_space<vmem>>, vector<1x16xi32>,
        %get3A_599 = arith.constant 0 : i32
        %get3A_600 = arith.index_cast %get3A_599 : i32 to index
        %get3A_601 = arith.constant 64 : index
        %get3A_602 = tpu.vector_load %arg8[%get3A_600, %get3A_601] {strides = array<i32>} : memref<1x160xi32, #tpu.memory_space<vmem>>, vector<1x16xi32>,
        %get3A_603 = vector.shape_cast %get3A_602 : vector<1x16xi32> to vector<16xi32>
        %add3A_604 = vector.broadcast %mul3A_0 : i32 to vector<16xi32>
        %add3A_605 = arith.addi %get3A_603, %add3A_604 : vector<16xi32>
        %swap3A_606 = arith.constant 0 : i32
        %swap3A_607 = arith.index_cast %swap3A_606 : i32 to index
        %swap3A_608 = arith.constant 64 : index
        %swap3A_609 = tpu.vector_load %arg8[%swap3A_607, %swap3A_608] {strides = array<i32>} : memref<1x160xi32, #tpu.memory_space<vmem>>, vector<1x16xi32>,
        %swap3A_610 = vector.shape_cast %swap3A_609 : vector<1x16xi32> to vector<16xi32>
        %swap3A_611 = vector.shape_cast %add3A_605 : vector<16xi32> to vector<1x16xi32>
        tpu.vector_store %arg8[%swap3A_607, %swap3A_608], %swap3A_611 {strides = array<i32>} : memref<1x160xi32, #tpu.memory_space<vmem>>, vector<1x16xi32>,
        %get3A_612 = arith.constant 0 : i32
        %get3A_613 = arith.index_cast %get3A_612 : i32 to index
        %get3A_614 = arith.constant 80 : index
        %get3A_615 = tpu.vector_load %arg8[%get3A_613, %get3A_614] {strides = array<i32>} : memref<1x160xi32, #tpu.memory_space<vmem>>, vector<1x16xi32>,
        %get3A_616 = vector.shape_cast %get3A_615 : vector<1x16xi32> to vector<16xi32>
        %add3A_617 = vector.broadcast %mul3A_0 : i32 to vector<16xi32>
        %add3A_618 = arith.addi %get3A_616, %add3A_617 : vector<16xi32>
        %swap3A_619 = arith.constant 0 : i32
        %swap3A_620 = arith.index_cast %swap3A_619 : i32 to index
        %swap3A_621 = arith.constant 80 : index
        %swap3A_622 = tpu.vector_load %arg8[%swap3A_620, %swap3A_621] {strides = array<i32>} : memref<1x160xi32, #tpu.memory_space<vmem>>, vector<1x16xi32>,
        %swap3A_623 = vector.shape_cast %swap3A_622 : vector<1x16xi32> to vector<16xi32>
        %swap3A_624 = vector.shape_cast %add3A_618 : vector<16xi32> to vector<1x16xi32>
        tpu.vector_store %arg8[%swap3A_620, %swap3A_621], %swap3A_624 {strides = array<i32>} : memref<1x160xi32, #tpu.memory_space<vmem>>, vector<1x16xi32>,
        %get3A_625 = arith.constant 0 : i32
        %get3A_626 = arith.index_cast %get3A_625 : i32 to index
        %get3A_627 = arith.constant 96 : index
        %get3A_628 = tpu.vector_load %arg8[%get3A_626, %get3A_627] {strides = array<i32>} : memref<1x160xi32, #tpu.memory_space<vmem>>, vector<1x16xi32>,
        %get3A_629 = vector.shape_cast %get3A_628 : vector<1x16xi32> to vector<16xi32>
        %add3A_630 = vector.broadcast %mul3A_0 : i32 to vector<16xi32>
        %add3A_631 = arith.addi %get3A_629, %add3A_630 : vector<16xi32>
        %swap3A_632 = arith.constant 0 : i32
        %swap3A_633 = arith.index_cast %swap3A_632 : i32 to index
        %swap3A_634 = arith.constant 96 : index
        %swap3A_635 = tpu.vector_load %arg8[%swap3A_633, %swap3A_634] {strides = array<i32>} : memref<1x160xi32, #tpu.memory_space<vmem>>, vector<1x16xi32>,
        %swap3A_636 = vector.shape_cast %swap3A_635 : vector<1x16xi32> to vector<16xi32>
        %swap3A_637 = vector.shape_cast %add3A_631 : vector<16xi32> to vector<1x16xi32>
        tpu.vector_store %arg8[%swap3A_633, %swap3A_634], %swap3A_637 {strides = array<i32>} : memref<1x160xi32, #tpu.memory_space<vmem>>, vector<1x16xi32>,
        %get3A_638 = arith.constant 0 : i32
        %get3A_639 = arith.index_cast %get3A_638 : i32 to index
        %get3A_640 = arith.constant 112 : index
        %get3A_641 = tpu.vector_load %arg8[%get3A_639, %get3A_640] {strides = array<i32>} : memref<1x160xi32, #tpu.memory_space<vmem>>, vector<1x16xi32>,
        %get3A_642 = vector.shape_cast %get3A_641 : vector<1x16xi32> to vector<16xi32>
        %add3A_643 = vector.broadcast %mul3A_0 : i32 to vector<16xi32>
        %add3A_644 = arith.addi %get3A_642, %add3A_643 : vector<16xi32>
        %swap3A_645 = arith.constant 0 : i32
        %swap3A_646 = arith.index_cast %swap3A_645 : i32 to index
        %swap3A_647 = arith.constant 112 : index
        %swap3A_648 = tpu.vector_load %arg8[%swap3A_646, %swap3A_647] {strides = array<i32>} : memref<1x160xi32, #tpu.memory_space<vmem>>, vector<1x16xi32>,
        %swap3A_649 = vector.shape_cast %swap3A_648 : vector<1x16xi32> to vector<16xi32>
        %swap3A_650 = vector.shape_cast %add3A_644 : vector<16xi32> to vector<1x16xi32>
        tpu.vector_store %arg8[%swap3A_646, %swap3A_647], %swap3A_650 {strides = array<i32>} : memref<1x160xi32, #tpu.memory_space<vmem>>, vector<1x16xi32>,
        %get3A_651 = arith.constant 0 : i32
        %get3A_652 = arith.index_cast %get3A_651 : i32 to index
        %get3A_653 = arith.constant 128 : index
        %get3A_654 = tpu.vector_load %arg8[%get3A_652, %get3A_653] {strides = array<i32>} : memref<1x160xi32, #tpu.memory_space<vmem>>, vector<1x16xi32>,
        %get3A_655 = vector.shape_cast %get3A_654 : vector<1x16xi32> to vector<16xi32>
        %add3A_656 = vector.broadcast %mul3A_0 : i32 to vector<16xi32>
        %add3A_657 = arith.addi %get3A_655, %add3A_656 : vector<16xi32>
        %swap3A_658 = arith.constant 0 : i32
        %swap3A_659 = arith.index_cast %swap3A_658 : i32 to index
        %swap3A_660 = arith.constant 128 : index
        %swap3A_661 = tpu.vector_load %arg8[%swap3A_659, %swap3A_660] {strides = array<i32>} : memref<1x160xi32, #tpu.memory_space<vmem>>, vector<1x16xi32>,
        %swap3A_662 = vector.shape_cast %swap3A_661 : vector<1x16xi32> to vector<16xi32>
        %swap3A_663 = vector.shape_cast %add3A_657 : vector<16xi32> to vector<1x16xi32>
        tpu.vector_store %arg8[%swap3A_659, %swap3A_660], %swap3A_663 {strides = array<i32>} : memref<1x160xi32, #tpu.memory_space<vmem>>, vector<1x16xi32>,
        %get3A_664 = arith.constant 0 : i32
        %get3A_665 = arith.index_cast %get3A_664 : i32 to index
        %get3A_666 = arith.constant 144 : index
        %get3A_667 = tpu.vector_load %arg8[%get3A_665, %get3A_666] {strides = array<i32>} : memref<1x160xi32, #tpu.memory_space<vmem>>, vector<1x16xi32>,
        %get3A_668 = vector.shape_cast %get3A_667 : vector<1x16xi32> to vector<16xi32>
        %add3A_669 = vector.broadcast %mul3A_0 : i32 to vector<16xi32>
        %add3A_670 = arith.addi %get3A_668, %add3A_669 : vector<16xi32>
        %swap3A_671 = arith.constant 0 : i32
        %swap3A_672 = arith.index_cast %swap3A_671 : i32 to index
        %swap3A_673 = arith.constant 144 : index
        %swap3A_674 = tpu.vector_load %arg8[%swap3A_672, %swap3A_673] {strides = array<i32>} : memref<1x160xi32, #tpu.memory_space<vmem>>, vector<1x16xi32>,
        %swap3A_675 = vector.shape_cast %swap3A_674 : vector<1x16xi32> to vector<16xi32>
        %swap3A_676 = vector.shape_cast %add3A_670 : vector<16xi32> to vector<1x16xi32>
        tpu.vector_store %arg8[%swap3A_672, %swap3A_673], %swap3A_676 {strides = array<i32>} : memref<1x160xi32, #tpu.memory_space<vmem>>, vector<1x16xi32>,
        %dma_start3A_677 = arith.constant 0 : i32
        %dma_start3A_678 = arith.constant 0 : i32
        %dma_start3A_679 = tpu.memref_slice %arg8[%dma_start3A_677, %dma_start3A_678] : memref<1x160xi32, #tpu.memory_space<vmem>> -> memref<1x160xi32, #tpu.memory_space<vmem>>
        %dma_start3A_680 = tpu.memref_squeeze %dma_start3A_679 : memref<1x160xi32, #tpu.memory_space<vmem>> -> memref<160xi32, #tpu.memory_space<vmem>>
        %dma_start3A_681 = arith.constant 0 : i32
        %dma_start3A_682 = arith.constant 0 : i32
        %dma_start3A_683 = tpu.memref_slice %arg4[%dma_start3A_681, %dma_start3A_682] : memref<20000x128xf32, #tpu.memory_space<hbm>> -> memref<20000x128xf32, #tpu.memory_space<hbm>>
        tpu.enqueue_indirect_dma source(%dma_start3A_683 : memref<20000x128xf32, #tpu.memory_space<hbm>>) target(%arg16 : memref<160x128xf32, #tpu.memory_space<vmem>>) offsets(%dma_start3A_680 : memref<160xi32, #tpu.memory_space<vmem>>) semaphore(%arg18 : memref<!tpu.dma_semaphore, #tpu.memory_space<semaphore_mem>>)
      } else {
      }
      %scan3A_527 = arith.constant 0 : i32
      scf.yield %scan3A_527 : i32
    }
    %scan3A_369 = arith.constant 16 : i32
    %dma_wait3A_370 = arith.constant 0 : i32
    %dma_wait3A_371 = arith.constant 0 : i32
    %dma_wait3A_372 = tpu.memref_slice %arg13[%dma_wait3A_370, %dma_wait3A_371] : memref<1x160xi32, #tpu.memory_space<vmem>> -> memref<1x160xi32, #tpu.memory_space<vmem>>
    %dma_wait3A_373 = tpu.memref_squeeze %dma_wait3A_372 : memref<1x160xi32, #tpu.memory_space<vmem>> -> memref<160xi32, #tpu.memory_space<vmem>>
    %dma_wait3A_374 = arith.constant 0 : i32
    %dma_wait3A_375 = arith.constant 0 : i32
    %dma_wait3A_376 = tpu.memref_slice %arg6[%dma_wait3A_374, %dma_wait3A_375] : memref<10240x128xf32, #tpu.memory_space<vmem_shared>> -> memref<10240x128xf32, #tpu.memory_space<vmem_shared>>
    tpu.wait_indirect_dma semaphore(%arg27 : memref<!tpu.dma_semaphore, #tpu.memory_space<semaphore_mem>>) src(%arg15 : memref<160x128xf32, #tpu.memory_space<vmem>>) dst(%dma_wait3A_376 : memref<10240x128xf32, #tpu.memory_space<vmem_shared>>)
    %dma_wait3A_377 = arith.constant 0 : i32
    %dma_wait3A_378 = arith.constant 0 : i32
    %dma_wait3A_379 = tpu.memref_slice %arg14[%dma_wait3A_377, %dma_wait3A_378] : memref<1x160xi32, #tpu.memory_space<vmem>> -> memref<1x160xi32, #tpu.memory_space<vmem>>
    %dma_wait3A_380 = tpu.memref_squeeze %dma_wait3A_379 : memref<1x160xi32, #tpu.memory_space<vmem>> -> memref<160xi32, #tpu.memory_space<vmem>>
    %dma_wait3A_381 = arith.constant 0 : i32
    %dma_wait3A_382 = arith.constant 0 : i32
    %dma_wait3A_383 = tpu.memref_slice %arg6[%dma_wait3A_381, %dma_wait3A_382] : memref<10240x128xf32, #tpu.memory_space<vmem_shared>> -> memref<10240x128xf32, #tpu.memory_space<vmem_shared>>
    tpu.wait_indirect_dma semaphore(%arg28 : memref<!tpu.dma_semaphore, #tpu.memory_space<semaphore_mem>>) src(%arg16 : memref<160x128xf32, #tpu.memory_space<vmem>>) dst(%dma_wait3A_383 : memref<10240x128xf32, #tpu.memory_space<vmem_shared>>)
    %barrier3A_384 = arith.constant 0 : index
    tpu.barrier barrier_id(%barrier3A_384)
    %mul3A_385 = arith.constant 640 : i32
    %mul3A_386 = arith.muli %arg1, %mul3A_385 : i32
    %mul3A_387 = arith.constant 10240 : i32
    %mul3A_388 = arith.muli %arg0, %mul3A_387 : i32
    %mul3A_389 = arith.constant 640 : i32
    %mul3A_390 = arith.muli %arg1, %mul3A_389 : i32
    %add3A_391 = arith.addi %mul3A_388, %mul3A_390 : i32
    "tpu.region"() ({
      %run_scoped3A = tpu.sem_alloc : memref<!tpu.dma_semaphore, #tpu.memory_space<semaphore_mem>>
      %dma_start3A_392 = arith.constant 0 : i32
      %dma_start3A_393 = tpu.memref_slice %arg5[%add3A_391, %dma_start3A_392] : memref<20480x128xf32, #tpu.memory_space<hbm>> -> memref<640x128xf32, #tpu.memory_space<hbm>>
      %dma_start3A_394 = arith.constant 0 : i32
      %dma_start3A_395 = tpu.memref_slice %arg6[%mul3A_386, %dma_start3A_394] : memref<10240x128xf32, #tpu.memory_space<vmem_shared>> -> memref<640x128xf32, #tpu.memory_space<vmem_shared>>
      tpu.enqueue_dma source(%dma_start3A_395 : memref<640x128xf32, #tpu.memory_space<vmem_shared>>) target(%dma_start3A_393 : memref<640x128xf32, #tpu.memory_space<hbm>>) target_semaphore(%run_scoped3A : memref<!tpu.dma_semaphore, #tpu.memory_space<semaphore_mem>>)
      %dma_wait3A_396 = arith.constant 0 : i32
      %dma_wait3A_397 = tpu.memref_slice %arg5[%add3A_391, %dma_wait3A_396] : memref<20480x128xf32, #tpu.memory_space<hbm>> -> memref<640x128xf32, #tpu.memory_space<hbm>>
      %dma_wait3A_398 = arith.constant 0 : i32
      %dma_wait3A_399 = tpu.memref_slice %arg6[%mul3A_386, %dma_wait3A_398] : memref<10240x128xf32, #tpu.memory_space<vmem_shared>> -> memref<640x128xf32, #tpu.memory_space<vmem_shared>>
      tpu.wait_dma2 semaphore(%run_scoped3A : memref<!tpu.dma_semaphore, #tpu.memory_space<semaphore_mem>>) src(%dma_wait3A_399 : memref<640x128xf32, #tpu.memory_space<vmem_shared>>) dst(%dma_wait3A_397 : memref<640x128xf32, #tpu.memory_space<hbm>>)
      tpu.yield
    }) : () -> ()
    return
  }
}

module attributes {stable_mosaic.version = 14 : i64} {
  func.func @_norm_body(%arg0: i32, %arg1: memref<2000x256xf32, #tpu.memory_space<vmem>>, %arg2: memref<2000x1xf32, #tpu.memory_space<vmem>>, %arg3: memref<2000x1xf32, #tpu.memory_space<vmem>>, %arg4: memref<2x2000x128xf32, #tpu.memory_space<vmem>>, %arg5: memref<2000x1xf32, #tpu.memory_space<vmem>>) attributes {dimension_semantics = [#tpu.dimension_semantics<arbitrary>], iteration_bounds = array<i64: 5>, scalar_prefetch = 0 : i64, scratch_operands = 0 : i64, tpu.core_type = #tpu.core_type<tc>, window_params = [{transform_indices = @transform_0, window_bounds = array<i64: 2000, 256>}, {transform_indices = @transform_1, window_bounds = array<i64: 2000, 1>}, {transform_indices = @transform_2, window_bounds = array<i64: 2000, 1>}, {transform_indices = @transform_3, window_bounds = array<i64: 2, 2000, 128>}, {transform_indices = @transform_4, window_bounds = array<i64: 2000, 1>}]} {
    %get3A = arith.constant 0 : index
    %get3A_0 = arith.constant 0 : index
    %get3A_1 = vector.load %arg2[%get3A, %get3A_0] : memref<2000x1xf32, #tpu.memory_space<vmem>>, vector<2000x1xf32>
    %get3A_2 = arith.constant 0 : index
    %get3A_3 = arith.constant 0 : index
    %get3A_4 = vector.load %arg3[%get3A_2, %get3A_3] : memref<2000x1xf32, #tpu.memory_space<vmem>>, vector<2000x1xf32>
    %add3A = arith.addf %get3A_1, %get3A_4 : vector<2000x1xf32>
    %rsqrt3A = math.rsqrt %add3A : vector<2000x1xf32>
    %get3A_5 = arith.constant 0 : index
    %get3A_6 = arith.constant 0 : index
    %get3A_7 = vector.load %arg1[%get3A_5, %get3A_6] : memref<2000x256xf32, #tpu.memory_space<vmem>>, vector<2000x256xf32>
    %mul3A = vector.broadcast %rsqrt3A : vector<2000x1xf32> to vector<2000x256xf32>
    %mul3A_8 = arith.mulf %mul3A, %get3A_7 : vector<2000x256xf32>
    %slice3A = vector.extract_strided_slice %mul3A_8 {offsets = [0, 0], sizes = [2000, 128], strides = [1, 1]} : vector<2000x256xf32> to vector<2000x128xf32>
    %swap3A = arith.constant 0 : index
    %swap3A_9 = arith.constant 0 : index
    %swap3A_10 = arith.constant 0 : index
    %swap3A_11 = vector.load %arg4[%swap3A, %swap3A_9, %swap3A_10] : memref<2x2000x128xf32, #tpu.memory_space<vmem>>, vector<1x2000x128xf32>
    %swap3A_12 = vector.shape_cast %swap3A_11 : vector<1x2000x128xf32> to vector<2000x128xf32>
    %swap3A_13 = vector.shape_cast %slice3A : vector<2000x128xf32> to vector<1x2000x128xf32>
    tpu.vector_store %arg4[%swap3A, %swap3A_9, %swap3A_10], %swap3A_13 {strides = array<i32>} : memref<2x2000x128xf32, #tpu.memory_space<vmem>>, vector<1x2000x128xf32>,
    %slice3A_14 = vector.extract_strided_slice %mul3A_8 {offsets = [0, 128], sizes = [2000, 128], strides = [1, 1]} : vector<2000x256xf32> to vector<2000x128xf32>
    %swap3A_15 = arith.constant 1 : index
    %swap3A_16 = arith.constant 0 : index
    %swap3A_17 = arith.constant 0 : index
    %swap3A_18 = vector.load %arg4[%swap3A_15, %swap3A_16, %swap3A_17] : memref<2x2000x128xf32, #tpu.memory_space<vmem>>, vector<1x2000x128xf32>
    %swap3A_19 = vector.shape_cast %swap3A_18 : vector<1x2000x128xf32> to vector<2000x128xf32>
    %swap3A_20 = vector.shape_cast %slice3A_14 : vector<2000x128xf32> to vector<1x2000x128xf32>
    tpu.vector_store %arg4[%swap3A_15, %swap3A_16, %swap3A_17], %swap3A_20 {strides = array<i32>} : memref<2x2000x128xf32, #tpu.memory_space<vmem>>, vector<1x2000x128xf32>,
    %swap3A_21 = arith.constant 0 : index
    %swap3A_22 = arith.constant 0 : index
    %swap3A_23 = vector.load %arg5[%swap3A_21, %swap3A_22] : memref<2000x1xf32, #tpu.memory_space<vmem>>, vector<2000x1xf32>
    tpu.vector_store %arg5[%swap3A_21, %swap3A_22], %rsqrt3A {strides = array<i32>} : memref<2000x1xf32, #tpu.memory_space<vmem>>, vector<2000x1xf32>,
    return
  }
  func.func @transform_0(%arg0: i32) -> (i32, i32) {
    %c0_i32 = arith.constant 0 : i32
    %c0_i32_0 = arith.constant 0 : i32
    return %arg0, %c0_i32 : i32, i32
  }
  func.func @transform_1(%arg0: i32) -> (i32, i32) {
    %c0_i32 = arith.constant 0 : i32
    %c0_i32_0 = arith.constant 0 : i32
    return %arg0, %c0_i32 : i32, i32
  }
  func.func @transform_2(%arg0: i32) -> (i32, i32) {
    %c0_i32 = arith.constant 0 : i32
    %c0_i32_0 = arith.constant 0 : i32
    return %arg0, %c0_i32 : i32, i32
  }
  func.func @transform_3(%arg0: i32) -> (i32, i32, i32) {
    %c0_i32 = arith.constant 0 : i32
    %c0_i32_0 = arith.constant 0 : i32
    %c0_i32_1 = arith.constant 0 : i32
    return %c0_i32, %arg0, %c0_i32_0 : i32, i32, i32
  }
  func.func @transform_4(%arg0: i32) -> (i32, i32) {
    %c0_i32 = arith.constant 0 : i32
    %c0_i32_0 = arith.constant 0 : i32
    return %arg0, %c0_i32 : i32, i32
  }
}

module attributes {stable_mosaic.version = 14 : i64} {
  func.func @_dense_body(%arg0: i32, %arg1: memref<2x2000x128xf32, #tpu.memory_space<vmem>>, %arg2: memref<2000x1xf32, #tpu.memory_space<vmem>>, %arg3: memref<2x128x256xf32, #tpu.memory_space<vmem>>, %arg4: memref<1x256xf32, #tpu.memory_space<vmem>>, %arg5: memref<2000x256xf32, #tpu.memory_space<vmem>>) attributes {dimension_semantics = [#tpu.dimension_semantics<arbitrary>], iteration_bounds = array<i64: 5>, scalar_prefetch = 0 : i64, scratch_operands = 0 : i64, tpu.core_type = #tpu.core_type<tc>, window_params = [{transform_indices = @transform_0, window_bounds = array<i64: 2, 2000, 128>}, {transform_indices = @transform_1, window_bounds = array<i64: 2000, 1>}, {pipeline_mode = #tpu.pipeline_mode<synchronous>, transform_indices = @transform_2, window_bounds = array<i64: 2, 128, 256>}, {pipeline_mode = #tpu.pipeline_mode<synchronous>, transform_indices = @transform_3, window_bounds = array<i64: 1, 256>}, {transform_indices = @transform_4, window_bounds = array<i64: 2000, 256>}]} {
    %get3A = arith.constant 0 : index
    %get3A_0 = arith.constant 0 : index
    %get3A_1 = arith.constant 0 : index
    %get3A_2 = vector.load %arg1[%get3A, %get3A_0, %get3A_1] : memref<2x2000x128xf32, #tpu.memory_space<vmem>>, vector<1x2000x128xf32>
    %get3A_3 = vector.shape_cast %get3A_2 : vector<1x2000x128xf32> to vector<2000x128xf32>
    %get3A_4 = arith.constant 0 : index
    %get3A_5 = arith.constant 0 : index
    %get3A_6 = arith.constant 0 : index
    %get3A_7 = vector.load %arg3[%get3A_4, %get3A_5, %get3A_6] : memref<2x128x256xf32, #tpu.memory_space<vmem>>, vector<1x128x256xf32>
    %get3A_8 = vector.shape_cast %get3A_7 : vector<1x128x256xf32> to vector<128x256xf32>
    %dot_general3A = arith.constant dense<0.000000e+00> : vector<2000x256xf32>
    %dot_general3A_9 = tpu.matmul %get3A_3, %get3A_8, %dot_general3A {dimension_numbers = #tpu.dot_dimension_numbers<[1], [0], [0], [1], [0, 0, 1, 1], [], []>, precision = #tpu.contract_precision<fp32>, transpose_lhs_hint = false} : vector<2000x128xf32>, vector<128x256xf32>, vector<2000x256xf32> -> vector<2000x256xf32>
    %get3A_10 = arith.constant 1 : index
    %get3A_11 = arith.constant 0 : index
    %get3A_12 = arith.constant 0 : index
    %get3A_13 = vector.load %arg1[%get3A_10, %get3A_11, %get3A_12] : memref<2x2000x128xf32, #tpu.memory_space<vmem>>, vector<1x2000x128xf32>
    %get3A_14 = vector.shape_cast %get3A_13 : vector<1x2000x128xf32> to vector<2000x128xf32>
    %get3A_15 = arith.constant 1 : index
    %get3A_16 = arith.constant 0 : index
    %get3A_17 = arith.constant 0 : index
    %get3A_18 = vector.load %arg3[%get3A_15, %get3A_16, %get3A_17] : memref<2x128x256xf32, #tpu.memory_space<vmem>>, vector<1x128x256xf32>
    %get3A_19 = vector.shape_cast %get3A_18 : vector<1x128x256xf32> to vector<128x256xf32>
    %dot_general3A_20 = arith.constant dense<0.000000e+00> : vector<2000x256xf32>
    %dot_general3A_21 = tpu.matmul %get3A_14, %get3A_19, %dot_general3A_20 {dimension_numbers = #tpu.dot_dimension_numbers<[1], [0], [0], [1], [0, 0, 1, 1], [], []>, precision = #tpu.contract_precision<fp32>, transpose_lhs_hint = false} : vector<2000x128xf32>, vector<128x256xf32>, vector<2000x256xf32> -> vector<2000x256xf32>
    %add3A = arith.addf %dot_general3A_9, %dot_general3A_21 : vector<2000x256xf32>
    %get3A_22 = arith.constant 0 : index
    %get3A_23 = arith.constant 0 : index
    %get3A_24 = vector.load %arg2[%get3A_22, %get3A_23] : memref<2000x1xf32, #tpu.memory_space<vmem>>, vector<2000x1xf32>
    %mul3A = vector.broadcast %get3A_24 : vector<2000x1xf32> to vector<2000x256xf32>
    %mul3A_25 = arith.mulf %mul3A, %add3A : vector<2000x256xf32>
    %get3A_26 = arith.constant 0 : index
    %get3A_27 = arith.constant 0 : index
    %get3A_28 = vector.load %arg4[%get3A_26, %get3A_27] : memref<1x256xf32, #tpu.memory_space<vmem>>, vector<1x256xf32>
    %add3A_29 = vector.broadcast %get3A_28 : vector<1x256xf32> to vector<2000x256xf32>
    %add3A_30 = arith.addf %mul3A_25, %add3A_29 : vector<2000x256xf32>
    %max3A = arith.constant 0.000000e+00 : f32
    %max3A_31 = vector.broadcast %max3A : f32 to vector<2000x256xf32>
    %max3A_32 = arith.maximumf %add3A_30, %max3A_31 : vector<2000x256xf32>
    %swap3A = arith.constant 0 : index
    %swap3A_33 = arith.constant 0 : index
    %swap3A_34 = vector.load %arg5[%swap3A, %swap3A_33] : memref<2000x256xf32, #tpu.memory_space<vmem>>, vector<2000x256xf32>
    tpu.vector_store %arg5[%swap3A, %swap3A_33], %max3A_32 {strides = array<i32>} : memref<2000x256xf32, #tpu.memory_space<vmem>>, vector<2000x256xf32>,
    return
  }
  func.func @transform_0(%arg0: i32) -> (i32, i32, i32) {
    %c0_i32 = arith.constant 0 : i32
    %c0_i32_0 = arith.constant 0 : i32
    %c0_i32_1 = arith.constant 0 : i32
    return %c0_i32, %arg0, %c0_i32_0 : i32, i32, i32
  }
  func.func @transform_1(%arg0: i32) -> (i32, i32) {
    %c0_i32 = arith.constant 0 : i32
    %c0_i32_0 = arith.constant 0 : i32
    return %arg0, %c0_i32 : i32, i32
  }
  func.func @transform_2(%arg0: i32) -> (i32, i32, i32) {
    %c0_i32 = arith.constant 0 : i32
    %c0_i32_0 = arith.constant 0 : i32
    %c0_i32_1 = arith.constant 0 : i32
    %c0_i32_2 = arith.constant 0 : i32
    return %c0_i32, %c0_i32_0, %c0_i32_1 : i32, i32, i32
  }
  func.func @transform_3(%arg0: i32) -> (i32, i32) {
    %c0_i32 = arith.constant 0 : i32
    %c0_i32_0 = arith.constant 0 : i32
    %c0_i32_1 = arith.constant 0 : i32
    return %c0_i32, %c0_i32_0 : i32, i32
  }
  func.func @transform_4(%arg0: i32) -> (i32, i32) {
    %c0_i32 = arith.constant 0 : i32
    %c0_i32_0 = arith.constant 0 : i32
    return %arg0, %c0_i32 : i32, i32
  }
}

</mosaic_0001>

<sc_bundles>
// kernel: kernel.6.cloned.1.call-start
scs
__scs_entry_jumppad:
0x0: {  	(pc) =	sbr.rel $0x88, $3  }
0x1: {  	(tag) =	ssettag $0x0;
	lr =	simm.s32 $0x1  }
0x2: {  	[smem:$0x3F9D] =	sst lr;
	_ =	strace $0xD0000000  }
0x3: {  	_ = 	snop  }
0x4: {  	_ = 	snop  }
0x5: {  	_ = 	snop  }
0x6: {  	_ = 	snop  }
0x7: {  	_ = 	snop  }
__scs_overlays_trampoline_lowered:
0x8: {  	[smem:$0x3FAC] =	sst s0  }
0x9: {  	[smem:$0x3FAD] =	sst s1  }
0xa: {  	[smem:$0x3FAE] =	sst s2  }
0xb: {  	[smem:$0x3FAF] =	sst s3  }
0xc: {  	[smem:$0x3FB0] =	sst s4  }
0xd: {  	[smem:$0x3FB1] =	sst s5  }
0xe: {  	[smem:$0x3FB2] =	sst s6  }
0xf: {  	[smem:$0x3FB3] =	sst s7  }
0x10: {  	[smem:$0x3FB4] =	sst s8  }
0x11: {  	[smem:$0x3FB5] =	sst s9;
	s0 =	simm.s32 @!p0 $0x0  }
0x12: {  	s1 =	sld [smem:$0x3F9B];
	s0 =	simm.s32 @p0 $0x1  }
0x13: {  	[smem:$0x3FB6] =	sst s0;
	s0 =	simm.s32 @!p1 $0x0  }
0x14: {  	s2 =	sld [smem:$0x3F9A];
	s0 =	simm.s32 @p1 $0x1  }
0x15: {  	[smem:$0x3FB7] =	sst s0;
	s0 =	simm.s32 @!p2 $0x0  }
0x16: {  	s3 =	sld [smem:$0x3FDB];
	s0 =	simm.s32 @p2 $0x1  }
0x17: {  	s4 =	simm.s32 $0x1BF5;
	[smem:$0x3FB9] =	sst s0  }
0x18: {  	s0 =	sld [smem:$0x3F9C];
	_ =	swait.ge [sflag:s4], $0x0  }
0x19: {  	s7 =	sld [smem:$0x3F9D]  }
0x1a: {  	s8 =	sadd.s32 $0xFFFFE003, lr  }
0x1b: {  	s9 =	sadd.s32 $0xFFFFFEF7, lr;
	s5 =	simm.s32 $0xFFFFFFFF;
	p2 =	slt.u32 s8, $0xFFFFF086  }
0x1c: {  	p1 =	slt.u32 s9, $0xF7A;
	s5 =	simm.s32 @!p2 $0x0  }
0x1d: {  	s5 =	simm.s32 @p1 $0x1;
	p0 =	seq.s32 s7, s2  }
0x1e: {  	s7 =	smul.u32 @!p0 $0xF7A, s2;
	p2 =	seq.s32 @!p0 s5, $0x0  }
0x1f: {  	s9 =	smul.u32 $0xF7A, s1;
	s8 =	simm.s32 @!p0 $0x1BF5;
	p2 =	por !p2, p0  }
0x20: {  	[sflag:s8] =	ssyncset.s32 @!p0 $0xFFFFF086;
	s6 =	sadd.s32 @!p0 s3, s7;
	s7 =	simm.s32 @!p0 $0x108  }
0x21: {  	s3 =	sadd.s32 s3, s9;
	s6 =	sadd.s32 @!p0 $0x88, s6;
	s7 =	simm.s32 @p2 $0x1082  }
0x22: {  	[simem:s7], [sflag:s8] =	dma.local @!p0 [hbm:s6], $0xF7A  }
0x23: {  	s9 =	sor.u32 $0xD0000000, s2;
	s6 =	simm.s32 $0x108;
	_ =	swait.ge @!p0 [sflag:s8], $0x0  }
0x24: {  	s3 =	sadd.s32 $0x88, s3;
	s6 =	simm.s32 @!p1 $0x1082;
	[sflag:s4] =	ssyncset.s32 $0xFFFFF086  }
0x25: {  	[simem:s6], [sflag:s4] =	dma.local [hbm:s3], $0xF7A  }
0x26: {  	[smem:$0x3F9D] =	sst s1;
	(tag) =	ssettag s2;
	_ =	strace s9  }
0x27: {  	s1 =	sld [smem:$0x3FAD]  }
0x28: {  	s2 =	sld [smem:$0x3FAE]  }
0x29: {  	s4 =	sld [smem:$0x3FB0]  }
0x2a: {  	p0 =	seq.s32 s5, $0x0;
	s5 =	sld [smem:$0x3FB1]  }
0x2b: {  	s6 =	sld [smem:$0x3FB2]  }
0x2c: {  	s7 =	sld [smem:$0x3FB3]  }
0x2d: {  	s3 =	simm.s32 $0x108;
	s8 =	sld [smem:$0x3FB4]  }
0x2e: {  	s3 =	simm.s32 @!p0 $0x1082;
	s9 =	sld [smem:$0x3FB5]  }
0x2f: {  	lr =	sadd.s32 s0, s3;
	s0 =	sld [smem:$0x3FAC]  }
0x30: {  	s3 =	sld [smem:$0x3FAF]  }
0x31: {  	[smem:$0x3FB8] =	sst s10  }
0x32: {  	s10 =	sld [smem:$0x3FB6];
	_ =	sdelay $0x3  }
0x33: {  	p0 =	seq.s32 s10, $0x1;
	s10 =	sld [smem:$0x3FB8];
	_ =	sdelay $0x3  }
0x34: {  	[smem:$0x3FB8] =	sst s10  }
0x35: {  	s10 =	sld [smem:$0x3FB7];
	_ =	sdelay $0x3  }
0x36: {  	p1 =	seq.s32 s10, $0x1;
	s10 =	sld [smem:$0x3FB8];
	_ =	sdelay $0x3  }
0x37: {  	[smem:$0x3FB8] =	sst s10  }
0x38: {  	s10 =	sld [smem:$0x3FB9]  }
0x39: {  	_ = 	snop;
	(pc) =	sbr.ind lr, $3  }
0x3a: {  	_ = 	snop  }
0x3b: {  	_ = 	snop  }
0x3c: {  	p2 =	seq.s32 s10, $0x1;
	s10 =	sld [smem:$0x3FB8]  }
0x3d: {  	_ =	shalt  }
0x3e: {  	_ =	shalt  }
0x3f: {  	_ =	shalt  }
0x40: {  	_ =	shalt  }
0x41: {  	_ =	shalt  }
0x42: {  	_ =	shalt  }
0x43: {  	_ =	shalt  }
0x44: {  	_ =	shalt  }
0x45: {  	_ =	shalt  }
0x46: {  	_ =	shalt  }
0x47: {  	_ =	shalt  }
0x48: {  	_ =	shalt  }
0x49: {  	_ =	shalt  }
0x4a: {  	_ =	shalt  }
0x4b: {  	_ =	shalt  }
0x4c: {  	_ =	shalt  }
0x4d: {  	_ =	shalt  }
0x4e: {  	_ =	shalt  }
0x4f: {  	_ =	shalt  }
0x50: {  	_ =	shalt  }
0x51: {  	_ =	shalt  }
0x52: {  	_ =	shalt  }
0x53: {  	_ =	shalt  }
0x54: {  	_ =	shalt  }
0x55: {  	_ =	shalt  }
0x56: {  	_ =	shalt  }
0x57: {  	_ =	shalt  }
0x58: {  	_ =	shalt  }
0x59: {  	_ =	shalt  }
0x5a: {  	_ =	shalt  }
0x5b: {  	_ =	shalt  }
0x5c: {  	_ =	shalt  }
0x5d: {  	_ =	shalt  }
0x5e: {  	_ =	shalt  }
0x5f: {  	_ =	shalt  }
0x60: {  	_ =	shalt  }
0x61: {  	_ =	shalt  }
0x62: {  	_ =	shalt  }
0x63: {  	_ =	shalt  }
0x64: {  	_ =	shalt  }
0x65: {  	_ =	shalt  }
0x66: {  	_ =	shalt  }
0x67: {  	_ =	shalt  }
0x68: {  	_ =	shalt  }
0x69: {  	_ =	shalt  }
0x6a: {  	_ =	shalt  }
0x6b: {  	_ =	shalt  }
0x6c: {  	_ =	shalt  }
0x6d: {  	_ =	shalt  }
0x6e: {  	_ =	shalt  }
0x6f: {  	_ =	shalt  }
0x70: {  	_ =	shalt  }
0x71: {  	_ =	shalt  }
0x72: {  	_ =	shalt  }
0x73: {  	_ =	shalt  }
0x74: {  	_ =	shalt  }
0x75: {  	_ =	shalt  }
0x76: {  	_ =	shalt  }
0x77: {  	_ =	shalt  }
0x78: {  	_ =	shalt  }
0x79: {  	_ =	shalt  }
0x7a: {  	_ =	shalt  }
0x7b: {  	_ =	shalt  }
0x7c: {  	_ =	shalt  }
0x7d: {  	_ =	shalt  }
0x7e: {  	_ =	shalt  }
0x7f: {  	_ =	shalt  }
0x80: {  	_ =	shalt  }
0x81: {  	_ =	shalt  }
0x82: {  	_ =	shalt  }
0x83: {  	_ =	shalt  }
0x84: {  	_ =	shalt  }
0x85: {  	_ =	shalt  }
0x86: {  	_ =	shalt  }
0x87: {  	_ =	shalt  }
.Lfunc_end0:
.L_simem_size_0:
called_computation_lowered:
.L_overlay_start_0:
0x88: {  	s2 =	sld [smem:$0x3FD9]  }
0x89: {  	s3 =	sld [smem:$0x3FFE];
	_ =	sdelay $0x1  }
0x8a: {  	s1 =	srdreg.scid  }
0x8b: {  	s0 =	sand.u32 $0x1, s1  }
0x8c: {  	s17 =	sshll.u32 s0, $0xA;
	s2 =	sadd.s32 s3, s2  }
0x8d: {  	s2 =	sadd.s32 s2, s17  }
0x8e: {  	[smem:$0x3FC4] =	sst s2  }
0x8f: {  	_ = 	snop  }
0x90: {  	s2 =	sld [smem:$0x3FD0];
	(tm) =	ssettm $0x1  }
0x91: {  	s18 =	sld [smem:$0x3FFB];
	_ =	sdelay $0x3  }
0x92: {  	_ =	strace s18  }
0x93: {  	s3 =	sld [smem:$0x3FFC];
	_ =	sdelay $0x3  }
0x94: {  	_ =	strace s3  }
0x95: {  	s3 =	sld [smem:$0x3FFD];
	_ =	sdelay $0x3  }
0x96: {  	_ =	strace s3  }
0x97: {  	_ =	strace $0x8FFFFFFF  }
0x98: {  	s19 =	sld [smem:$0x3FDB];
	_ =	sdelay $0x1  }
0x99: {  	s4 =	simm.s32 $_scs_section_size  }
0x9a: {  	s5 =	simm.s32 $_size__tile_overlayer_lowered;
	s6 =	simm.s32 $_tile_overlayer_lowered  }
0x9b: {  	s22 =	simm.s32 $0x1BFF;
	s21 =	sshll.u32 s6, $0x1;
	s3 =	sadd.s32 s4, s19  }
0x9c: {  	s7 =	simm.s32 $0x0;
	s20 =	sshll.u32 s5, $0x1;
	s5 =	sadd.s32 s21, s3  }
0x9d: {  	[timem:s7], [sflag:s22] =	dma.local [hbm:s5], s20  }
0x9e: {  	_ =	swait.ge [sflag:s22], s20  }
0x9f: {  	s4 =	ssub.s32 $0x0, s20;
	[sflag:s22] =	ssyncset.done $0x0  }
0xa0: {  	[sflag:s22] =	ssyncadd.s32 s4;
	_ =	sdelay $0x1  }
0xa1: {  	s23 =	simm.s32 $0x1B8B  }
0xa2: {  	_ =	swait.ge [sflag:s23], $0x1  }
0xa3: {  	[sflag:s23] =	ssyncset.done $0x0  }
0xa4: {  	s25 =	simm.s32 $0x1B8E;
	s24 =	sld [smem:$0x3FFE];
	[sflag:s23] =	ssyncadd.s32 $0xFFFFFFFF  }
0xa5: {  	s26 =	simm.s32 $execute0_lowered;
	[smem:$0x3FD2] =	sst s25  }
0xa6: {  	s5 =	sshll.u32 s26, $0x1;
	_ =	strace $0x80000046;
	[dreg:$0x1] =	wrdreg $0xFFFFFFFF  }
0xa7: {  	s28 =	simm.s32 $_size_execute0_lowered;
	s3 =	sadd.s32 s3, s5;
	[dreg:$0x0] =	wrdreg $0x0  }
0xa8: {  	s5 =	sshll.u32 s28, $0x1;
	[dreg:$0x2] =	wrdreg s3  }
0xa9: {  	[dreg:$0x3] =	wrdreg s5  }
0xaa: {  	[dreg:$0x4] =	wrdreg $0xC0  }
0xab: {  	_ =	task [dreg:s7], $0x5FFFF  }
0xac: {  	[dreg:$0x1] =	wrdreg $0xFFFFFFFF  }
0xad: {  	[dreg:$0x0] =	wrdreg $0x60  }
0xae: {  	[dreg:$0x2] =	wrdreg s2  }
0xaf: {  	[dreg:$0x3] =	wrdreg s24  }
0xb0: {  	[dreg:$0x4] =	wrdreg $0x0  }
0xb1: {  	[dreg:$0x5] =	wrdreg $0x9  }
0xb2: {  	_ =	task.clear_ibuf [dreg:s7], $0x6FFFF;
	_ =	strace $0x90000046  }
0xb3: {  	s29 =	simm.s32 $0x9;
	_ =	strace $0x80000048  }
0xb4: {  	_ =	swait.ge [sflag:s29], $0x1  }
0xb5: {  	[sflag:s29] =	ssyncadd.s32 $0xFFFFFFFF  }
0xb6: {  	_ =	strace $0x90000048  }
0xb7: {  	_ =	sfence  }
0xb8: {  	s30 =	sld [smem:$0x0];
	_ =	sdelay $0x2  }
0xb9: {  	s31 =	sshll.u32 s1, $0xD;
	s1 =	sshrl.u32 s1, $0x2  }
0xba: {  	s3 =	sand.u32 $0x4000, s31;
	s1 =	sadd.s32 s1, s30  }
0xbb: {  	s0 =	sor.u32 s3, s0;
	s1 =	sshll.u32 s1, $0x11  }
0xbc: {  	s0 =	sor.u32 s1, s0  }
0xbd: {  	s0 =	sadd.s32 $0x8F2B, s0  }
0xbe: {  	[sflag:s0] =	ssyncadd.remote.s32 $0x1  }
0xbf: {  	_ =	sfence.sel $0xFFFF  }
0xc0: {  	[dreg:$0x0] =	wrdreg $0xFFFFFFFF;
	(pc) =	sbr.abs _section_cstart, $3  }
0xc1: {  	[dreg:$0x1] =	wrdreg $0xFFFFFFFF  }
0xc2: {  	_ =	task.clear_ibuf [dreg:s7], $0x2FFFF;
	_ =	strace $0x9FFFFFFF  }
0xc3: {  	(tm) =	ssettm $0x7FFFFFFF  }
tec
execute0_lowered:
.L_overlay_start_1:
0x0: {  	(tag) =	ssettag $0x1  }
0x1: {  	s5 =	rddreg [dreg:$0x0]  }
0x2: {  	s4 =	rddreg [dreg:$0x1]  }
0x3: {  	s2 =	rddreg [dreg:$0x2]  }
0x4: {  	s0 =	rddreg [dreg:$0x3];
	s6 =	srdreg.scid  }
0x5: {  	s1 =	stileid.u32;
	s3 =	simm.s32 $0x0;
	s11 =	simm.s32 $0x80  }
0x6: {  	s12 =	simm.s32 $0x1680;
	s15 =	simm.s32 $0x20;
	s16 =	simm.s32 $0x10  }
0x7: {  	s17 =	simm.s32 $0x0;
	s6 =	sand.u32 $0x1, s6;
	s7 =	smul.u32 $0x500, s1  }
0x8: {  	[smem:$0x7FF] =	sst s3;
	s9 =	smul.u32 $0xA00, s1;
	s13 =	sshll.u32 s1, $0x6  }
0x9: {  	s8 =	sshll.u32 s6, $0x7;
	_ =	strace $0x80000047;
	s30 =	sshll.u32 s6, $0x4  }
0xa: {  	s6 =	ssub.s32 $0x2, s6;
	s13 =	sor.u32 $0x1C01, s13;
	s7 =	sor.u32 s8, s7  }
0xb: {  	s8 =	sor.u32 s1, s30;
	s10 =	sshrl.u32 s6, $0x1;
	s31 =	sshrl.u32 s9, $0x2  }
0xc: {  	s9 =	simm.s32 $0x1;
	s7 =	sshrl.u32 s7, $0x3;
	s8 =	smul.u32 $0x280, s8  }
0xd: {  	s10 =	ssub.s32 s6, s10;
	s7 =	sadd.s32 s7, s4;
	s4 =	sadd.s32 s31, s2  }
0xe: {  	s5 =	sadd.s32 s5, s8;
	s6 =	sadd.s32 $0xC00, s7;
	s7 =	smax.u32 s10, $0x1  }
0xf: {  	v0 =	vimm.f32 $0.0e+00;
	v1 =	vimm.f32 $1.000000000e+00;
	s8 =	simm.s32 $0x1700;
	s10 =	simm.s32 $0x280;
	s14 =	sshrl.u32 s4, $0x3  }
.LBB2_1:
0x10: {  	[tilespmem:$0x1700] =	vst v0  }
0x11: {  	[tilespmem:$0x1710] =	vst v0  }
0x12: {  	[tilespmem:$0x1720] =	vst v0  }
0x13: {  	[tilespmem:$0x1730] =	vst v0  }
0x14: {  	[tilespmem:$0x1740] =	vst v0  }
0x15: {  	[tilespmem:$0x1750] =	vst v0  }
0x16: {  	[tilespmem:$0x1760] =	vst v0  }
0x17: {  	[tilespmem:$0x1770] =	vst v0  }
0x18: {  	[tilespmem:$0x1780] =	vst v0  }
0x19: {  	[tilespmem:$0x1790] =	vst v0  }
0x1a: {  	[tilespmem:$0x17A0] =	vst v0  }
0x1b: {  	[tilespmem:$0x17B0] =	vst v0  }
0x1c: {  	[tilespmem:$0x17C0] =	vst v0  }
0x1d: {  	[tilespmem:$0x17D0] =	vst v0  }
0x1e: {  	[tilespmem:$0x17E0] =	vst v0  }
0x1f: {  	[tilespmem:$0x17F0] =	vst v0  }
0x20: {  	[tilespmem:$0x1800] =	vst v0  }
0x21: {  	[tilespmem:$0x1810] =	vst v0  }
0x22: {  	[tilespmem:$0x1820] =	vst v0  }
0x23: {  	[tilespmem:$0x1830] =	vst v0  }
0x24: {  	[tilespmem:$0x1840] =	vst v0  }
0x25: {  	[tilespmem:$0x1850] =	vst v0  }
0x26: {  	[tilespmem:$0x1860] =	vst v0  }
0x27: {  	[tilespmem:$0x1870] =	vst v0  }
0x28: {  	[tilespmem:$0x1880] =	vst v0  }
0x29: {  	[tilespmem:$0x1890] =	vst v0  }
0x2a: {  	[tilespmem:$0x18A0] =	vst v0  }
0x2b: {  	[tilespmem:$0x18B0] =	vst v0  }
0x2c: {  	[tilespmem:$0x18C0] =	vst v0  }
0x2d: {  	[tilespmem:$0x18D0] =	vst v0  }
0x2e: {  	[tilespmem:$0x18E0] =	vst v0  }
0x2f: {  	[tilespmem:$0x18F0] =	vst v0  }
0x30: {  	[tilespmem:$0x1900] =	vst v0  }
0x31: {  	[tilespmem:$0x1910] =	vst v0  }
0x32: {  	[tilespmem:$0x1920] =	vst v0  }
0x33: {  	[tilespmem:$0x1930] =	vst v0  }
0x34: {  	[tilespmem:$0x1940] =	vst v0  }
0x35: {  	[tilespmem:$0x1950] =	vst v0  }
0x36: {  	[tilespmem:$0x1960] =	vst v0  }
0x37: {  	[tilespmem:$0x1970] =	vst v0  }
0x38: {  	[tilespmem:$0x1680] =	vst v1  }
0x39: {  	[tilespmem:$0x1690] =	vst v1  }
0x3a: {  	[tilespmem:$0x16A0] =	vst v1  }
0x3b: {  	[tilespmem:$0x16B0] =	vst v1  }
0x3c: {  	[tilespmem:$0x16C0] =	vst v1  }
0x3d: {  	[tilespmem:$0x16D0] =	vst v1  }
0x3e: {  	[tilespmem:$0x16E0] =	vst v1  }
0x3f: {  	[tilespmem:$0x16F0] =	vst v1  }
0x40: {  	[spmem:s4] =	stream.linear.scatter [tilespmem:s8], [sflag:$0x1], $0x280, $0x38;
	[tilespmem:$0x1980] =	vst v63  }
0x41: {  	_ =	swait.ge [sflag:s9], $0x280  }
0x42: {  	[sflag:s9] =	ssyncset.done $0x0  }
0x43: {  	[sflag:s9] =	ssyncadd.s32 $0xFFFFFD80  }
0x44: {  	[tilespmem:s10], [sflag:$0x1] =	stream.linear.gather [hbm4b:s5+s3], $0x1400, $0x38;
	[tilespmem:$0x1980] =	vst v63  }
0x45: {  	_ =	swait.ge [sflag:s9], $0x1400  }
0x46: {  	[sflag:s9] =	ssyncset.done $0x0  }
0x47: {  	[sflag:s9] =	ssyncadd.s32 $0xFFFFEC00  }
0x48: {  	s18 =	simm.s32 $0x280;
	[bflag:$0x0] =	sbarrier.arrive $0xFFFF  }
0x49: {  	[spmem:s2] =	stream.indirect.scatter.add.f32 [tilespmem:s12], [sflag:$0x1], $0x1, s18, s11, $0xb8;
	[tilespmem:$0x1980] =	vst v63  }
0x4a: {  	s18 =	simm.s32 $0x200;
	_ =	swait.ge [sflag:s9], $0x80  }
.LBB2_2:
0x4b: {  	s19 =	sshra.s32 s18, $0x2;
	[sflag:s9] =	ssyncset.done $0x0;
	p0 =	sne.s32 s18, $0x4E00  }
.Ltmp0:
0x4c: {  	s19 =	sadd.s32 $0x280, s19;
	[sflag:s9] =	ssyncadd.s32 $0xFFFFFF80;
	(pc) =	sbr.rel @p0 .LBB2_2-.Ltmp0, $3  }
0x4d: {  	[spmem:s2] =	stream.indirect.scatter.add.f32 [tilespmem:s12], [sflag:$0x1], $0x1, s19, s11, $0xb8;
	[tilespmem:$0x1980] =	vst v63  }
0x4e: {  	s18 =	sadd.s32 $0x200, s18;
	_ =	sdelay $0x1  }
0x4f: {  	_ =	swait.ge [sflag:s9], $0x80  }
0x50: {  	[sflag:s9] =	ssyncset.done $0x0;
	s17 =	sadd.s32 $0x1, s17  }
0x51: {  	[sflag:s9] =	ssyncadd.s32 $0xFFFFFF80;
	p0 =	sne.s32 s17, s7  }
.Ltmp1:
0x52: {  	[bflag:$0x0] =	sbarrier.arrive $0xFFFF;
	(pc) =	sbr.rel @p0 .LBB2_1-.Ltmp1, $4  }
0x53: {  	[hbm:s6@s15], [sflag:s13] =	dma.strided [spmem:s14@s16], $0x50, s9, $0x10   }
0x54: {  	_ =	swait.ge [sflag:s9], $0x50  }
0x55: {  	[sflag:s9] =	ssyncset.done $0x0  }
0x56: {  	[sflag:s9] =	ssyncadd.s32 $0xFFFFFFB0  }
0x57: {  	_ =	sfence.sel $0x180000  }
0x58: {  	[bflag:$0x0] =	sbarrier.arrive $0xFFFF  }
0x59: {  	p0 =	sne.s32 s1, $0x0;
	_ =	strace $0x90000047  }
0x5a: {  	s0 =	sadd.s32 @!p0 $0x100000, s0;
	[bflag:$0x2] =	sbarrier.arrive $0xFFFF  }
0x5b: {  	[sflag:s0] =	ssyncadd.tile.s32 @!p0 $0x1;
	_ =	shalt  }
.Lfunc_end2:
_tile_overlayer_lowered:
.L_overlay_start_2:
0x5c: {  	(tag) =	ssettag $0x2  }
0x5d: {  	s0 =	rddreg [dreg:$0x0];
	s2 =	stileid.u32  }
0x5e: {  	s1 =	rddreg [dreg:$0x1];
	p0 =	sne.s32 s2, $0x0  }
0x5f: {  	s3 =	rddreg [dreg:$0x2];
	[bflag:$0x3] =	sbarrier.arrive $0xFFFF;
	s2 =	simm.s32 @!p0 $0x1C01  }
0x60: {  	[timem:s3], [sflag:s2] =	dma.local @!p0 [hbm:s0], s1  }
0x61: {  	s0 =	simm.s32 @!p0 $0x1  }
0x62: {  	_ =	swait.ge @!p0 [sflag:s0], s1  }
0x63: {  	s1 =	ssub.s32 @!p0 $0x0, s1;
	[sflag:s0] =	ssyncset.done @!p0 $0x0  }
0x64: {  	[sflag:s0] =	ssyncadd.s32 @!p0 s1  }
0x65: {  	[bflag:$0x3] =	sbarrier.arrive $0xFFFF  }
0x66: {  	_ =	shalt  }

// kernel: kernel.9.cloned.1.call-start
scs
__scs_entry_jumppad:
0x0: {  	(pc) =	sbr.rel $0x88, $3  }
0x1: {  	(tag) =	ssettag $0x0;
	lr =	simm.s32 $0x1  }
0x2: {  	[smem:$0x3F9D] =	sst lr;
	_ =	strace $0xD0000000  }
0x3: {  	_ = 	snop  }
0x4: {  	_ = 	snop  }
0x5: {  	_ = 	snop  }
0x6: {  	_ = 	snop  }
0x7: {  	_ = 	snop  }
__scs_overlays_trampoline_lowered:
0x8: {  	[smem:$0x3FAC] =	sst s0  }
0x9: {  	[smem:$0x3FAD] =	sst s1  }
0xa: {  	[smem:$0x3FAE] =	sst s2  }
0xb: {  	[smem:$0x3FAF] =	sst s3  }
0xc: {  	[smem:$0x3FB0] =	sst s4  }
0xd: {  	[smem:$0x3FB1] =	sst s5  }
0xe: {  	[smem:$0x3FB2] =	sst s6  }
0xf: {  	[smem:$0x3FB3] =	sst s7  }
0x10: {  	[smem:$0x3FB4] =	sst s8  }
0x11: {  	[smem:$0x3FB5] =	sst s9;
	s0 =	simm.s32 @!p0 $0x0  }
0x12: {  	s1 =	sld [smem:$0x3F9B];
	s0 =	simm.s32 @p0 $0x1  }
0x13: {  	[smem:$0x3FB6] =	sst s0;
	s0 =	simm.s32 @!p1 $0x0  }
0x14: {  	s2 =	sld [smem:$0x3F9A];
	s0 =	simm.s32 @p1 $0x1  }
0x15: {  	[smem:$0x3FB7] =	sst s0;
	s0 =	simm.s32 @!p2 $0x0  }
0x16: {  	s3 =	sld [smem:$0x3FDB];
	s0 =	simm.s32 @p2 $0x1  }
0x17: {  	s4 =	simm.s32 $0x1BF5;
	[smem:$0x3FB9] =	sst s0  }
0x18: {  	s0 =	sld [smem:$0x3F9C];
	_ =	swait.ge [sflag:s4], $0x0  }
0x19: {  	s7 =	sld [smem:$0x3F9D]  }
0x1a: {  	s8 =	sadd.s32 $0xFFFFE003, lr  }
0x1b: {  	s9 =	sadd.s32 $0xFFFFFEF7, lr;
	s5 =	simm.s32 $0xFFFFFFFF;
	p2 =	slt.u32 s8, $0xFFFFF086  }
0x1c: {  	p1 =	slt.u32 s9, $0xF7A;
	s5 =	simm.s32 @!p2 $0x0  }
0x1d: {  	s5 =	simm.s32 @p1 $0x1;
	p0 =	seq.s32 s7, s2  }
0x1e: {  	s7 =	smul.u32 @!p0 $0xF7A, s2;
	p2 =	seq.s32 @!p0 s5, $0x0  }
0x1f: {  	s9 =	smul.u32 $0xF7A, s1;
	s8 =	simm.s32 @!p0 $0x1BF5;
	p2 =	por !p2, p0  }
0x20: {  	[sflag:s8] =	ssyncset.s32 @!p0 $0xFFFFF086;
	s6 =	sadd.s32 @!p0 s3, s7;
	s7 =	simm.s32 @!p0 $0x108  }
0x21: {  	s3 =	sadd.s32 s3, s9;
	s6 =	sadd.s32 @!p0 $0x88, s6;
	s7 =	simm.s32 @p2 $0x1082  }
0x22: {  	[simem:s7], [sflag:s8] =	dma.local @!p0 [hbm:s6], $0xF7A  }
0x23: {  	s9 =	sor.u32 $0xD0000000, s2;
	s6 =	simm.s32 $0x108;
	_ =	swait.ge @!p0 [sflag:s8], $0x0  }
0x24: {  	s3 =	sadd.s32 $0x88, s3;
	s6 =	simm.s32 @!p1 $0x1082;
	[sflag:s4] =	ssyncset.s32 $0xFFFFF086  }
0x25: {  	[simem:s6], [sflag:s4] =	dma.local [hbm:s3], $0xF7A  }
0x26: {  	[smem:$0x3F9D] =	sst s1;
	(tag) =	ssettag s2;
	_ =	strace s9  }
0x27: {  	s1 =	sld [smem:$0x3FAD]  }
0x28: {  	s2 =	sld [smem:$0x3FAE]  }
0x29: {  	s4 =	sld [smem:$0x3FB0]  }
0x2a: {  	p0 =	seq.s32 s5, $0x0;
	s5 =	sld [smem:$0x3FB1]  }
0x2b: {  	s6 =	sld [smem:$0x3FB2]  }
0x2c: {  	s7 =	sld [smem:$0x3FB3]  }
0x2d: {  	s3 =	simm.s32 $0x108;
	s8 =	sld [smem:$0x3FB4]  }
0x2e: {  	s3 =	simm.s32 @!p0 $0x1082;
	s9 =	sld [smem:$0x3FB5]  }
0x2f: {  	lr =	sadd.s32 s0, s3;
	s0 =	sld [smem:$0x3FAC]  }
0x30: {  	s3 =	sld [smem:$0x3FAF]  }
0x31: {  	[smem:$0x3FB8] =	sst s10  }
0x32: {  	s10 =	sld [smem:$0x3FB6];
	_ =	sdelay $0x3  }
0x33: {  	p0 =	seq.s32 s10, $0x1;
	s10 =	sld [smem:$0x3FB8];
	_ =	sdelay $0x3  }
0x34: {  	[smem:$0x3FB8] =	sst s10  }
0x35: {  	s10 =	sld [smem:$0x3FB7];
	_ =	sdelay $0x3  }
0x36: {  	p1 =	seq.s32 s10, $0x1;
	s10 =	sld [smem:$0x3FB8];
	_ =	sdelay $0x3  }
0x37: {  	[smem:$0x3FB8] =	sst s10  }
0x38: {  	s10 =	sld [smem:$0x3FB9]  }
0x39: {  	_ = 	snop;
	(pc) =	sbr.ind lr, $3  }
0x3a: {  	_ = 	snop  }
0x3b: {  	_ = 	snop  }
0x3c: {  	p2 =	seq.s32 s10, $0x1;
	s10 =	sld [smem:$0x3FB8]  }
0x3d: {  	_ =	shalt  }
0x3e: {  	_ =	shalt  }
0x3f: {  	_ =	shalt  }
0x40: {  	_ =	shalt  }
0x41: {  	_ =	shalt  }
0x42: {  	_ =	shalt  }
0x43: {  	_ =	shalt  }
0x44: {  	_ =	shalt  }
0x45: {  	_ =	shalt  }
0x46: {  	_ =	shalt  }
0x47: {  	_ =	shalt  }
0x48: {  	_ =	shalt  }
0x49: {  	_ =	shalt  }
0x4a: {  	_ =	shalt  }
0x4b: {  	_ =	shalt  }
0x4c: {  	_ =	shalt  }
0x4d: {  	_ =	shalt  }
0x4e: {  	_ =	shalt  }
0x4f: {  	_ =	shalt  }
0x50: {  	_ =	shalt  }
0x51: {  	_ =	shalt  }
0x52: {  	_ =	shalt  }
0x53: {  	_ =	shalt  }
0x54: {  	_ =	shalt  }
0x55: {  	_ =	shalt  }
0x56: {  	_ =	shalt  }
0x57: {  	_ =	shalt  }
0x58: {  	_ =	shalt  }
0x59: {  	_ =	shalt  }
0x5a: {  	_ =	shalt  }
0x5b: {  	_ =	shalt  }
0x5c: {  	_ =	shalt  }
0x5d: {  	_ =	shalt  }
0x5e: {  	_ =	shalt  }
0x5f: {  	_ =	shalt  }
0x60: {  	_ =	shalt  }
0x61: {  	_ =	shalt  }
0x62: {  	_ =	shalt  }
0x63: {  	_ =	shalt  }
0x64: {  	_ =	shalt  }
0x65: {  	_ =	shalt  }
0x66: {  	_ =	shalt  }
0x67: {  	_ =	shalt  }
0x68: {  	_ =	shalt  }
0x69: {  	_ =	shalt  }
0x6a: {  	_ =	shalt  }
0x6b: {  	_ =	shalt  }
0x6c: {  	_ =	shalt  }
0x6d: {  	_ =	shalt  }
0x6e: {  	_ =	shalt  }
0x6f: {  	_ =	shalt  }
0x70: {  	_ =	shalt  }
0x71: {  	_ =	shalt  }
0x72: {  	_ =	shalt  }
0x73: {  	_ =	shalt  }
0x74: {  	_ =	shalt  }
0x75: {  	_ =	shalt  }
0x76: {  	_ =	shalt  }
0x77: {  	_ =	shalt  }
0x78: {  	_ =	shalt  }
0x79: {  	_ =	shalt  }
0x7a: {  	_ =	shalt  }
0x7b: {  	_ =	shalt  }
0x7c: {  	_ =	shalt  }
0x7d: {  	_ =	shalt  }
0x7e: {  	_ =	shalt  }
0x7f: {  	_ =	shalt  }
0x80: {  	_ =	shalt  }
0x81: {  	_ =	shalt  }
0x82: {  	_ =	shalt  }
0x83: {  	_ =	shalt  }
0x84: {  	_ =	shalt  }
0x85: {  	_ =	shalt  }
0x86: {  	_ =	shalt  }
0x87: {  	_ =	shalt  }
.Lfunc_end0:
.L_simem_size_0:
called_computation.1_lowered:
.L_overlay_start_0:
0x88: {  	s2 =	sld [smem:$0x3FD9]  }
0x89: {  	s3 =	sld [smem:$0x3FFE];
	_ =	sdelay $0x1  }
0x8a: {  	s1 =	srdreg.scid  }
0x8b: {  	s0 =	sand.u32 $0x1, s1  }
0x8c: {  	s17 =	sshll.u32 s0, $0xA;
	s2 =	sadd.s32 s3, s2  }
0x8d: {  	s2 =	sadd.s32 s2, s17  }
0x8e: {  	[smem:$0x3FC4] =	sst s2  }
0x8f: {  	_ = 	snop  }
0x90: {  	s2 =	sld [smem:$0x3FD0];
	(tm) =	ssettm $0x1  }
0x91: {  	s18 =	sld [smem:$0x3FFB];
	_ =	sdelay $0x3  }
0x92: {  	_ =	strace s18  }
0x93: {  	s3 =	sld [smem:$0x3FFC];
	_ =	sdelay $0x3  }
0x94: {  	_ =	strace s3  }
0x95: {  	s3 =	sld [smem:$0x3FFD];
	_ =	sdelay $0x3  }
0x96: {  	_ =	strace s3  }
0x97: {  	_ =	strace $0x8FFFFFFF  }
0x98: {  	s19 =	sld [smem:$0x3FDB];
	_ =	sdelay $0x1  }
0x99: {  	s4 =	simm.s32 $_scs_section_size  }
0x9a: {  	s5 =	simm.s32 $_size__tile_overlayer_lowered;
	s6 =	simm.s32 $_tile_overlayer_lowered  }
0x9b: {  	s22 =	simm.s32 $0x1BFF;
	s21 =	sshll.u32 s6, $0x1;
	s3 =	sadd.s32 s4, s19  }
0x9c: {  	s7 =	simm.s32 $0x0;
	s20 =	sshll.u32 s5, $0x1;
	s5 =	sadd.s32 s21, s3  }
0x9d: {  	[timem:s7], [sflag:s22] =	dma.local [hbm:s5], s20  }
0x9e: {  	_ =	swait.ge [sflag:s22], s20  }
0x9f: {  	s4 =	ssub.s32 $0x0, s20;
	[sflag:s22] =	ssyncset.done $0x0  }
0xa0: {  	[sflag:s22] =	ssyncadd.s32 s4;
	_ =	sdelay $0x1  }
0xa1: {  	s23 =	simm.s32 $0x1B8B  }
0xa2: {  	_ =	swait.ge [sflag:s23], $0x1  }
0xa3: {  	[sflag:s23] =	ssyncset.done $0x0  }
0xa4: {  	s25 =	simm.s32 $0x1B8E;
	s24 =	sld [smem:$0x3FFE];
	[sflag:s23] =	ssyncadd.s32 $0xFFFFFFFF  }
0xa5: {  	s26 =	simm.s32 $execute0_lowered;
	[smem:$0x3FD2] =	sst s25  }
0xa6: {  	s5 =	sshll.u32 s26, $0x1;
	_ =	strace $0x80000049;
	[dreg:$0x1] =	wrdreg $0xFFFFFFFF  }
0xa7: {  	s28 =	simm.s32 $_size_execute0_lowered;
	s3 =	sadd.s32 s3, s5;
	[dreg:$0x0] =	wrdreg $0x0  }
0xa8: {  	s5 =	sshll.u32 s28, $0x1;
	[dreg:$0x2] =	wrdreg s3  }
0xa9: {  	[dreg:$0x3] =	wrdreg s5  }
0xaa: {  	[dreg:$0x4] =	wrdreg $0xC0  }
0xab: {  	_ =	task [dreg:s7], $0x5FFFF  }
0xac: {  	[dreg:$0x1] =	wrdreg $0xFFFFFFFF  }
0xad: {  	[dreg:$0x0] =	wrdreg $0x60  }
0xae: {  	[dreg:$0x2] =	wrdreg s24  }
0xaf: {  	[dreg:$0x3] =	wrdreg s2  }
0xb0: {  	[dreg:$0x4] =	wrdreg $0x0  }
0xb1: {  	[dreg:$0x5] =	wrdreg $0x9  }
0xb2: {  	_ =	task.clear_ibuf [dreg:s7], $0x6FFFF;
	_ =	strace $0x90000049  }
0xb3: {  	s29 =	simm.s32 $0x9;
	_ =	strace $0x8000004B  }
0xb4: {  	_ =	swait.ge [sflag:s29], $0x1  }
0xb5: {  	[sflag:s29] =	ssyncadd.s32 $0xFFFFFFFF  }
0xb6: {  	_ =	strace $0x9000004B  }
0xb7: {  	_ =	sfence  }
0xb8: {  	s30 =	sld [smem:$0x0];
	_ =	sdelay $0x2  }
0xb9: {  	s31 =	sshll.u32 s1, $0xD;
	s1 =	sshrl.u32 s1, $0x2  }
0xba: {  	s3 =	sand.u32 $0x4000, s31;
	s1 =	sadd.s32 s1, s30  }
0xbb: {  	s0 =	sor.u32 s3, s0;
	s1 =	sshll.u32 s1, $0x11  }
0xbc: {  	s0 =	sor.u32 s1, s0  }
0xbd: {  	s0 =	sadd.s32 $0x8F2B, s0  }
0xbe: {  	[sflag:s0] =	ssyncadd.remote.s32 $0x1  }
0xbf: {  	_ =	sfence.sel $0xFFFF  }
0xc0: {  	[dreg:$0x0] =	wrdreg $0xFFFFFFFF;
	(pc) =	sbr.abs _section_cstart, $3  }
0xc1: {  	[dreg:$0x1] =	wrdreg $0xFFFFFFFF  }
0xc2: {  	_ =	task.clear_ibuf [dreg:s7], $0x2FFFF;
	_ =	strace $0x9FFFFFFF  }
0xc3: {  	(tm) =	ssettm $0x7FFFFFFF  }
tec
execute0_lowered:
.L_overlay_start_1:
0x0: {  	(tag) =	ssettag $0x1  }
0x1: {  	s0 =	rddreg [dreg:$0x0]  }
0x2: {  	s1 =	rddreg [dreg:$0x1]  }
0x3: {  	s2 =	rddreg [dreg:$0x2];
	s3 =	srdreg.scid;
	s23 =	simm.s32 $0x0  }
0x4: {  	s9 =	stileid.u32;
	s28 =	simm.s32 $0xD;
	s29 =	simm.s32 $0x14300  }
0x5: {  	s3 =	sand.u32 $0x1, s3;
	[smem:$0x7FF] =	sst s23;
	s7 =	smul.u32 $0x2800, s9  }
0x6: {  	s5 =	sadd.s32 $0x1600, s0;
	s6 =	sadd.s32 $0x9600, s0;
	s17 =	smul.u32 $0x50000, s9  }
0x7: {  	s8 =	sshll.u32 s9, $0xB;
	s9 =	simm.s32 $0xA0;
	s4 =	smul.u32 $0x28000, s3  }
0x8: {  	_ =	strace $0x8000004A;
	s31 =	ssub.s32 $0x2, s3;
	s15 =	smul.u32 $0x2710, s3  }
0x9: {  	s11 =	sor.u32 $0x10, s8;
	s12 =	sadd.s32 s5, s8;
	s13 =	sadd.s32 s6, s8  }
0xa: {  	s16 =	sor.u32 $0x20, s8;
	s19 =	sor.u32 $0x30, s8;
	[dreg:$0x5] =	wrdreg s12  }
0xb: {  	s10 =	sshrl.u32 s31, $0x1;
	[dreg:$0x6] =	wrdreg s13;
	s14 =	sadd.s32 s5, s11  }
0xc: {  	s3 =	sadd.s32 s6, s11;
	s18 =	sadd.s32 s5, s16;
	s20 =	sadd.s32 s5, s19  }
0xd: {  	s21 =	sshrl.u32 s17, $0x2;
	s11 =	simm.s32 $0x19800;
	[dreg:$0x7] =	wrdreg s14  }
0xe: {  	s12 =	simm.s32 $0x1;
	s13 =	simm.s32 $0x7;
	[dreg:$0x8] =	wrdreg s3  }
0xf: {  	s17 =	simm.s32 $0x2;
	s4 =	sadd.s32 s7, s4;
	[dreg:$0x9] =	wrdreg s18  }
0x10: {  	s3 =	sadd.s32 s6, s16;
	[dreg:$0xb] =	wrdreg s20;
	s26 =	sadd.s32 s21, s2  }
0x11: {  	s14 =	simm.s32 $0xB;
	s16 =	simm.s32 $0x5;
	s18 =	simm.s32 $0x8  }
0x12: {  	v0 =	vmov s15;
	s20 =	simm.s32 $0x6;
	s21 =	simm.s32 $0x9;
	s15 =	simm.s32 $0xA  }
0x13: {  	s0 =	sadd.s32 s4, s0;
	s4 =	ssub.s32 s31, s10;
	[dreg:$0xa] =	wrdreg s3  }
0x14: {  	s3 =	sadd.s32 s6, s19;
	s24 =	sadd.s32 $0x5000, s26;
	[dreg:$0xd] =	wrdreg s26  }
0x15: {  	s25 =	sadd.s32 $0xA000, s26;
	s30 =	sadd.s32 $0xF000, s26;
	[dreg:$0xc] =	wrdreg s3  }
0x16: {  	s31 =	sor.u32 $0x80, s8;
	s8 =	simm.s32 $0x3;
	[dreg:$0x10] =	wrdreg s24  }
.Ltmp0:
0x17: {  	s10 =	simm.s32 $0x4;
	[dreg:$0x11] =	wrdreg s25;
	(pc) =	sbr.rel .LBB2_1-.Ltmp0, $4  }
0x18: {  	s19 =	simm.s32 $0xC;
	s0 =	sadd.s32 $0x11600, s0;
	[dreg:$0x12] =	wrdreg s30  }
0x19: {  	s22 =	smax.u32 s4, $0x1;
	[dreg:$0x13] =	wrdreg s31;
	s24 =	simm.s32 $0x80  }
0x1a: {  	s25 =	simm.s32 $0x400;
	s3 =	simm.s32 $0x14600;
	[dreg:$0xe] =	wrdreg s0  }
0x1b: {  	v1 =	vimm.f32 $0.0e+00;
	[dreg:$0xf] =	wrdreg s22;
	s22 =	simm.s32 $0x14800;
	s0 =	simm.s32 $0x14200  }
.LBB2_6:
0x1c: {  	_ =	swait.ge [sflag:s17], $0x5000  }
0x1d: {  	[sflag:s17] =	ssyncset.done $0x0  }
0x1e: {  	[sflag:s17] =	ssyncadd.s32 $0xFFFFB000  }
0x1f: {  	_ =	swait.ge [sflag:s15], $0x100  }
0x20: {  	[sflag:s15] =	ssyncset.done $0x0  }
0x21: {  	s0 =	simm.s32 $0x14700;
	[sflag:s15] =	ssyncadd.s32 $0xFFFFFF00  }
0x22: {  	[spmem:s2] =	stream.indirect.scatter.add.f32 [tilespmem:s11], [sflag:$0xC], $0x80, s0, s9, $0xb8;
	[tilespmem:$0x1E800] =	vst v63  }
0x23: {  	_ =	swait.ge [sflag:s14], $0x5000  }
0x24: {  	[sflag:s14] =	ssyncset.done $0x0  }
0x25: {  	[sflag:s14] =	ssyncadd.s32 $0xFFFFB000  }
0x26: {  	_ =	swait.ge [sflag:s19], $0x5000  }
0x27: {  	[sflag:s19] =	ssyncset.done $0x0  }
0x28: {  	[sflag:s19] =	ssyncadd.s32 $0xFFFFB000  }
0x29: {  	s4 =	stileid.u32;
	[bflag:$0x0] =	sbarrier.arrive $0xFFFF  }
0x2a: {  	s4 =	sshll.u32 s4, $0x6;
	s26 =	rddreg [dreg:$0xd]  }
0x2b: {  	s4 =	sor.u32 $0x1C0D, s4;
	s28 =	rddreg [dreg:$0xe];
	s23 =	sshrl.u32 s26, $0x3  }
0x2c: {  	[hbm:s28], [sflag:s4] =	dma.local [spmem:s23], $0x2800  }
0x2d: {  	s28 =	simm.s32 $0xD  }
0x2e: {  	_ =	swait.ge [sflag:s28], $0x2800  }
0x2f: {  	s30 =	rddreg [dreg:$0x4]  }
0x30: {  	s31 =	rddreg [dreg:$0xf];
	s23 =	sadd.s32 $0x1, s30  }
0x31: {  	p0 =	sne.s32 s23, s31  }
.Ltmp1:
0x32: {  	_ = 	snop;
	(pc) =	sbr.rel @!p0 .LBB2_7-.Ltmp1, $3  }
0x33: {  	_ =	sdelay $0x1  }
0x34: {  	[sflag:s28] =	ssyncset.done $0x0  }
0x35: {  	s0 =	simm.s32 $0x14200;
	[sflag:s28] =	ssyncadd.s32 $0xFFFFD800  }
.LBB2_1:
0x36: {  	[dreg:$0x4] =	wrdreg s23;
	s4 =	simm.s32 $0x0;
	s23 =	simm.s32 $0x200  }
.LBB2_2:
0x37: {  	p0 =	sne.s32 s23, $0x13E00;
	[tilespmem:s4+$0x14870] =	vst v1  }
0x38: {  	[tilespmem:s4+$0x14800] =	vst v1  }
0x39: {  	[tilespmem:s4+$0x14810] =	vst v1  }
.Ltmp2:
0x3a: {  	[tilespmem:s4+$0x14820] =	vst v1;
	(pc) =	sbr.rel @p0 .LBB2_2-.Ltmp2, $4  }
0x3b: {  	[tilespmem:s4+$0x14830] =	vst v1  }
0x3c: {  	[tilespmem:s4+$0x14840] =	vst v1  }
0x3d: {  	[tilespmem:s4+$0x14850] =	vst v1  }
0x3e: {  	[tilespmem:s4+$0x14860] =	vst v1;
	s4 =	sshra.s32 s23, $0x2;
	s23 =	sadd.s32 $0x200, s23  }
0x3f: {  	[tilespmem:s4+$0x14870] =	vst v1  }
0x40: {  	[tilespmem:s4+$0x14800] =	vst v1  }
0x41: {  	[tilespmem:s4+$0x14810] =	vst v1  }
0x42: {  	[tilespmem:s4+$0x14820] =	vst v1  }
0x43: {  	[tilespmem:s4+$0x14830] =	vst v1  }
0x44: {  	[tilespmem:s4+$0x14840] =	vst v1  }
0x45: {  	[tilespmem:s4+$0x14850] =	vst v1  }
0x46: {  	[tilespmem:s4+$0x14860] =	vst v1  }
0x47: {  	[spmem:s26] =	stream.linear.scatter [tilespmem:s22], [sflag:$0xD], $0x5000, $0x38;
	[tilespmem:$0x1E800] =	vst v63  }
0x48: {  	_ =	swait.ge [sflag:s28], $0x5000  }
0x49: {  	[sflag:s28] =	ssyncset.done $0x0  }
0x4a: {  	s31 =	rddreg [dreg:$0x10];
	[sflag:s28] =	ssyncadd.s32 $0xFFFFB000  }
0x4b: {  	[spmem:s31] =	stream.linear.scatter [tilespmem:s22], [sflag:$0xD], $0x5000, $0x38;
	[tilespmem:$0x1E800] =	vst v63  }
0x4c: {  	_ =	swait.ge [sflag:s28], $0x5000  }
0x4d: {  	[sflag:s28] =	ssyncset.done $0x0  }
0x4e: {  	s7 =	rddreg [dreg:$0x11];
	[sflag:s28] =	ssyncadd.s32 $0xFFFFB000  }
0x4f: {  	[spmem:s7] =	stream.linear.scatter [tilespmem:s22], [sflag:$0xD], $0x5000, $0x38;
	[tilespmem:$0x1E800] =	vst v63  }
0x50: {  	_ =	swait.ge [sflag:s28], $0x5000  }
0x51: {  	[sflag:s28] =	ssyncset.done $0x0  }
0x52: {  	s23 =	rddreg [dreg:$0x12];
	[sflag:s28] =	ssyncadd.s32 $0xFFFFB000  }
0x53: {  	[spmem:s23] =	stream.linear.scatter [tilespmem:s22], [sflag:$0xD], $0x5000, $0x38;
	[tilespmem:$0x1E800] =	vst v63  }
0x54: {  	_ =	swait.ge [sflag:s28], $0x5000  }
0x55: {  	[sflag:s28] =	ssyncset.done $0x0  }
0x56: {  	[sflag:s28] =	ssyncadd.s32 $0xFFFFB000  }
0x57: {  	[bflag:$0x0] =	sbarrier.arrive $0xFFFF  }
0x58: {  	s23 =	simm.s32 $0x14000;
	s26 =	rddreg [dreg:$0x5]  }
0x59: {  	[tilespmem:s23], [sflag:$0x3] =	stream.strided.gather [hbm4b:s26+s24], $0x100, s25, s24, $0x38;
	[tilespmem:$0x1E800] =	vst v63  }
0x5a: {  	s30 =	simm.s32 $0x14400;
	s28 =	rddreg [dreg:$0x6]  }
0x5b: {  	[tilespmem:s30], [sflag:$0x7] =	stream.strided.gather [hbm4b:s28+s24], $0x100, s25, s24, $0x38;
	[tilespmem:$0x1E800] =	vst v63  }
0x5c: {  	s31 =	rddreg [dreg:$0x7];
	s26 =	simm.s32 $0x14100  }
0x5d: {  	[tilespmem:s26], [sflag:$0x4] =	stream.strided.gather [hbm4b:s31+s24], $0x100, s25, s24, $0x38;
	[tilespmem:$0x1E800] =	vst v63  }
0x5e: {  	s7 =	rddreg [dreg:$0x8];
	s30 =	simm.s32 $0x14500  }
0x5f: {  	[tilespmem:s30], [sflag:$0x8] =	stream.strided.gather [hbm4b:s7+s24], $0x100, s25, s24, $0x38;
	[tilespmem:$0x1E800] =	vst v63  }
0x60: {  	s31 =	rddreg [dreg:$0x9]  }
0x61: {  	[tilespmem:s0], [sflag:$0x5] =	stream.strided.gather [hbm4b:s31+s24], $0x100, s25, s24, $0x38;
	[tilespmem:$0x1E800] =	vst v63  }
0x62: {  	s7 =	rddreg [dreg:$0xa]  }
0x63: {  	[tilespmem:s3], [sflag:$0x9] =	stream.strided.gather [hbm4b:s7+s24], $0x100, s25, s24, $0x38;
	[tilespmem:$0x1E800] =	vst v63  }
0x64: {  	s28 =	rddreg [dreg:$0xb]  }
0x65: {  	[tilespmem:s29], [sflag:$0x6] =	stream.strided.gather [hbm4b:s28+s24], $0x100, s25, s24, $0x38;
	[tilespmem:$0x1E800] =	vst v63  }
0x66: {  	s30 =	rddreg [dreg:$0xc];
	s31 =	simm.s32 $0x14700  }
0x67: {  	[tilespmem:s31], [sflag:$0xA] =	stream.strided.gather [hbm4b:s30+s24], $0x100, s25, s24, $0x38;
	[tilespmem:$0x1E800] =	vst v63  }
0x68: {  	_ =	swait.ge [sflag:s8], $0x100  }
0x69: {  	[sflag:s8] =	ssyncset.done $0x0  }
0x6a: {  	[sflag:s8] =	ssyncadd.s32 $0xFFFFFF00  }
0x6b: {  	v2 =	vld [tilespmem:$0x14000]  }
0x6c: {  	v3 =	vld [tilespmem:$0x14010]  }
0x6d: {  	v4 =	vld [tilespmem:$0x14020]  }
0x6e: {  	v5 =	vld [tilespmem:$0x14030]  }
0x6f: {  	v6 =	vld [tilespmem:$0x14040]  }
0x70: {  	v7 =	vld [tilespmem:$0x14050];
	v2 =	vadd.s32 v0, v2  }
0x71: {  	[tilespmem:$0x14000] =	vst v2;
	v2 =	vadd.s32 v0, v3;
	v3 =	vld [tilespmem:$0x14060]  }
0x72: {  	v54 =	vld [tilespmem:$0x14070];
	[tilespmem:$0x14010] =	vst v2;
	v2 =	vadd.s32 v0, v4  }
0x73: {  	v55 =	vld [tilespmem:$0x14080];
	[tilespmem:$0x14020] =	vst v2;
	v2 =	vadd.s32 v0, v5  }
0x74: {  	v56 =	vld [tilespmem:$0x14090];
	[tilespmem:$0x14030] =	vst v2;
	v2 =	vadd.s32 v0, v6  }
0x75: {  	[tilespmem:$0x14040] =	vst v2;
	v2 =	vadd.s32 v0, v7  }
0x76: {  	[tilespmem:$0x14050] =	vst v2;
	v2 =	vadd.s32 v0, v3  }
0x77: {  	[tilespmem:$0x14060] =	vst v2;
	v2 =	vadd.s32 v0, v54  }
0x78: {  	[tilespmem:$0x14070] =	vst v2;
	v2 =	vadd.s32 v0, v55  }
0x79: {  	[tilespmem:$0x14080] =	vst v2;
	v2 =	vadd.s32 v0, v56  }
0x7a: {  	[tilespmem:$0x14090] =	vst v2  }
0x7b: {  	[tilespmem:s22], [sflag:$0x1] =	stream.indirect.gather [hbm4b:s1+s9], $0x80, s23, s9, $0xb8;
	[tilespmem:$0x1E800] =	vst v63  }
0x7c: {  	_ =	swait.ge [sflag:s10], $0x100  }
0x7d: {  	[sflag:s10] =	ssyncset.done $0x0  }
0x7e: {  	[sflag:s10] =	ssyncadd.s32 $0xFFFFFF00  }
0x7f: {  	v2 =	vld [tilespmem:$0x14100]  }
0x80: {  	v3 =	vld [tilespmem:$0x14110]  }
0x81: {  	v57 =	vld [tilespmem:$0x14120]  }
0x82: {  	v58 =	vld [tilespmem:$0x14130]  }
0x83: {  	v59 =	vld [tilespmem:$0x14140]  }
0x84: {  	v60 =	vld [tilespmem:$0x14150];
	v2 =	vadd.s32 v0, v2  }
0x85: {  	[tilespmem:$0x14100] =	vst v2;
	v2 =	vadd.s32 v0, v3;
	v3 =	vld [tilespmem:$0x14160]  }
0x86: {  	v61 =	vld [tilespmem:$0x14170];
	[tilespmem:$0x14110] =	vst v2;
	v2 =	vadd.s32 v0, v57  }
0x87: {  	v62 =	vld [tilespmem:$0x14180];
	[tilespmem:$0x14120] =	vst v2;
	v2 =	vadd.s32 v0, v58  }
0x88: {  	v63 =	vld [tilespmem:$0x14190];
	[tilespmem:$0x14130] =	vst v2;
	v2 =	vadd.s32 v0, v59  }
0x89: {  	[tilespmem:$0x14140] =	vst v2;
	v2 =	vadd.s32 v0, v60  }
0x8a: {  	[tilespmem:$0x14150] =	vst v2;
	v2 =	vadd.s32 v0, v3  }
0x8b: {  	[tilespmem:$0x14160] =	vst v2;
	v2 =	vadd.s32 v0, v61  }
0x8c: {  	[tilespmem:$0x14170] =	vst v2;
	v2 =	vadd.s32 v0, v62  }
0x8d: {  	s4 =	simm.s32 $0x70;
	s0 =	simm.s32 $0x14200;
	[tilespmem:$0x14180] =	vst v2;
	v2 =	vadd.s32 v0, v63  }
0x8e: {  	s3 =	simm.s32 $0x14600;
	s7 =	simm.s32 $0x14300;
	s23 =	rddreg [dreg:$0x13];
	[tilespmem:$0x14190] =	vst v2  }
0x8f: {  	[tilespmem:s11], [sflag:$0x2] =	stream.indirect.gather [hbm4b:s1+s9], $0x80, s26, s9, $0xb8;
	[tilespmem:$0x1E800] =	vst v63  }
.LBB2_4:
0x90: {  	_ =	swait.ge [sflag:s12], $0x5000  }
0x91: {  	[sflag:s12] =	ssyncset.done $0x0  }
0x92: {  	[sflag:s12] =	ssyncadd.s32 $0xFFFFB000  }
0x93: {  	_ =	swait.ge [sflag:s13], $0x100  }
0x94: {  	[sflag:s13] =	ssyncset.done $0x0  }
0x95: {  	s26 =	simm.s32 $0x14400;
	p0 =	seq.s32 s4, $0x430;
	[sflag:s13] =	ssyncadd.s32 $0xFFFFFF00  }
0x96: {  	[spmem:s2] =	stream.indirect.scatter.add.f32 [tilespmem:s22], [sflag:$0xB], $0x80, s26, s9, $0xb8;
	[tilespmem:$0x1E800] =	vst v63  }
0x97: {  	s28 =	sand.u32 @!p0 $0xFF00, s23;
	s26 =	sadd.s32 @!p0 $0xFFFFFFD0, s4  }
0x98: {  	s29 =	simm.s32 @!p0 $0x80;
	_ =	swait.ge [sflag:s14], $0x5000;
	s26 =	sand.u32 @!p0 $0x40, s26  }
0x99: {  	s30 =	simm.s32 @!p0 $0x400;
	[sflag:s14] =	ssyncset.done $0x0;
	s26 =	sor.u32 @!p0 s26, s28  }
0x9a: {  	s31 =	simm.s32 @!p0 $0x14000;
	[sflag:s14] =	ssyncadd.s32 $0xFFFFB000;
	s28 =	sadd.s32 @!p0 s5, s26  }
0x9b: {  	[tilespmem:s31], [sflag:$0x3] =	stream.strided.gather @!p0 [hbm4b:s28+s29], $0x100, s30, s29, $0x38;
	[tilespmem:$0x1E800] =	vst v63  }
0x9c: {  	s26 =	sadd.s32 @!p0 s6, s26;
	s28 =	simm.s32 @!p0 $0x14400  }
0x9d: {  	[tilespmem:s28], [sflag:$0x7] =	stream.strided.gather @!p0 [hbm4b:s26+s29], $0x100, s30, s29, $0x38;
	[tilespmem:$0x1E800] =	vst v63  }
0x9e: {  	_ =	swait.ge [sflag:s16], $0x100  }
0x9f: {  	[sflag:s16] =	ssyncset.done $0x0  }
0xa0: {  	[sflag:s16] =	ssyncadd.s32 $0xFFFFFF00  }
0xa1: {  	v2 =	vld [tilespmem:$0x14200]  }
0xa2: {  	v3 =	vld [tilespmem:$0x14210]  }
0xa3: {  	v4 =	vld [tilespmem:$0x14220]  }
0xa4: {  	v5 =	vld [tilespmem:$0x14230]  }
0xa5: {  	v6 =	vld [tilespmem:$0x14240]  }
0xa6: {  	v7 =	vld [tilespmem:$0x14250];
	v2 =	vadd.s32 v0, v2  }
0xa7: {  	[tilespmem:$0x14200] =	vst v2;
	v2 =	vadd.s32 v0, v3;
	v3 =	vld [tilespmem:$0x14260]  }
0xa8: {  	v54 =	vld [tilespmem:$0x14270];
	[tilespmem:$0x14210] =	vst v2;
	v2 =	vadd.s32 v0, v4  }
0xa9: {  	v55 =	vld [tilespmem:$0x14280];
	[tilespmem:$0x14220] =	vst v2;
	v2 =	vadd.s32 v0, v5  }
0xaa: {  	v56 =	vld [tilespmem:$0x14290];
	[tilespmem:$0x14230] =	vst v2;
	v2 =	vadd.s32 v0, v6  }
0xab: {  	[tilespmem:$0x14240] =	vst v2;
	v2 =	vadd.s32 v0, v7  }
0xac: {  	[tilespmem:$0x14250] =	vst v2;
	v2 =	vadd.s32 v0, v3  }
0xad: {  	[tilespmem:$0x14260] =	vst v2;
	v2 =	vadd.s32 v0, v54  }
0xae: {  	[tilespmem:$0x14270] =	vst v2;
	v2 =	vadd.s32 v0, v55  }
0xaf: {  	[tilespmem:$0x14280] =	vst v2;
	v2 =	vadd.s32 v0, v56  }
0xb0: {  	[tilespmem:$0x14290] =	vst v2  }
0xb1: {  	[tilespmem:s22], [sflag:$0x1] =	stream.indirect.gather [hbm4b:s1+s9], $0x80, s0, s9, $0xb8;
	[tilespmem:$0x1E800] =	vst v63  }
0xb2: {  	_ =	swait.ge [sflag:s17], $0x5000  }
0xb3: {  	[sflag:s17] =	ssyncset.done $0x0  }
0xb4: {  	[sflag:s17] =	ssyncadd.s32 $0xFFFFB000  }
0xb5: {  	_ =	swait.ge [sflag:s18], $0x100  }
0xb6: {  	s31 =	simm.s32 $0x14500;
	[sflag:s18] =	ssyncset.done $0x0  }
0xb7: {  	s26 =	sadd.s32 @!p0 $0x20, s23;
	s28 =	sadd.s32 @!p0 $0xFFFFFFE0, s4;
	[sflag:s18] =	ssyncadd.s32 $0xFFFFFF00  }
0xb8: {  	[spmem:s2] =	stream.indirect.scatter.add.f32 [tilespmem:s11], [sflag:$0xC], $0x80, s31, s9, $0xb8;
	[tilespmem:$0x1E800] =	vst v63  }
0xb9: {  	s26 =	sand.u32 @!p0 $0xFF00, s26;
	s28 =	sand.u32 @!p0 $0x50, s28;
	_ =	swait.ge [sflag:s19], $0x5000  }
0xba: {  	s26 =	sor.u32 @!p0 s28, s26;
	[sflag:s19] =	ssyncset.done $0x0  }
0xbb: {  	s28 =	sadd.s32 @!p0 s5, s26;
	s31 =	simm.s32 @!p0 $0x14100;
	[sflag:s19] =	ssyncadd.s32 $0xFFFFB000  }
0xbc: {  	[tilespmem:s31], [sflag:$0x4] =	stream.strided.gather @!p0 [hbm4b:s28+s29], $0x100, s30, s29, $0x38;
	[tilespmem:$0x1E800] =	vst v63  }
0xbd: {  	s26 =	sadd.s32 @!p0 s6, s26;
	s28 =	simm.s32 @!p0 $0x14500  }
0xbe: {  	[tilespmem:s28], [sflag:$0x8] =	stream.strided.gather @!p0 [hbm4b:s26+s29], $0x100, s30, s29, $0x38;
	[tilespmem:$0x1E800] =	vst v63  }
0xbf: {  	_ =	swait.ge [sflag:s20], $0x100  }
0xc0: {  	[sflag:s20] =	ssyncset.done $0x0  }
0xc1: {  	[sflag:s20] =	ssyncadd.s32 $0xFFFFFF00  }
0xc2: {  	v2 =	vld [tilespmem:$0x14300]  }
0xc3: {  	v3 =	vld [tilespmem:$0x14310]  }
0xc4: {  	v57 =	vld [tilespmem:$0x14320]  }
0xc5: {  	v58 =	vld [tilespmem:$0x14330]  }
0xc6: {  	v59 =	vld [tilespmem:$0x14340]  }
0xc7: {  	v60 =	vld [tilespmem:$0x14350];
	v2 =	vadd.s32 v0, v2  }
0xc8: {  	[tilespmem:$0x14300] =	vst v2;
	v2 =	vadd.s32 v0, v3;
	v3 =	vld [tilespmem:$0x14360]  }
0xc9: {  	v61 =	vld [tilespmem:$0x14370];
	[tilespmem:$0x14310] =	vst v2;
	v2 =	vadd.s32 v0, v57  }
0xca: {  	v62 =	vld [tilespmem:$0x14380];
	[tilespmem:$0x14320] =	vst v2;
	v2 =	vadd.s32 v0, v58  }
0xcb: {  	v63 =	vld [tilespmem:$0x14390];
	[tilespmem:$0x14330] =	vst v2;
	v2 =	vadd.s32 v0, v59  }
0xcc: {  	[tilespmem:$0x14340] =	vst v2;
	v2 =	vadd.s32 v0, v60  }
0xcd: {  	[tilespmem:$0x14350] =	vst v2;
	v2 =	vadd.s32 v0, v3  }
0xce: {  	[tilespmem:$0x14360] =	vst v2;
	v2 =	vadd.s32 v0, v61  }
0xcf: {  	[tilespmem:$0x14370] =	vst v2;
	v2 =	vadd.s32 v0, v62  }
0xd0: {  	[tilespmem:$0x14380] =	vst v2;
	v2 =	vadd.s32 v0, v63  }
0xd1: {  	[tilespmem:$0x14390] =	vst v2  }
0xd2: {  	[tilespmem:s11], [sflag:$0x2] =	stream.indirect.gather [hbm4b:s1+s9], $0x80, s7, s9, $0xb8;
	[tilespmem:$0x1E800] =	vst v63  }
0xd3: {  	_ =	swait.ge [sflag:s12], $0x5000  }
0xd4: {  	[sflag:s12] =	ssyncset.done $0x0  }
0xd5: {  	[sflag:s12] =	ssyncadd.s32 $0xFFFFB000  }
.Ltmp3:
0xd6: {  	_ =	swait.ge [sflag:s21], $0x100;
	(pc) =	sbr.rel @p0 .LBB2_6-.Ltmp3, $4  }
0xd7: {  	[sflag:s21] =	ssyncset.done $0x0  }
0xd8: {  	[sflag:s21] =	ssyncadd.s32 $0xFFFFFF00  }
0xd9: {  	[spmem:s2] =	stream.indirect.scatter.add.f32 [tilespmem:s22], [sflag:$0xB], $0x80, s3, s9, $0xb8;
	[tilespmem:$0x1E800] =	vst v63  }
0xda: {  	s29 =	simm.s32 $0x14300;
	s3 =	simm.s32 $0x14600  }
0xdb: {  	s26 =	sadd.s32 $0x40, s23;
	s28 =	sadd.s32 $0xFFFFFFF0, s4  }
0xdc: {  	_ =	swait.ge [sflag:s14], $0x5000;
	s26 =	sand.u32 $0xFF00, s26;
	s28 =	sand.u32 $0x60, s28  }
0xdd: {  	[sflag:s14] =	ssyncset.done $0x0;
	s26 =	sor.u32 s28, s26  }
0xde: {  	[sflag:s14] =	ssyncadd.s32 $0xFFFFB000;
	s28 =	sadd.s32 s5, s26  }
0xdf: {  	[tilespmem:s0], [sflag:$0x5] =	stream.strided.gather [hbm4b:s28+s24], $0x100, s25, s24, $0x38;
	[tilespmem:$0x1E800] =	vst v63  }
0xe0: {  	s26 =	sadd.s32 s6, s26  }
0xe1: {  	[tilespmem:s3], [sflag:$0x9] =	stream.strided.gather [hbm4b:s26+s24], $0x100, s25, s24, $0x38;
	[tilespmem:$0x1E800] =	vst v63  }
0xe2: {  	_ =	swait.ge [sflag:s8], $0x100  }
0xe3: {  	[sflag:s8] =	ssyncset.done $0x0  }
0xe4: {  	[sflag:s8] =	ssyncadd.s32 $0xFFFFFF00  }
0xe5: {  	v2 =	vld [tilespmem:$0x14000]  }
0xe6: {  	v3 =	vld [tilespmem:$0x14010]  }
0xe7: {  	v4 =	vld [tilespmem:$0x14020]  }
0xe8: {  	v5 =	vld [tilespmem:$0x14030]  }
0xe9: {  	v6 =	vld [tilespmem:$0x14040]  }
0xea: {  	v7 =	vld [tilespmem:$0x14050];
	v2 =	vadd.s32 v0, v2  }
0xeb: {  	[tilespmem:$0x14000] =	vst v2;
	v2 =	vadd.s32 v0, v3;
	v3 =	vld [tilespmem:$0x14060]  }
0xec: {  	v54 =	vld [tilespmem:$0x14070];
	[tilespmem:$0x14010] =	vst v2;
	v2 =	vadd.s32 v0, v4  }
0xed: {  	v55 =	vld [tilespmem:$0x14080];
	[tilespmem:$0x14020] =	vst v2;
	v2 =	vadd.s32 v0, v5  }
0xee: {  	v56 =	vld [tilespmem:$0x14090];
	[tilespmem:$0x14030] =	vst v2;
	v2 =	vadd.s32 v0, v6  }
0xef: {  	[tilespmem:$0x14040] =	vst v2;
	v2 =	vadd.s32 v0, v7  }
0xf0: {  	[tilespmem:$0x14050] =	vst v2;
	v2 =	vadd.s32 v0, v3  }
0xf1: {  	[tilespmem:$0x14060] =	vst v2;
	v2 =	vadd.s32 v0, v54  }
0xf2: {  	[tilespmem:$0x14070] =	vst v2;
	v2 =	vadd.s32 v0, v55  }
0xf3: {  	[tilespmem:$0x14080] =	vst v2;
	v2 =	vadd.s32 v0, v56  }
0xf4: {  	s3 =	simm.s32 $0x14000;
	[tilespmem:$0x14090] =	vst v2  }
0xf5: {  	[tilespmem:s22], [sflag:$0x1] =	stream.indirect.gather [hbm4b:s1+s9], $0x80, s3, s9, $0xb8;
	[tilespmem:$0x1E800] =	vst v63  }
0xf6: {  	_ =	swait.ge [sflag:s17], $0x5000  }
0xf7: {  	[sflag:s17] =	ssyncset.done $0x0  }
0xf8: {  	[sflag:s17] =	ssyncadd.s32 $0xFFFFB000  }
0xf9: {  	_ =	swait.ge [sflag:s15], $0x100  }
0xfa: {  	[sflag:s15] =	ssyncset.done $0x0  }
0xfb: {  	s7 =	simm.s32 $0x14700;
	s28 =	sadd.s32 $0x60, s23;
	[sflag:s15] =	ssyncadd.s32 $0xFFFFFF00  }
0xfc: {  	[spmem:s2] =	stream.indirect.scatter.add.f32 [tilespmem:s11], [sflag:$0xC], $0x80, s7, s9, $0xb8;
	[tilespmem:$0x1E800] =	vst v63  }
0xfd: {  	s30 =	sand.u32 $0x70, s4;
	s26 =	sand.u32 $0xFF00, s28;
	_ =	swait.ge [sflag:s19], $0x5000  }
0xfe: {  	s26 =	sor.u32 s30, s26;
	[sflag:s19] =	ssyncset.done $0x0  }
0xff: {  	s28 =	sadd.s32 s5, s26;
	[sflag:s19] =	ssyncadd.s32 $0xFFFFB000  }
0x100: {  	[tilespmem:s29], [sflag:$0x6] =	stream.strided.gather [hbm4b:s28+s24], $0x100, s25, s24, $0x38;
	[tilespmem:$0x1E800] =	vst v63  }
0x101: {  	s26 =	sadd.s32 s6, s26  }
0x102: {  	[tilespmem:s7], [sflag:$0xA] =	stream.strided.gather [hbm4b:s26+s24], $0x100, s25, s24, $0x38;
	[tilespmem:$0x1E800] =	vst v63  }
0x103: {  	_ =	swait.ge [sflag:s10], $0x100  }
0x104: {  	[sflag:s10] =	ssyncset.done $0x0  }
0x105: {  	[sflag:s10] =	ssyncadd.s32 $0xFFFFFF00  }
0x106: {  	v2 =	vld [tilespmem:$0x14100]  }
0x107: {  	v3 =	vld [tilespmem:$0x14110]  }
0x108: {  	v57 =	vld [tilespmem:$0x14120]  }
0x109: {  	v58 =	vld [tilespmem:$0x14130]  }
0x10a: {  	v59 =	vld [tilespmem:$0x14140]  }
0x10b: {  	v60 =	vld [tilespmem:$0x14150];
	v2 =	vadd.s32 v0, v2  }
0x10c: {  	[tilespmem:$0x14100] =	vst v2;
	v2 =	vadd.s32 v0, v3;
	v3 =	vld [tilespmem:$0x14160]  }
0x10d: {  	v61 =	vld [tilespmem:$0x14170];
	[tilespmem:$0x14110] =	vst v2;
	v2 =	vadd.s32 v0, v57  }
0x10e: {  	v62 =	vld [tilespmem:$0x14180];
	[tilespmem:$0x14120] =	vst v2;
	v2 =	vadd.s32 v0, v58  }
0x10f: {  	v63 =	vld [tilespmem:$0x14190];
	[tilespmem:$0x14130] =	vst v2;
	v2 =	vadd.s32 v0, v59  }
0x110: {  	[tilespmem:$0x14140] =	vst v2;
	v2 =	vadd.s32 v0, v60  }
0x111: {  	[tilespmem:$0x14150] =	vst v2;
	v2 =	vadd.s32 v0, v3  }
.Ltmp4:
0x112: {  	[tilespmem:$0x14160] =	vst v2;
	v2 =	vadd.s32 v0, v61;
	(pc) =	sbr.rel .LBB2_4-.Ltmp4, $4  }
0x113: {  	[tilespmem:$0x14170] =	vst v2;
	v2 =	vadd.s32 v0, v62  }
0x114: {  	s31 =	simm.s32 $0x14100;
	s4 =	sadd.s32 $0x40, s4;
	[tilespmem:$0x14180] =	vst v2;
	v2 =	vadd.s32 v0, v63  }
0x115: {  	s23 =	sadd.s32 $0x80, s23;
	s3 =	simm.s32 $0x14600;
	s7 =	simm.s32 $0x14300;
	[tilespmem:$0x14190] =	vst v2  }
0x116: {  	[tilespmem:s11], [sflag:$0x2] =	stream.indirect.gather [hbm4b:s1+s9], $0x80, s31, s9, $0xb8;
	[tilespmem:$0x1E800] =	vst v63  }
.LBB2_7:
0x117: {  	_ =	sfence.sel $0x180000  }
0x118: {  	[bflag:$0x0] =	sbarrier.arrive $0xFFFF  }
0x119: {  	_ =	strace $0x9000004A  }
0x11a: {  	s0 =	stileid.u32;
	[bflag:$0x2] =	sbarrier.arrive $0xFFFF  }
0x11b: {  	p0 =	sne.s32 s0, $0x0;
	s0 =	rddreg [dreg:$0x3]  }
0x11c: {  	s0 =	sadd.s32 @!p0 $0x100000, s0  }
0x11d: {  	[sflag:s0] =	ssyncadd.tile.s32 @!p0 $0x1;
	_ =	shalt  }
.Lfunc_end2:
_tile_overlayer_lowered:
.L_overlay_start_2:
0x11e: {  	(tag) =	ssettag $0x2  }
0x11f: {  	s0 =	rddreg [dreg:$0x0];
	s2 =	stileid.u32  }
0x120: {  	s1 =	rddreg [dreg:$0x1];
	p0 =	sne.s32 s2, $0x0  }
0x121: {  	s3 =	rddreg [dreg:$0x2];
	[bflag:$0x3] =	sbarrier.arrive $0xFFFF;
	s2 =	simm.s32 @!p0 $0x1C0D  }
0x122: {  	[timem:s3], [sflag:s2] =	dma.local @!p0 [hbm:s0], s1  }
0x123: {  	s0 =	simm.s32 @!p0 $0xD  }
0x124: {  	_ =	swait.ge @!p0 [sflag:s0], s1  }
0x125: {  	s1 =	ssub.s32 @!p0 $0x0, s1;
	[sflag:s0] =	ssyncset.done @!p0 $0x0  }
0x126: {  	[sflag:s0] =	ssyncadd.s32 @!p0 s1  }
0x127: {  	[bflag:$0x3] =	sbarrier.arrive $0xFFFF  }
0x128: {  	_ =	shalt  }

</sc_bundles>
